<compile_context>
chip_gen: v7x
topology: tpu7x:2x2x1
jax: 0.10.2.dev20260603
libtpu: 0.0.44.dev20260713+nightly
codegen_flags: <defaults>
</compile_context>

<pallas_src>
import functools

import jax
import jax.numpy as jnp
from jax import lax
from jax.experimental import pallas as pl
from jax.experimental.pallas import tpu as pltpu
from jax.experimental.pallas import tpu_sc as plsc

B = 1024
C_IN = 26
C_OUT = 36
NM = 1024
NC, NS, L = 2, 16, 16
NW = NC * NS
R_PER_W = NM // NW
RSUB = 8
BSUB = 128
NBLK_R = R_PER_W // RSUB
NBLK_B = B // BSUB
NITER = NBLK_R * NBLK_B
NVEC = (RSUB * BSUB) // L
VPR = BSUB // L
NBUF = 3
GEN_OFF = 28.0
OCC_OFF = 32.0
CTAB = 200

PASS_OUT = ((0, 0, 18), (19, 18, 2), (24, 34, 2))


def _fire_in(x_hbm, in_v, k, rs, bs, sem):
    pltpu.make_async_copy(x_hbm.at[:, rs, bs], in_v.at[k], sem).start()


def _wait_in(x_hbm, in_v, k, rs, bs, sem):
    pltpu.make_async_copy(x_hbm.at[:, rs, bs], in_v.at[k], sem).wait()


def _fire_out(out_hbm, emb_v, in_v, k, rs, bs, sem):
    pltpu.make_async_copy(emb_v.at[k], out_hbm.at[pl.ds(20, 14), rs, bs], sem).start()
    for sc0, dc0, n in PASS_OUT:
        pltpu.make_async_copy(in_v.at[k, pl.ds(sc0, n)],
                              out_hbm.at[pl.ds(dc0, n), rs, bs], sem).start()


def _drain_out(out_hbm, emb_v, in_v, k, rs, bs, sem):
    pltpu.make_async_copy(emb_v.at[k], out_hbm.at[pl.ds(20, 14), rs, bs], sem).wait()
    for sc0, dc0, n in PASS_OUT:
        pltpu.make_async_copy(in_v.at[k, pl.ds(sc0, n)],
                              out_hbm.at[pl.ds(dc0, n), rs, bs], sem).wait()


def _block_slices(base_r, t):
    rs = pl.ds(base_r + (t // NBLK_B) * RSUB, RSUB)
    bs = pl.ds((t % NBLK_B) * BSUB, BSUB)
    return rs, bs


def _sc_body(x_hbm, ctab_hbm, out_hbm, ctab_v, in_v, emb_v,
             si0, si1, si2, so0, so1, so2):
    si = (si0, si1, si2)
    so = (so0, so1, so2)
    c = lax.axis_index("c")
    s = lax.axis_index("s")
    wid = s * NC + c
    base_r = wid * R_PER_W

    pltpu.sync_copy(ctab_hbm, ctab_v)

    rs0, bs0 = _block_slices(base_r, 0)
    _fire_in(x_hbm, in_v, 0, rs0, bs0, si[0])

    def compute(k):
        @plsc.parallel_loop(0, NVEC, 1, unroll=8)
        def per_vec(v):
            r = v // VPR
            sl = pl.ds((v % VPR) * L, L)
            av = in_v[k, 21, r, sl]
            gv = in_v[k, 22, r, sl]
            ov = in_v[k, 23, r, sl]
            ab = (av * 4.0).astype(jnp.int32)
            gb = (gv * 2.0 + GEN_OFF).astype(jnp.int32)
            ob = (ov * 8.0 + OCC_OFF).astype(jnp.int32)
            emb_v[k, 0, r, sl] = plsc.load_gather(ctab_v, [ab])
            for d in range(1, 4):
                emb_v[k, d, r, sl] = plsc.load_gather(ctab_v, [ab + d])
            emb_v[k, 4, r, sl] = plsc.load_gather(ctab_v, [gb])
            emb_v[k, 5, r, sl] = plsc.load_gather(ctab_v, [gb + 1])
            emb_v[k, 6, r, sl] = plsc.load_gather(ctab_v, [ob])
            for d in range(1, 8):
                emb_v[k, 6 + d, r, sl] = plsc.load_gather(ctab_v, [ob + d])

    def per_turn(g, carry):
        for k in range(NBUF):
            t = g * NBUF + k

            k2 = (k + 1) % NBUF

            @pl.when(jnp.logical_and(t >= 2, t - 2 < NITER))
            def _():
                rs, bs = _block_slices(base_r, t - 2)
                _drain_out(out_hbm, emb_v, in_v, k2, rs, bs, so[k2])

            @pl.when(t + 1 < NITER)
            def _():
                rs, bs = _block_slices(base_r, t + 1)
                _fire_in(x_hbm, in_v, k2, rs, bs, si[k2])

            @pl.when(t < NITER)
            def _():
                rs, bs = _block_slices(base_r, t)
                _wait_in(x_hbm, in_v, k, rs, bs, si[k])
                compute(k)
                _fire_out(out_hbm, emb_v, in_v, k, rs, bs, so[k])

        return carry

    lax.fori_loop(0, (NITER + NBUF) // NBUF, per_turn, 0)


@jax.jit
def kernel(x, age_table, gender_table, occupation_table):
    x_t = jnp.transpose(x.reshape(B, C_IN, NM), (1, 2, 0))
    ctab = jnp.concatenate([age_table.reshape(-1), gender_table.reshape(-1),
                            occupation_table.reshape(-1)])
    mesh = plsc.VectorSubcoreMesh(core_axis_name="c", subcore_axis_name="s",
                                  num_cores=NC, num_subcores=NS)
    out_t = pl.kernel(
        _sc_body,
        out_type=jax.ShapeDtypeStruct((C_OUT, NM, B), jnp.float32),
        mesh=mesh,
        scratch_types=[
            pltpu.VMEM((CTAB,), jnp.float32),
            pltpu.VMEM((NBUF, C_IN, RSUB, BSUB), jnp.float32),
            pltpu.VMEM((NBUF, 14, RSUB, BSUB), jnp.float32),
            pltpu.SemaphoreType.DMA,
            pltpu.SemaphoreType.DMA,
            pltpu.SemaphoreType.DMA,
            pltpu.SemaphoreType.DMA,
            pltpu.SemaphoreType.DMA,
            pltpu.SemaphoreType.DMA,
        ],
        compiler_params=pltpu.CompilerParams(use_tc_tiling_on_sc=True,
                                             needs_layout_passes=False),
    )(x_t, ctab)
    return jnp.transpose(out_t, (2, 0, 1)).reshape(B, C_OUT, 32, 32)

# --- scband reference (transcript-rebuilt; emitter-appended) ---
"""Pipeline reference for scband-movie-lens-feature-emb-8426725835240 (READ-ONLY COPY).

The authoritative reference and input builder live on the scoring server;
editing this copy changes nothing except your own understanding.
"""

import jax, jax.numpy as jnp
import numpy as np

B, N, M = 1024, 32, 32
AGE_DIM, GENDER_DIM, OCC_DIM = 4, 2, 8
N_AGE, N_GENDER, N_OCC = 7, 2, 21


def setup_inputs(seed: int = 0) -> dict:
    key = jax.random.key(seed)
    ks = jax.random.split(key, 7)
    x = jax.random.uniform(ks[0], (B, 26, N, M), dtype=jnp.float32)
    age = jax.random.randint(ks[1], (B, N, M), 0, N_AGE).astype(jnp.float32)
    gender = jax.random.randint(ks[2], (B, N, M), 0, N_GENDER).astype(jnp.float32)
    occ = jax.random.randint(ks[3], (B, N, M), 0, N_OCC).astype(jnp.float32)
    x = x.at[:, 21].set(age).at[:, 22].set(gender).at[:, 23].set(occ)
    age_table = jax.random.normal(ks[4], (N_AGE, AGE_DIM), dtype=jnp.float32)
    gender_table = jax.random.normal(ks[5], (N_GENDER, GENDER_DIM), dtype=jnp.float32)
    occupation_table = jax.random.normal(ks[6], (N_OCC, OCC_DIM), dtype=jnp.float32)
    return {"x": x, "age_table": age_table, "gender_table": gender_table, "occupation_table": occupation_table}


def reference(x, age_table, gender_table, occupation_table):
    # Faithful translation of MovieLensFeatureEmb.forward (add_genres=True path;
    # note: genre_embedding / collapse_genres is defined but never applied in the
    # original forward; raw genre channels x[:,1:18] are passed through).
    rating_embeds = x[:, 0:1]
    genre_embeds = x[:, 1:18]
    movie_review_embeds = x[:, 19:21]
    user_review_embeds = x[:, 24:26]
    age_idx = x[:, 21].astype(jnp.int32)
    gender_idx = x[:, 22].astype(jnp.int32)
    occ_idx = x[:, 23].astype(jnp.int32)
    # embedding lookup [b,n,m,e] -> rearrange 'b n m e -> b e n m'
    age_embeds = jnp.transpose(jnp.take(age_table, age_idx, axis=0), (0, 3, 1, 2))
    gender_embeds = jnp.transpose(jnp.take(gender_table, gender_idx, axis=0), (0, 3, 1, 2))
    occupation_embeds = jnp.transpose(jnp.take(occupation_table, occ_idx, axis=0), (0, 3, 1, 2))
    full_embeds = jnp.concatenate([
        rating_embeds, genre_embeds, movie_review_embeds,
        age_embeds, gender_embeds, occupation_embeds, user_review_embeds
    ], axis=1)
    assert full_embeds.shape[1] == 4 + 2 + 8 + 8 + 14  # embed_dim = 36
    return full_embeds

if __name__ == "__main__":
    import jax
    _d = setup_inputs()
    print(jax.jit(kernel)(*tuple(_d.values())))

</pallas_src>

<mosaic_0001>
#map = affine_map<(d0, d1) -> (0, 0, 0)>
#map1 = affine_map<(d0, d1) -> (0)>
module attributes {stable_mosaic.version = 14 : i64} {
  func.func @_sc_body(%arg0: i32, %arg1: i32, %arg2: memref<26x1024x1024xf32, #tpu.memory_space<hbm>>, %arg3: memref<200xf32, #tpu.memory_space<hbm>>, %arg4: memref<36x1024x1024xf32, #tpu.memory_space<hbm>>, %arg5: memref<200xf32, #tpu.memory_space<vmem>>, %arg6: memref<3x26x8x128xf32, #tpu.memory_space<vmem>>, %arg7: memref<3x14x8x128xf32, #tpu.memory_space<vmem>>, %arg8: memref<!tpu.dma_semaphore, #tpu.memory_space<semaphore_mem>>, %arg9: memref<!tpu.dma_semaphore, #tpu.memory_space<semaphore_mem>>, %arg10: memref<!tpu.dma_semaphore, #tpu.memory_space<semaphore_mem>>, %arg11: memref<!tpu.dma_semaphore, #tpu.memory_space<semaphore_mem>>, %arg12: memref<!tpu.dma_semaphore, #tpu.memory_space<semaphore_mem>>, %arg13: memref<!tpu.dma_semaphore, #tpu.memory_space<semaphore_mem>>) attributes {dimension_semantics = [#tpu.dimension_semantics<core_parallel>, #tpu.dimension_semantics<subcore_parallel>], iteration_bounds = array<i64: 2, 16>, scalar_prefetch = 0 : i64, scratch_operands = 9 : i64, tpu.core_type = #tpu.core_type<sc_vector_subcore>, window_params = [{transform_indices = #map}, {transform_indices = #map1}, {transform_indices = #map}]} {
    %mul3A = arith.constant 2 : i32
    %mul3A_0 = arith.muli %arg1, %mul3A : i32
    %add3A = arith.addi %mul3A_0, %arg0 : i32
    %mul3A_1 = arith.constant 32 : i32
    %mul3A_2 = arith.muli %add3A, %mul3A_1 : i32
    "tpu.region"() ({
      %run_scoped3A = tpu.sem_alloc : memref<!tpu.dma_semaphore, #tpu.memory_space<semaphore_mem>>
      tpu.enqueue_dma source(%arg3 : memref<200xf32, #tpu.memory_space<hbm>>) target(%arg5 : memref<200xf32, #tpu.memory_space<vmem>>) target_semaphore(%run_scoped3A : memref<!tpu.dma_semaphore, #tpu.memory_space<semaphore_mem>>)
      tpu.wait_dma2 semaphore(%run_scoped3A : memref<!tpu.dma_semaphore, #tpu.memory_space<semaphore_mem>>) src(%arg3 : memref<200xf32, #tpu.memory_space<hbm>>) dst(%arg5 : memref<200xf32, #tpu.memory_space<vmem>>)
      tpu.yield
    }) : () -> ()
    %add3A_3 = arith.constant 0 : i32
    %add3A_4 = arith.addi %mul3A_2, %add3A_3 : i32
    %dma_start3A = arith.constant 0 : i32
    %dma_start3A_5 = arith.constant 0 : i32
    %dma_start3A_6 = arith.constant 0 : i32
    %dma_start3A_7 = arith.constant 0 : i32
    %dma_start3A_8 = tpu.memref_slice %arg6[%dma_start3A, %dma_start3A_5, %dma_start3A_6, %dma_start3A_7] : memref<3x26x8x128xf32, #tpu.memory_space<vmem>> -> memref<1x26x8x128xf32, #tpu.memory_space<vmem>>
    %dma_start3A_9 = tpu.memref_squeeze %dma_start3A_8 : memref<1x26x8x128xf32, #tpu.memory_space<vmem>> -> memref<26x8x128xf32, #tpu.memory_space<vmem>>
    %dma_start3A_10 = arith.constant 0 : i32
    %dma_start3A_11 = arith.constant 0 : i32
    %dma_start3A_12 = tpu.memref_slice %arg2[%dma_start3A_10, %add3A_4, %dma_start3A_11] : memref<26x1024x1024xf32, #tpu.memory_space<hbm>> -> memref<26x8x128xf32, #tpu.memory_space<hbm>>
    %dma_start3A_13 = arith.constant 0 : i32
    %dma_start3A_14 = arith.constant 0 : i32
    %dma_start3A_15 = arith.constant 0 : i32
    %dma_start3A_16 = tpu.memref_slice %arg6[%dma_start3A, %dma_start3A_13, %dma_start3A_14, %dma_start3A_15] : memref<3x26x8x128xf32, #tpu.memory_space<vmem>> -> memref<1x26x8x128xf32, #tpu.memory_space<vmem>>
    %dma_start3A_17 = tpu.memref_squeeze %dma_start3A_16 : memref<1x26x8x128xf32, #tpu.memory_space<vmem>> -> memref<26x8x128xf32, #tpu.memory_space<vmem>>
    %dma_start3A_18 = arith.constant 0 : i32
    %dma_start3A_19 = arith.constant 0 : i32
    %dma_start3A_20 = tpu.memref_slice %arg2[%dma_start3A_18, %add3A_4, %dma_start3A_19] : memref<26x1024x1024xf32, #tpu.memory_space<hbm>> -> memref<26x8x128xf32, #tpu.memory_space<hbm>>
    tpu.enqueue_dma source(%dma_start3A_20 : memref<26x8x128xf32, #tpu.memory_space<hbm>>) target(%dma_start3A_17 : memref<26x8x128xf32, #tpu.memory_space<vmem>>) target_semaphore(%arg8 : memref<!tpu.dma_semaphore, #tpu.memory_space<semaphore_mem>>)
    %scan3A = arith.constant 0 : i32
    %scan3A_21 = arith.constant 0 : i32
    %scan3A_22 = arith.constant 11 : i32
    %scan3A_23 = arith.addi %scan3A_21, %scan3A_22 : i32
    %scan3A_24 = arith.constant 1 : i32
    scf.for %scan3A_26 = %scan3A_21 to %scan3A_23 step %scan3A_24  : i32 {
      %mul3A_27 = arith.constant 3 : i32
      %mul3A_28 = arith.muli %scan3A_26, %mul3A_27 : i32
      %add3A_29 = arith.constant 0 : i32
      %add3A_30 = arith.addi %mul3A_28, %add3A_29 : i32
      %ge3A = arith.constant 2 : i32
      %ge3A_31 = arith.cmpi sge, %add3A_30, %ge3A : i32
      %sub3A = arith.constant 2 : i32
      %sub3A_32 = arith.subi %add3A_30, %sub3A : i32
      %lt3A = arith.constant 32 : i32
      %lt3A_33 = arith.cmpi slt, %sub3A_32, %lt3A : i32
      %and3A = arith.andi %ge3A_31, %lt3A_33 : i1
      %convert_element_type3A = arith.extui %and3A : i1 to i32
      %cond3A = arith.constant 0 : i32
      %cond3A_34 = arith.cmpi ne, %convert_element_type3A, %cond3A : i32
      scf.if %cond3A_34 {
        %sub3A_99 = arith.constant 2 : i32
        %sub3A_100 = arith.subi %add3A_30, %sub3A_99 : i32
        %jit3A = arith.constant 8 : i32
        %div3A = arith.divsi %sub3A_100, %jit3A : i32
        %sign3A = arith.constant 0 : i32
        %sign3A_101 = arith.cmpi sgt, %sub3A_100, %sign3A : i32
        %sign3A_102 = arith.extui %sign3A_101 : i1 to i32
        %sign3A_103 = arith.constant 0 : i32
        %sign3A_104 = arith.cmpi slt, %sub3A_100, %sign3A_103 : i32
        %sign3A_105 = arith.extui %sign3A_104 : i1 to i32
        %sign3A_106 = arith.subi %sign3A_102, %sign3A_105 : i32
        %sign3A_107 = arith.constant 0 : i32
        %sign3A_108 = arith.cmpi sgt, %jit3A, %sign3A_107 : i32
        %sign3A_109 = arith.extui %sign3A_108 : i1 to i32
        %sign3A_110 = arith.constant 0 : i32
        %sign3A_111 = arith.cmpi slt, %jit3A, %sign3A_110 : i32
        %sign3A_112 = arith.extui %sign3A_111 : i1 to i32
        %sign3A_113 = arith.subi %sign3A_109, %sign3A_112 : i32
        %ne3A = arith.cmpi ne, %sign3A_106, %sign3A_113 : i32
        %rem3A = arith.remsi %sub3A_100, %jit3A : i32
        %ne3A_114 = arith.constant 0 : i32
        %ne3A_115 = arith.cmpi ne, %rem3A, %ne3A_114 : i32
        %and3A_116 = arith.andi %ne3A, %ne3A_115 : i1
        %sub3A_117 = arith.constant 1 : i32
        %sub3A_118 = arith.subi %div3A, %sub3A_117 : i32
        %select_n3A = arith.select %and3A_116, %sub3A_118, %div3A : i32
        %mul3A_119 = arith.constant 8 : i32
        %mul3A_120 = arith.muli %select_n3A, %mul3A_119 : i32
        %add3A_121 = arith.addi %mul3A_2, %mul3A_120 : i32
        %jit3A_122 = arith.constant 8 : i32
        %eq3A = arith.constant 0 : i32
        %eq3A_123 = arith.cmpi eq, %jit3A_122, %eq3A : i32
        %jit3A_124 = arith.constant 1 : i32
        %select_n3A_125 = arith.select %eq3A_123, %jit3A_124, %jit3A_122 : i32
        %rem3A_126 = arith.remsi %sub3A_100, %select_n3A_125 : i32
        %ne3A_127 = arith.constant 0 : i32
        %ne3A_128 = arith.cmpi ne, %rem3A_126, %ne3A_127 : i32
        %lt3A_129 = arith.constant 0 : i32
        %lt3A_130 = arith.cmpi slt, %rem3A_126, %lt3A_129 : i32
        %lt3A_131 = arith.constant 0 : i32
        %lt3A_132 = arith.cmpi slt, %select_n3A_125, %lt3A_131 : i32
        %ne3A_133 = arith.xori %lt3A_130, %lt3A_132 : i1
        %and3A_134 = arith.andi %ne3A_133, %ne3A_128 : i1
        %add3A_135 = arith.addi %rem3A_126, %select_n3A_125 : i32
        %select_n3A_136 = arith.select %and3A_134, %add3A_135, %rem3A_126 : i32
        %mul3A_137 = arith.constant 128 : i32
        %mul3A_138 = arith.muli %select_n3A_136, %mul3A_137 : i32
        %dma_wait3A = arith.constant 1 : i32
        %dma_wait3A_139 = arith.constant 0 : i32
        %dma_wait3A_140 = arith.constant 0 : i32
        %dma_wait3A_141 = arith.constant 0 : i32
        %dma_wait3A_142 = tpu.memref_slice %arg7[%dma_wait3A, %dma_wait3A_139, %dma_wait3A_140, %dma_wait3A_141] : memref<3x14x8x128xf32, #tpu.memory_space<vmem>> -> memref<1x14x8x128xf32, #tpu.memory_space<vmem>>
        %dma_wait3A_143 = tpu.memref_squeeze %dma_wait3A_142 : memref<1x14x8x128xf32, #tpu.memory_space<vmem>> -> memref<14x8x128xf32, #tpu.memory_space<vmem>>
        %dma_wait3A_144 = arith.constant 20 : i32
        %dma_wait3A_145 = tpu.memref_slice %arg4[%dma_wait3A_144, %add3A_121, %mul3A_138] : memref<36x1024x1024xf32, #tpu.memory_space<hbm>> -> memref<14x8x128xf32, #tpu.memory_space<hbm>>
        %dma_wait3A_146 = arith.constant 20 : i32
        %dma_wait3A_147 = tpu.memref_slice %arg4[%dma_wait3A_146, %add3A_121, %mul3A_138] : memref<36x1024x1024xf32, #tpu.memory_space<hbm>> -> memref<14x8x128xf32, #tpu.memory_space<hbm>>
        %dma_wait3A_148 = arith.constant 0 : i32
        %dma_wait3A_149 = arith.constant 0 : i32
        %dma_wait3A_150 = arith.constant 0 : i32
        %dma_wait3A_151 = tpu.memref_slice %arg7[%dma_wait3A, %dma_wait3A_148, %dma_wait3A_149, %dma_wait3A_150] : memref<3x14x8x128xf32, #tpu.memory_space<vmem>> -> memref<1x14x8x128xf32, #tpu.memory_space<vmem>>
        %dma_wait3A_152 = tpu.memref_squeeze %dma_wait3A_151 : memref<1x14x8x128xf32, #tpu.memory_space<vmem>> -> memref<14x8x128xf32, #tpu.memory_space<vmem>>
        tpu.wait_dma2 semaphore(%arg12 : memref<!tpu.dma_semaphore, #tpu.memory_space<semaphore_mem>>) src(%dma_wait3A_152 : memref<14x8x128xf32, #tpu.memory_space<vmem>>) dst(%dma_wait3A_147 : memref<14x8x128xf32, #tpu.memory_space<hbm>>)
        %dma_wait3A_153 = arith.constant 1 : i32
        %dma_wait3A_154 = arith.constant 0 : i32
        %dma_wait3A_155 = arith.constant 0 : i32
        %dma_wait3A_156 = arith.constant 0 : i32
        %dma_wait3A_157 = tpu.memref_slice %arg6[%dma_wait3A_153, %dma_wait3A_154, %dma_wait3A_155, %dma_wait3A_156] : memref<3x26x8x128xf32, #tpu.memory_space<vmem>> -> memref<1x18x8x128xf32, #tpu.memory_space<vmem>>
        %dma_wait3A_158 = tpu.memref_squeeze %dma_wait3A_157 : memref<1x18x8x128xf32, #tpu.memory_space<vmem>> -> memref<18x8x128xf32, #tpu.memory_space<vmem>>
        %dma_wait3A_159 = arith.constant 0 : i32
        %dma_wait3A_160 = tpu.memref_slice %arg4[%dma_wait3A_159, %add3A_121, %mul3A_138] : memref<36x1024x1024xf32, #tpu.memory_space<hbm>> -> memref<18x8x128xf32, #tpu.memory_space<hbm>>
        %dma_wait3A_161 = arith.constant 0 : i32
        %dma_wait3A_162 = tpu.memref_slice %arg4[%dma_wait3A_161, %add3A_121, %mul3A_138] : memref<36x1024x1024xf32, #tpu.memory_space<hbm>> -> memref<18x8x128xf32, #tpu.memory_space<hbm>>
        %dma_wait3A_163 = arith.constant 0 : i32
        %dma_wait3A_164 = arith.constant 0 : i32
        %dma_wait3A_165 = arith.constant 0 : i32
        %dma_wait3A_166 = tpu.memref_slice %arg6[%dma_wait3A_153, %dma_wait3A_163, %dma_wait3A_164, %dma_wait3A_165] : memref<3x26x8x128xf32, #tpu.memory_space<vmem>> -> memref<1x18x8x128xf32, #tpu.memory_space<vmem>>
        %dma_wait3A_167 = tpu.memref_squeeze %dma_wait3A_166 : memref<1x18x8x128xf32, #tpu.memory_space<vmem>> -> memref<18x8x128xf32, #tpu.memory_space<vmem>>
        tpu.wait_dma2 semaphore(%arg12 : memref<!tpu.dma_semaphore, #tpu.memory_space<semaphore_mem>>) src(%dma_wait3A_167 : memref<18x8x128xf32, #tpu.memory_space<vmem>>) dst(%dma_wait3A_162 : memref<18x8x128xf32, #tpu.memory_space<hbm>>)
        %dma_wait3A_168 = arith.constant 1 : i32
        %dma_wait3A_169 = arith.constant 19 : i32
        %dma_wait3A_170 = arith.constant 0 : i32
        %dma_wait3A_171 = arith.constant 0 : i32
        %dma_wait3A_172 = tpu.memref_slice %arg6[%dma_wait3A_168, %dma_wait3A_169, %dma_wait3A_170, %dma_wait3A_171] : memref<3x26x8x128xf32, #tpu.memory_space<vmem>> -> memref<1x2x8x128xf32, #tpu.memory_space<vmem>>
        %dma_wait3A_173 = tpu.memref_squeeze %dma_wait3A_172 : memref<1x2x8x128xf32, #tpu.memory_space<vmem>> -> memref<2x8x128xf32, #tpu.memory_space<vmem>>
        %dma_wait3A_174 = arith.constant 18 : i32
        %dma_wait3A_175 = tpu.memref_slice %arg4[%dma_wait3A_174, %add3A_121, %mul3A_138] : memref<36x1024x1024xf32, #tpu.memory_space<hbm>> -> memref<2x8x128xf32, #tpu.memory_space<hbm>>
        %dma_wait3A_176 = arith.constant 18 : i32
        %dma_wait3A_177 = tpu.memref_slice %arg4[%dma_wait3A_176, %add3A_121, %mul3A_138] : memref<36x1024x1024xf32, #tpu.memory_space<hbm>> -> memref<2x8x128xf32, #tpu.memory_space<hbm>>
        %dma_wait3A_178 = arith.constant 19 : i32
        %dma_wait3A_179 = arith.constant 0 : i32
        %dma_wait3A_180 = arith.constant 0 : i32
        %dma_wait3A_181 = tpu.memref_slice %arg6[%dma_wait3A_168, %dma_wait3A_178, %dma_wait3A_179, %dma_wait3A_180] : memref<3x26x8x128xf32, #tpu.memory_space<vmem>> -> memref<1x2x8x128xf32, #tpu.memory_space<vmem>>
        %dma_wait3A_182 = tpu.memref_squeeze %dma_wait3A_181 : memref<1x2x8x128xf32, #tpu.memory_space<vmem>> -> memref<2x8x128xf32, #tpu.memory_space<vmem>>
        tpu.wait_dma2 semaphore(%arg12 : memref<!tpu.dma_semaphore, #tpu.memory_space<semaphore_mem>>) src(%dma_wait3A_182 : memref<2x8x128xf32, #tpu.memory_space<vmem>>) dst(%dma_wait3A_177 : memref<2x8x128xf32, #tpu.memory_space<hbm>>)
        %dma_wait3A_183 = arith.constant 1 : i32
        %dma_wait3A_184 = arith.constant 24 : i32
        %dma_wait3A_185 = arith.constant 0 : i32
        %dma_wait3A_186 = arith.constant 0 : i32
        %dma_wait3A_187 = tpu.memref_slice %arg6[%dma_wait3A_183, %dma_wait3A_184, %dma_wait3A_185, %dma_wait3A_186] : memref<3x26x8x128xf32, #tpu.memory_space<vmem>> -> memref<1x2x8x128xf32, #tpu.memory_space<vmem>>
        %dma_wait3A_188 = tpu.memref_squeeze %dma_wait3A_187 : memref<1x2x8x128xf32, #tpu.memory_space<vmem>> -> memref<2x8x128xf32, #tpu.memory_space<vmem>>
        %dma_wait3A_189 = arith.constant 34 : i32
        %dma_wait3A_190 = tpu.memref_slice %arg4[%dma_wait3A_189, %add3A_121, %mul3A_138] : memref<36x1024x1024xf32, #tpu.memory_space<hbm>> -> memref<2x8x128xf32, #tpu.memory_space<hbm>>
        %dma_wait3A_191 = arith.constant 34 : i32
        %dma_wait3A_192 = tpu.memref_slice %arg4[%dma_wait3A_191, %add3A_121, %mul3A_138] : memref<36x1024x1024xf32, #tpu.memory_space<hbm>> -> memref<2x8x128xf32, #tpu.memory_space<hbm>>
        %dma_wait3A_193 = arith.constant 24 : i32
        %dma_wait3A_194 = arith.constant 0 : i32
        %dma_wait3A_195 = arith.constant 0 : i32
        %dma_wait3A_196 = tpu.memref_slice %arg6[%dma_wait3A_183, %dma_wait3A_193, %dma_wait3A_194, %dma_wait3A_195] : memref<3x26x8x128xf32, #tpu.memory_space<vmem>> -> memref<1x2x8x128xf32, #tpu.memory_space<vmem>>
        %dma_wait3A_197 = tpu.memref_squeeze %dma_wait3A_196 : memref<1x2x8x128xf32, #tpu.memory_space<vmem>> -> memref<2x8x128xf32, #tpu.memory_space<vmem>>
        tpu.wait_dma2 semaphore(%arg12 : memref<!tpu.dma_semaphore, #tpu.memory_space<semaphore_mem>>) src(%dma_wait3A_197 : memref<2x8x128xf32, #tpu.memory_space<vmem>>) dst(%dma_wait3A_192 : memref<2x8x128xf32, #tpu.memory_space<hbm>>)
      } else {
      }
      %add3A_35 = arith.constant 1 : i32
      %add3A_36 = arith.addi %add3A_30, %add3A_35 : i32
      %lt3A_37 = arith.constant 32 : i32
      %lt3A_38 = arith.cmpi slt, %add3A_36, %lt3A_37 : i32
      %convert_element_type3A_39 = arith.extui %lt3A_38 : i1 to i32
      %cond3A_40 = arith.constant 0 : i32
      %cond3A_41 = arith.cmpi ne, %convert_element_type3A_39, %cond3A_40 : i32
      scf.if %cond3A_41 {
        %add3A_99 = arith.constant 1 : i32
        %add3A_100 = arith.addi %add3A_30, %add3A_99 : i32
        %jit3A = arith.constant 8 : i32
        %div3A = arith.divsi %add3A_100, %jit3A : i32
        %sign3A = arith.constant 0 : i32
        %sign3A_101 = arith.cmpi sgt, %add3A_100, %sign3A : i32
        %sign3A_102 = arith.extui %sign3A_101 : i1 to i32
        %sign3A_103 = arith.constant 0 : i32
        %sign3A_104 = arith.cmpi slt, %add3A_100, %sign3A_103 : i32
        %sign3A_105 = arith.extui %sign3A_104 : i1 to i32
        %sign3A_106 = arith.subi %sign3A_102, %sign3A_105 : i32
        %sign3A_107 = arith.constant 0 : i32
        %sign3A_108 = arith.cmpi sgt, %jit3A, %sign3A_107 : i32
        %sign3A_109 = arith.extui %sign3A_108 : i1 to i32
        %sign3A_110 = arith.constant 0 : i32
        %sign3A_111 = arith.cmpi slt, %jit3A, %sign3A_110 : i32
        %sign3A_112 = arith.extui %sign3A_111 : i1 to i32
        %sign3A_113 = arith.subi %sign3A_109, %sign3A_112 : i32
        %ne3A = arith.cmpi ne, %sign3A_106, %sign3A_113 : i32
        %rem3A = arith.remsi %add3A_100, %jit3A : i32
        %ne3A_114 = arith.constant 0 : i32
        %ne3A_115 = arith.cmpi ne, %rem3A, %ne3A_114 : i32
        %and3A_116 = arith.andi %ne3A, %ne3A_115 : i1
        %sub3A_117 = arith.constant 1 : i32
        %sub3A_118 = arith.subi %div3A, %sub3A_117 : i32
        %select_n3A = arith.select %and3A_116, %sub3A_118, %div3A : i32
        %mul3A_119 = arith.constant 8 : i32
        %mul3A_120 = arith.muli %select_n3A, %mul3A_119 : i32
        %add3A_121 = arith.addi %mul3A_2, %mul3A_120 : i32
        %jit3A_122 = arith.constant 8 : i32
        %eq3A = arith.constant 0 : i32
        %eq3A_123 = arith.cmpi eq, %jit3A_122, %eq3A : i32
        %jit3A_124 = arith.constant 1 : i32
        %select_n3A_125 = arith.select %eq3A_123, %jit3A_124, %jit3A_122 : i32
        %rem3A_126 = arith.remsi %add3A_100, %select_n3A_125 : i32
        %ne3A_127 = arith.constant 0 : i32
        %ne3A_128 = arith.cmpi ne, %rem3A_126, %ne3A_127 : i32
        %lt3A_129 = arith.constant 0 : i32
        %lt3A_130 = arith.cmpi slt, %rem3A_126, %lt3A_129 : i32
        %lt3A_131 = arith.constant 0 : i32
        %lt3A_132 = arith.cmpi slt, %select_n3A_125, %lt3A_131 : i32
        %ne3A_133 = arith.xori %lt3A_130, %lt3A_132 : i1
        %and3A_134 = arith.andi %ne3A_133, %ne3A_128 : i1
        %add3A_135 = arith.addi %rem3A_126, %select_n3A_125 : i32
        %select_n3A_136 = arith.select %and3A_134, %add3A_135, %rem3A_126 : i32
        %mul3A_137 = arith.constant 128 : i32
        %mul3A_138 = arith.muli %select_n3A_136, %mul3A_137 : i32
        %dma_start3A_139 = arith.constant 1 : i32
        %dma_start3A_140 = arith.constant 0 : i32
        %dma_start3A_141 = arith.constant 0 : i32
        %dma_start3A_142 = arith.constant 0 : i32
        %dma_start3A_143 = tpu.memref_slice %arg6[%dma_start3A_139, %dma_start3A_140, %dma_start3A_141, %dma_start3A_142] : memref<3x26x8x128xf32, #tpu.memory_space<vmem>> -> memref<1x26x8x128xf32, #tpu.memory_space<vmem>>
        %dma_start3A_144 = tpu.memref_squeeze %dma_start3A_143 : memref<1x26x8x128xf32, #tpu.memory_space<vmem>> -> memref<26x8x128xf32, #tpu.memory_space<vmem>>
        %dma_start3A_145 = arith.constant 0 : i32
        %dma_start3A_146 = tpu.memref_slice %arg2[%dma_start3A_145, %add3A_121, %mul3A_138] : memref<26x1024x1024xf32, #tpu.memory_space<hbm>> -> memref<26x8x128xf32, #tpu.memory_space<hbm>>
        %dma_start3A_147 = arith.constant 0 : i32
        %dma_start3A_148 = arith.constant 0 : i32
        %dma_start3A_149 = arith.constant 0 : i32
        %dma_start3A_150 = tpu.memref_slice %arg6[%dma_start3A_139, %dma_start3A_147, %dma_start3A_148, %dma_start3A_149] : memref<3x26x8x128xf32, #tpu.memory_space<vmem>> -> memref<1x26x8x128xf32, #tpu.memory_space<vmem>>
        %dma_start3A_151 = tpu.memref_squeeze %dma_start3A_150 : memref<1x26x8x128xf32, #tpu.memory_space<vmem>> -> memref<26x8x128xf32, #tpu.memory_space<vmem>>
        %dma_start3A_152 = arith.constant 0 : i32
        %dma_start3A_153 = tpu.memref_slice %arg2[%dma_start3A_152, %add3A_121, %mul3A_138] : memref<26x1024x1024xf32, #tpu.memory_space<hbm>> -> memref<26x8x128xf32, #tpu.memory_space<hbm>>
        tpu.enqueue_dma source(%dma_start3A_153 : memref<26x8x128xf32, #tpu.memory_space<hbm>>) target(%dma_start3A_151 : memref<26x8x128xf32, #tpu.memory_space<vmem>>) target_semaphore(%arg9 : memref<!tpu.dma_semaphore, #tpu.memory_space<semaphore_mem>>)
      } else {
      }
      %lt3A_42 = arith.constant 32 : i32
      %lt3A_43 = arith.cmpi slt, %add3A_30, %lt3A_42 : i32
      %convert_element_type3A_44 = arith.extui %lt3A_43 : i1 to i32
      %cond3A_45 = arith.constant 0 : i32
      %cond3A_46 = arith.cmpi ne, %convert_element_type3A_44, %cond3A_45 : i32
      scf.if %cond3A_46 {
        %jit3A = arith.constant 8 : i32
        %div3A = arith.divsi %add3A_30, %jit3A : i32
        %sign3A = arith.constant 0 : i32
        %sign3A_99 = arith.cmpi sgt, %add3A_30, %sign3A : i32
        %sign3A_100 = arith.extui %sign3A_99 : i1 to i32
        %sign3A_101 = arith.constant 0 : i32
        %sign3A_102 = arith.cmpi slt, %add3A_30, %sign3A_101 : i32
        %sign3A_103 = arith.extui %sign3A_102 : i1 to i32
        %sign3A_104 = arith.subi %sign3A_100, %sign3A_103 : i32
        %sign3A_105 = arith.constant 0 : i32
        %sign3A_106 = arith.cmpi sgt, %jit3A, %sign3A_105 : i32
        %sign3A_107 = arith.extui %sign3A_106 : i1 to i32
        %sign3A_108 = arith.constant 0 : i32
        %sign3A_109 = arith.cmpi slt, %jit3A, %sign3A_108 : i32
        %sign3A_110 = arith.extui %sign3A_109 : i1 to i32
        %sign3A_111 = arith.subi %sign3A_107, %sign3A_110 : i32
        %ne3A = arith.cmpi ne, %sign3A_104, %sign3A_111 : i32
        %rem3A = arith.remsi %add3A_30, %jit3A : i32
        %ne3A_112 = arith.constant 0 : i32
        %ne3A_113 = arith.cmpi ne, %rem3A, %ne3A_112 : i32
        %and3A_114 = arith.andi %ne3A, %ne3A_113 : i1
        %sub3A_115 = arith.constant 1 : i32
        %sub3A_116 = arith.subi %div3A, %sub3A_115 : i32
        %select_n3A = arith.select %and3A_114, %sub3A_116, %div3A : i32
        %mul3A_117 = arith.constant 8 : i32
        %mul3A_118 = arith.muli %select_n3A, %mul3A_117 : i32
        %add3A_119 = arith.addi %mul3A_2, %mul3A_118 : i32
        %jit3A_120 = arith.constant 8 : i32
        %eq3A = arith.constant 0 : i32
        %eq3A_121 = arith.cmpi eq, %jit3A_120, %eq3A : i32
        %jit3A_122 = arith.constant 1 : i32
        %select_n3A_123 = arith.select %eq3A_121, %jit3A_122, %jit3A_120 : i32
        %rem3A_124 = arith.remsi %add3A_30, %select_n3A_123 : i32
        %ne3A_125 = arith.constant 0 : i32
        %ne3A_126 = arith.cmpi ne, %rem3A_124, %ne3A_125 : i32
        %lt3A_127 = arith.constant 0 : i32
        %lt3A_128 = arith.cmpi slt, %rem3A_124, %lt3A_127 : i32
        %lt3A_129 = arith.constant 0 : i32
        %lt3A_130 = arith.cmpi slt, %select_n3A_123, %lt3A_129 : i32
        %ne3A_131 = arith.xori %lt3A_128, %lt3A_130 : i1
        %and3A_132 = arith.andi %ne3A_131, %ne3A_126 : i1
        %add3A_133 = arith.addi %rem3A_124, %select_n3A_123 : i32
        %select_n3A_134 = arith.select %and3A_132, %add3A_133, %rem3A_124 : i32
        %mul3A_135 = arith.constant 128 : i32
        %mul3A_136 = arith.muli %select_n3A_134, %mul3A_135 : i32
        %dma_wait3A = arith.constant 0 : i32
        %dma_wait3A_137 = arith.constant 0 : i32
        %dma_wait3A_138 = arith.constant 0 : i32
        %dma_wait3A_139 = arith.constant 0 : i32
        %dma_wait3A_140 = tpu.memref_slice %arg6[%dma_wait3A, %dma_wait3A_137, %dma_wait3A_138, %dma_wait3A_139] : memref<3x26x8x128xf32, #tpu.memory_space<vmem>> -> memref<1x26x8x128xf32, #tpu.memory_space<vmem>>
        %dma_wait3A_141 = tpu.memref_squeeze %dma_wait3A_140 : memref<1x26x8x128xf32, #tpu.memory_space<vmem>> -> memref<26x8x128xf32, #tpu.memory_space<vmem>>
        %dma_wait3A_142 = arith.constant 0 : i32
        %dma_wait3A_143 = tpu.memref_slice %arg2[%dma_wait3A_142, %add3A_119, %mul3A_136] : memref<26x1024x1024xf32, #tpu.memory_space<hbm>> -> memref<26x8x128xf32, #tpu.memory_space<hbm>>
        %dma_wait3A_144 = arith.constant 0 : i32
        %dma_wait3A_145 = arith.constant 0 : i32
        %dma_wait3A_146 = arith.constant 0 : i32
        %dma_wait3A_147 = tpu.memref_slice %arg6[%dma_wait3A, %dma_wait3A_144, %dma_wait3A_145, %dma_wait3A_146] : memref<3x26x8x128xf32, #tpu.memory_space<vmem>> -> memref<1x26x8x128xf32, #tpu.memory_space<vmem>>
        %dma_wait3A_148 = tpu.memref_squeeze %dma_wait3A_147 : memref<1x26x8x128xf32, #tpu.memory_space<vmem>> -> memref<26x8x128xf32, #tpu.memory_space<vmem>>
        %dma_wait3A_149 = arith.constant 0 : i32
        %dma_wait3A_150 = tpu.memref_slice %arg2[%dma_wait3A_149, %add3A_119, %mul3A_136] : memref<26x1024x1024xf32, #tpu.memory_space<hbm>> -> memref<26x8x128xf32, #tpu.memory_space<hbm>>
        tpu.wait_dma2 semaphore(%arg8 : memref<!tpu.dma_semaphore, #tpu.memory_space<semaphore_mem>>) src(%dma_wait3A_150 : memref<26x8x128xf32, #tpu.memory_space<hbm>>) dst(%dma_wait3A_148 : memref<26x8x128xf32, #tpu.memory_space<vmem>>)
        %parallel_loop3A = arith.constant 0 : i32
        %parallel_loop3A_151 = arith.constant 64 : i32
        %parallel_loop3A_152 = arith.constant 1 : i32
        scf.for %parallel_loop3A_213 = %parallel_loop3A to %parallel_loop3A_151 step %parallel_loop3A_152  : i32 {
          %parallel_loop3A_214 = arith.constant 8 : i32
          %parallel_loop3A_215 = arith.divsi %parallel_loop3A_213, %parallel_loop3A_214 : i32
          %parallel_loop3A_216 = arith.constant 0 : i32
          %parallel_loop3A_217 = arith.cmpi sgt, %parallel_loop3A_213, %parallel_loop3A_216 : i32
          %parallel_loop3A_218 = arith.extui %parallel_loop3A_217 : i1 to i32
          %parallel_loop3A_219 = arith.constant 0 : i32
          %parallel_loop3A_220 = arith.cmpi slt, %parallel_loop3A_213, %parallel_loop3A_219 : i32
          %parallel_loop3A_221 = arith.extui %parallel_loop3A_220 : i1 to i32
          %parallel_loop3A_222 = arith.subi %parallel_loop3A_218, %parallel_loop3A_221 : i32
          %parallel_loop3A_223 = arith.constant 0 : i32
          %parallel_loop3A_224 = arith.cmpi sgt, %parallel_loop3A_214, %parallel_loop3A_223 : i32
          %parallel_loop3A_225 = arith.extui %parallel_loop3A_224 : i1 to i32
          %parallel_loop3A_226 = arith.constant 0 : i32
          %parallel_loop3A_227 = arith.cmpi slt, %parallel_loop3A_214, %parallel_loop3A_226 : i32
          %parallel_loop3A_228 = arith.extui %parallel_loop3A_227 : i1 to i32
          %parallel_loop3A_229 = arith.subi %parallel_loop3A_225, %parallel_loop3A_228 : i32
          %parallel_loop3A_230 = arith.cmpi ne, %parallel_loop3A_222, %parallel_loop3A_229 : i32
          %parallel_loop3A_231 = arith.remsi %parallel_loop3A_213, %parallel_loop3A_214 : i32
          %parallel_loop3A_232 = arith.constant 0 : i32
          %parallel_loop3A_233 = arith.cmpi ne, %parallel_loop3A_231, %parallel_loop3A_232 : i32
          %parallel_loop3A_234 = arith.andi %parallel_loop3A_230, %parallel_loop3A_233 : i1
          %parallel_loop3A_235 = arith.constant 1 : i32
          %parallel_loop3A_236 = arith.subi %parallel_loop3A_215, %parallel_loop3A_235 : i32
          %parallel_loop3A_237 = arith.select %parallel_loop3A_234, %parallel_loop3A_236, %parallel_loop3A_215 : i32
          %parallel_loop3A_238 = arith.constant 8 : i32
          %parallel_loop3A_239 = arith.constant 0 : i32
          %parallel_loop3A_240 = arith.cmpi eq, %parallel_loop3A_238, %parallel_loop3A_239 : i32
          %parallel_loop3A_241 = arith.constant 1 : i32
          %parallel_loop3A_242 = arith.select %parallel_loop3A_240, %parallel_loop3A_241, %parallel_loop3A_238 : i32
          %parallel_loop3A_243 = arith.remsi %parallel_loop3A_213, %parallel_loop3A_242 : i32
          %parallel_loop3A_244 = arith.constant 0 : i32
          %parallel_loop3A_245 = arith.cmpi ne, %parallel_loop3A_243, %parallel_loop3A_244 : i32
          %parallel_loop3A_246 = arith.constant 0 : i32
          %parallel_loop3A_247 = arith.cmpi slt, %parallel_loop3A_243, %parallel_loop3A_246 : i32
          %parallel_loop3A_248 = arith.constant 0 : i32
          %parallel_loop3A_249 = arith.cmpi slt, %parallel_loop3A_242, %parallel_loop3A_248 : i32
          %parallel_loop3A_250 = arith.xori %parallel_loop3A_247, %parallel_loop3A_249 : i1
          %parallel_loop3A_251 = arith.andi %parallel_loop3A_250, %parallel_loop3A_245 : i1
          %parallel_loop3A_252 = arith.addi %parallel_loop3A_243, %parallel_loop3A_242 : i32
          %parallel_loop3A_253 = arith.select %parallel_loop3A_251, %parallel_loop3A_252, %parallel_loop3A_243 : i32
          %parallel_loop3A_254 = arith.constant 16 : i32
          %parallel_loop3A_255 = arith.muli %parallel_loop3A_253, %parallel_loop3A_254 : i32
          %parallel_loop3A_256 = arith.constant 0 : i32
          %parallel_loop3A_257 = arith.constant 21 : i32
          %parallel_loop3A_258 = arith.index_cast %parallel_loop3A_256 : i32 to index
          %parallel_loop3A_259 = arith.index_cast %parallel_loop3A_257 : i32 to index
          %parallel_loop3A_260 = arith.index_cast %parallel_loop3A_237 : i32 to index
          %parallel_loop3A_261 = arith.index_cast %parallel_loop3A_255 : i32 to index
          %parallel_loop3A_262 = tpu.vector_load %arg6[%parallel_loop3A_258, %parallel_loop3A_259, %parallel_loop3A_260, %parallel_loop3A_261] {strides = array<i32>} : memref<3x26x8x128xf32, #tpu.memory_space<vmem>>, vector<16xf32>,
          %parallel_loop3A_263 = arith.constant 0 : i32
          %parallel_loop3A_264 = arith.constant 22 : i32
          %parallel_loop3A_265 = arith.index_cast %parallel_loop3A_263 : i32 to index
          %parallel_loop3A_266 = arith.index_cast %parallel_loop3A_264 : i32 to index
          %parallel_loop3A_267 = arith.index_cast %parallel_loop3A_237 : i32 to index
          %parallel_loop3A_268 = arith.index_cast %parallel_loop3A_255 : i32 to index
          %parallel_loop3A_269 = tpu.vector_load %arg6[%parallel_loop3A_265, %parallel_loop3A_266, %parallel_loop3A_267, %parallel_loop3A_268] {strides = array<i32>} : memref<3x26x8x128xf32, #tpu.memory_space<vmem>>, vector<16xf32>,
          %parallel_loop3A_270 = arith.constant 0 : i32
          %parallel_loop3A_271 = arith.constant 23 : i32
          %parallel_loop3A_272 = arith.index_cast %parallel_loop3A_270 : i32 to index
          %parallel_loop3A_273 = arith.index_cast %parallel_loop3A_271 : i32 to index
          %parallel_loop3A_274 = arith.index_cast %parallel_loop3A_237 : i32 to index
          %parallel_loop3A_275 = arith.index_cast %parallel_loop3A_255 : i32 to index
          %parallel_loop3A_276 = tpu.vector_load %arg6[%parallel_loop3A_272, %parallel_loop3A_273, %parallel_loop3A_274, %parallel_loop3A_275] {strides = array<i32>} : memref<3x26x8x128xf32, #tpu.memory_space<vmem>>, vector<16xf32>,
          %parallel_loop3A_277 = arith.constant 4.000000e+00 : f32
          %parallel_loop3A_278 = vector.broadcast %parallel_loop3A_277 : f32 to vector<16xf32>
          %parallel_loop3A_279 = arith.mulf %parallel_loop3A_262, %parallel_loop3A_278 : vector<16xf32>
          %parallel_loop3A_280 = arith.fptosi %parallel_loop3A_279 : vector<16xf32> to vector<16xi32>
          %parallel_loop3A_281 = arith.constant 2.000000e+00 : f32
          %parallel_loop3A_282 = vector.broadcast %parallel_loop3A_281 : f32 to vector<16xf32>
          %parallel_loop3A_283 = arith.mulf %parallel_loop3A_269, %parallel_loop3A_282 : vector<16xf32>
          %parallel_loop3A_284 = arith.constant 2.800000e+01 : f32
          %parallel_loop3A_285 = vector.broadcast %parallel_loop3A_284 : f32 to vector<16xf32>
          %parallel_loop3A_286 = arith.addf %parallel_loop3A_283, %parallel_loop3A_285 : vector<16xf32>
          %parallel_loop3A_287 = arith.fptosi %parallel_loop3A_286 : vector<16xf32> to vector<16xi32>
          %parallel_loop3A_288 = arith.constant 8.000000e+00 : f32
          %parallel_loop3A_289 = vector.broadcast %parallel_loop3A_288 : f32 to vector<16xf32>
          %parallel_loop3A_290 = arith.mulf %parallel_loop3A_276, %parallel_loop3A_289 : vector<16xf32>
          %parallel_loop3A_291 = arith.constant 3.200000e+01 : f32
          %parallel_loop3A_292 = vector.broadcast %parallel_loop3A_291 : f32 to vector<16xf32>
          %parallel_loop3A_293 = arith.addf %parallel_loop3A_290, %parallel_loop3A_292 : vector<16xf32>
          %parallel_loop3A_294 = arith.fptosi %parallel_loop3A_293 : vector<16xf32> to vector<16xi32>
          %parallel_loop3A_295 = tpu.vector_load_idx %arg5[%parallel_loop3A_280] : memref<200xf32, #tpu.memory_space<vmem>>[vector<16xi32>], vector<16xf32>,
          %parallel_loop3A_296 = arith.constant 0 : i32
          %parallel_loop3A_297 = arith.constant 0 : i32
          %parallel_loop3A_298 = arith.index_cast %parallel_loop3A_296 : i32 to index
          %parallel_loop3A_299 = arith.index_cast %parallel_loop3A_297 : i32 to index
          %parallel_loop3A_300 = arith.index_cast %parallel_loop3A_237 : i32 to index
          %parallel_loop3A_301 = arith.index_cast %parallel_loop3A_255 : i32 to index
          %parallel_loop3A_302 = tpu.vector_load %arg7[%parallel_loop3A_298, %parallel_loop3A_299, %parallel_loop3A_300, %parallel_loop3A_301] {strides = array<i32>} : memref<3x14x8x128xf32, #tpu.memory_space<vmem>>, vector<16xf32>,
          tpu.vector_store %arg7[%parallel_loop3A_298, %parallel_loop3A_299, %parallel_loop3A_300, %parallel_loop3A_301], %parallel_loop3A_295 {strides = array<i32>} : memref<3x14x8x128xf32, #tpu.memory_space<vmem>>, vector<16xf32>,
          %parallel_loop3A_303 = arith.constant 1 : i32
          %parallel_loop3A_304 = vector.broadcast %parallel_loop3A_303 : i32 to vector<16xi32>
          %parallel_loop3A_305 = arith.addi %parallel_loop3A_280, %parallel_loop3A_304 : vector<16xi32>
          %parallel_loop3A_306 = tpu.vector_load_idx %arg5[%parallel_loop3A_305] : memref<200xf32, #tpu.memory_space<vmem>>[vector<16xi32>], vector<16xf32>,
          %parallel_loop3A_307 = arith.constant 0 : i32
          %parallel_loop3A_308 = arith.constant 1 : i32
          %parallel_loop3A_309 = arith.index_cast %parallel_loop3A_307 : i32 to index
          %parallel_loop3A_310 = arith.index_cast %parallel_loop3A_308 : i32 to index
          %parallel_loop3A_311 = arith.index_cast %parallel_loop3A_237 : i32 to index
          %parallel_loop3A_312 = arith.index_cast %parallel_loop3A_255 : i32 to index
          %parallel_loop3A_313 = tpu.vector_load %arg7[%parallel_loop3A_309, %parallel_loop3A_310, %parallel_loop3A_311, %parallel_loop3A_312] {strides = array<i32>} : memref<3x14x8x128xf32, #tpu.memory_space<vmem>>, vector<16xf32>,
          tpu.vector_store %arg7[%parallel_loop3A_309, %parallel_loop3A_310, %parallel_loop3A_311, %parallel_loop3A_312], %parallel_loop3A_306 {strides = array<i32>} : memref<3x14x8x128xf32, #tpu.memory_space<vmem>>, vector<16xf32>,
          %parallel_loop3A_314 = arith.constant 2 : i32
          %parallel_loop3A_315 = vector.broadcast %parallel_loop3A_314 : i32 to vector<16xi32>
          %parallel_loop3A_316 = arith.addi %parallel_loop3A_280, %parallel_loop3A_315 : vector<16xi32>
          %parallel_loop3A_317 = tpu.vector_load_idx %arg5[%parallel_loop3A_316] : memref<200xf32, #tpu.memory_space<vmem>>[vector<16xi32>], vector<16xf32>,
          %parallel_loop3A_318 = arith.constant 0 : i32
          %parallel_loop3A_319 = arith.constant 2 : i32
          %parallel_loop3A_320 = arith.index_cast %parallel_loop3A_318 : i32 to index
          %parallel_loop3A_321 = arith.index_cast %parallel_loop3A_319 : i32 to index
          %parallel_loop3A_322 = arith.index_cast %parallel_loop3A_237 : i32 to index
          %parallel_loop3A_323 = arith.index_cast %parallel_loop3A_255 : i32 to index
          %parallel_loop3A_324 = tpu.vector_load %arg7[%parallel_loop3A_320, %parallel_loop3A_321, %parallel_loop3A_322, %parallel_loop3A_323] {strides = array<i32>} : memref<3x14x8x128xf32, #tpu.memory_space<vmem>>, vector<16xf32>,
          tpu.vector_store %arg7[%parallel_loop3A_320, %parallel_loop3A_321, %parallel_loop3A_322, %parallel_loop3A_323], %parallel_loop3A_317 {strides = array<i32>} : memref<3x14x8x128xf32, #tpu.memory_space<vmem>>, vector<16xf32>,
          %parallel_loop3A_325 = arith.constant 3 : i32
          %parallel_loop3A_326 = vector.broadcast %parallel_loop3A_325 : i32 to vector<16xi32>
          %parallel_loop3A_327 = arith.addi %parallel_loop3A_280, %parallel_loop3A_326 : vector<16xi32>
          %parallel_loop3A_328 = tpu.vector_load_idx %arg5[%parallel_loop3A_327] : memref<200xf32, #tpu.memory_space<vmem>>[vector<16xi32>], vector<16xf32>,
          %parallel_loop3A_329 = arith.constant 0 : i32
          %parallel_loop3A_330 = arith.constant 3 : i32
          %parallel_loop3A_331 = arith.index_cast %parallel_loop3A_329 : i32 to index
          %parallel_loop3A_332 = arith.index_cast %parallel_loop3A_330 : i32 to index
          %parallel_loop3A_333 = arith.index_cast %parallel_loop3A_237 : i32 to index
          %parallel_loop3A_334 = arith.index_cast %parallel_loop3A_255 : i32 to index
          %parallel_loop3A_335 = tpu.vector_load %arg7[%parallel_loop3A_331, %parallel_loop3A_332, %parallel_loop3A_333, %parallel_loop3A_334] {strides = array<i32>} : memref<3x14x8x128xf32, #tpu.memory_space<vmem>>, vector<16xf32>,
          tpu.vector_store %arg7[%parallel_loop3A_331, %parallel_loop3A_332, %parallel_loop3A_333, %parallel_loop3A_334], %parallel_loop3A_328 {strides = array<i32>} : memref<3x14x8x128xf32, #tpu.memory_space<vmem>>, vector<16xf32>,
          %parallel_loop3A_336 = tpu.vector_load_idx %arg5[%parallel_loop3A_287] : memref<200xf32, #tpu.memory_space<vmem>>[vector<16xi32>], vector<16xf32>,
          %parallel_loop3A_337 = arith.constant 0 : i32
          %parallel_loop3A_338 = arith.constant 4 : i32
          %parallel_loop3A_339 = arith.index_cast %parallel_loop3A_337 : i32 to index
          %parallel_loop3A_340 = arith.index_cast %parallel_loop3A_338 : i32 to index
          %parallel_loop3A_341 = arith.index_cast %parallel_loop3A_237 : i32 to index
          %parallel_loop3A_342 = arith.index_cast %parallel_loop3A_255 : i32 to index
          %parallel_loop3A_343 = tpu.vector_load %arg7[%parallel_loop3A_339, %parallel_loop3A_340, %parallel_loop3A_341, %parallel_loop3A_342] {strides = array<i32>} : memref<3x14x8x128xf32, #tpu.memory_space<vmem>>, vector<16xf32>,
          tpu.vector_store %arg7[%parallel_loop3A_339, %parallel_loop3A_340, %parallel_loop3A_341, %parallel_loop3A_342], %parallel_loop3A_336 {strides = array<i32>} : memref<3x14x8x128xf32, #tpu.memory_space<vmem>>, vector<16xf32>,
          %parallel_loop3A_344 = arith.constant 1 : i32
          %parallel_loop3A_345 = vector.broadcast %parallel_loop3A_344 : i32 to vector<16xi32>
          %parallel_loop3A_346 = arith.addi %parallel_loop3A_287, %parallel_loop3A_345 : vector<16xi32>
          %parallel_loop3A_347 = tpu.vector_load_idx %arg5[%parallel_loop3A_346] : memref<200xf32, #tpu.memory_space<vmem>>[vector<16xi32>], vector<16xf32>,
          %parallel_loop3A_348 = arith.constant 0 : i32
          %parallel_loop3A_349 = arith.constant 5 : i32
          %parallel_loop3A_350 = arith.index_cast %parallel_loop3A_348 : i32 to index
          %parallel_loop3A_351 = arith.index_cast %parallel_loop3A_349 : i32 to index
          %parallel_loop3A_352 = arith.index_cast %parallel_loop3A_237 : i32 to index
          %parallel_loop3A_353 = arith.index_cast %parallel_loop3A_255 : i32 to index
          %parallel_loop3A_354 = tpu.vector_load %arg7[%parallel_loop3A_350, %parallel_loop3A_351, %parallel_loop3A_352, %parallel_loop3A_353] {strides = array<i32>} : memref<3x14x8x128xf32, #tpu.memory_space<vmem>>, vector<16xf32>,
          tpu.vector_store %arg7[%parallel_loop3A_350, %parallel_loop3A_351, %parallel_loop3A_352, %parallel_loop3A_353], %parallel_loop3A_347 {strides = array<i32>} : memref<3x14x8x128xf32, #tpu.memory_space<vmem>>, vector<16xf32>,
          %parallel_loop3A_355 = tpu.vector_load_idx %arg5[%parallel_loop3A_294] : memref<200xf32, #tpu.memory_space<vmem>>[vector<16xi32>], vector<16xf32>,
          %parallel_loop3A_356 = arith.constant 0 : i32
          %parallel_loop3A_357 = arith.constant 6 : i32
          %parallel_loop3A_358 = arith.index_cast %parallel_loop3A_356 : i32 to index
          %parallel_loop3A_359 = arith.index_cast %parallel_loop3A_357 : i32 to index
          %parallel_loop3A_360 = arith.index_cast %parallel_loop3A_237 : i32 to index
          %parallel_loop3A_361 = arith.index_cast %parallel_loop3A_255 : i32 to index
          %parallel_loop3A_362 = tpu.vector_load %arg7[%parallel_loop3A_358, %parallel_loop3A_359, %parallel_loop3A_360, %parallel_loop3A_361] {strides = array<i32>} : memref<3x14x8x128xf32, #tpu.memory_space<vmem>>, vector<16xf32>,
          tpu.vector_store %arg7[%parallel_loop3A_358, %parallel_loop3A_359, %parallel_loop3A_360, %parallel_loop3A_361], %parallel_loop3A_355 {strides = array<i32>} : memref<3x14x8x128xf32, #tpu.memory_space<vmem>>, vector<16xf32>,
          %parallel_loop3A_363 = arith.constant 1 : i32
          %parallel_loop3A_364 = vector.broadcast %parallel_loop3A_363 : i32 to vector<16xi32>
          %parallel_loop3A_365 = arith.addi %parallel_loop3A_294, %parallel_loop3A_364 : vector<16xi32>
          %parallel_loop3A_366 = tpu.vector_load_idx %arg5[%parallel_loop3A_365] : memref<200xf32, #tpu.memory_space<vmem>>[vector<16xi32>], vector<16xf32>,
          %parallel_loop3A_367 = arith.constant 0 : i32
          %parallel_loop3A_368 = arith.constant 7 : i32
          %parallel_loop3A_369 = arith.index_cast %parallel_loop3A_367 : i32 to index
          %parallel_loop3A_370 = arith.index_cast %parallel_loop3A_368 : i32 to index
          %parallel_loop3A_371 = arith.index_cast %parallel_loop3A_237 : i32 to index
          %parallel_loop3A_372 = arith.index_cast %parallel_loop3A_255 : i32 to index
          %parallel_loop3A_373 = tpu.vector_load %arg7[%parallel_loop3A_369, %parallel_loop3A_370, %parallel_loop3A_371, %parallel_loop3A_372] {strides = array<i32>} : memref<3x14x8x128xf32, #tpu.memory_space<vmem>>, vector<16xf32>,
          tpu.vector_store %arg7[%parallel_loop3A_369, %parallel_loop3A_370, %parallel_loop3A_371, %parallel_loop3A_372], %parallel_loop3A_366 {strides = array<i32>} : memref<3x14x8x128xf32, #tpu.memory_space<vmem>>, vector<16xf32>,
          %parallel_loop3A_374 = arith.constant 2 : i32
          %parallel_loop3A_375 = vector.broadcast %parallel_loop3A_374 : i32 to vector<16xi32>
          %parallel_loop3A_376 = arith.addi %parallel_loop3A_294, %parallel_loop3A_375 : vector<16xi32>
          %parallel_loop3A_377 = tpu.vector_load_idx %arg5[%parallel_loop3A_376] : memref<200xf32, #tpu.memory_space<vmem>>[vector<16xi32>], vector<16xf32>,
          %parallel_loop3A_378 = arith.constant 0 : i32
          %parallel_loop3A_379 = arith.constant 8 : i32
          %parallel_loop3A_380 = arith.index_cast %parallel_loop3A_378 : i32 to index
          %parallel_loop3A_381 = arith.index_cast %parallel_loop3A_379 : i32 to index
          %parallel_loop3A_382 = arith.index_cast %parallel_loop3A_237 : i32 to index
          %parallel_loop3A_383 = arith.index_cast %parallel_loop3A_255 : i32 to index
          %parallel_loop3A_384 = tpu.vector_load %arg7[%parallel_loop3A_380, %parallel_loop3A_381, %parallel_loop3A_382, %parallel_loop3A_383] {strides = array<i32>} : memref<3x14x8x128xf32, #tpu.memory_space<vmem>>, vector<16xf32>,
          tpu.vector_store %arg7[%parallel_loop3A_380, %parallel_loop3A_381, %parallel_loop3A_382, %parallel_loop3A_383], %parallel_loop3A_377 {strides = array<i32>} : memref<3x14x8x128xf32, #tpu.memory_space<vmem>>, vector<16xf32>,
          %parallel_loop3A_385 = arith.constant 3 : i32
          %parallel_loop3A_386 = vector.broadcast %parallel_loop3A_385 : i32 to vector<16xi32>
          %parallel_loop3A_387 = arith.addi %parallel_loop3A_294, %parallel_loop3A_386 : vector<16xi32>
          %parallel_loop3A_388 = tpu.vector_load_idx %arg5[%parallel_loop3A_387] : memref<200xf32, #tpu.memory_space<vmem>>[vector<16xi32>], vector<16xf32>,
          %parallel_loop3A_389 = arith.constant 0 : i32
          %parallel_loop3A_390 = arith.constant 9 : i32
          %parallel_loop3A_391 = arith.index_cast %parallel_loop3A_389 : i32 to index
          %parallel_loop3A_392 = arith.index_cast %parallel_loop3A_390 : i32 to index
          %parallel_loop3A_393 = arith.index_cast %parallel_loop3A_237 : i32 to index
          %parallel_loop3A_394 = arith.index_cast %parallel_loop3A_255 : i32 to index
          %parallel_loop3A_395 = tpu.vector_load %arg7[%parallel_loop3A_391, %parallel_loop3A_392, %parallel_loop3A_393, %parallel_loop3A_394] {strides = array<i32>} : memref<3x14x8x128xf32, #tpu.memory_space<vmem>>, vector<16xf32>,
          tpu.vector_store %arg7[%parallel_loop3A_391, %parallel_loop3A_392, %parallel_loop3A_393, %parallel_loop3A_394], %parallel_loop3A_388 {strides = array<i32>} : memref<3x14x8x128xf32, #tpu.memory_space<vmem>>, vector<16xf32>,
          %parallel_loop3A_396 = arith.constant 4 : i32
          %parallel_loop3A_397 = vector.broadcast %parallel_loop3A_396 : i32 to vector<16xi32>
          %parallel_loop3A_398 = arith.addi %parallel_loop3A_294, %parallel_loop3A_397 : vector<16xi32>
          %parallel_loop3A_399 = tpu.vector_load_idx %arg5[%parallel_loop3A_398] : memref<200xf32, #tpu.memory_space<vmem>>[vector<16xi32>], vector<16xf32>,
          %parallel_loop3A_400 = arith.constant 0 : i32
          %parallel_loop3A_401 = arith.constant 10 : i32
          %parallel_loop3A_402 = arith.index_cast %parallel_loop3A_400 : i32 to index
          %parallel_loop3A_403 = arith.index_cast %parallel_loop3A_401 : i32 to index
          %parallel_loop3A_404 = arith.index_cast %parallel_loop3A_237 : i32 to index
          %parallel_loop3A_405 = arith.index_cast %parallel_loop3A_255 : i32 to index
          %parallel_loop3A_406 = tpu.vector_load %arg7[%parallel_loop3A_402, %parallel_loop3A_403, %parallel_loop3A_404, %parallel_loop3A_405] {strides = array<i32>} : memref<3x14x8x128xf32, #tpu.memory_space<vmem>>, vector<16xf32>,
          tpu.vector_store %arg7[%parallel_loop3A_402, %parallel_loop3A_403, %parallel_loop3A_404, %parallel_loop3A_405], %parallel_loop3A_399 {strides = array<i32>} : memref<3x14x8x128xf32, #tpu.memory_space<vmem>>, vector<16xf32>,
          %parallel_loop3A_407 = arith.constant 5 : i32
          %parallel_loop3A_408 = vector.broadcast %parallel_loop3A_407 : i32 to vector<16xi32>
          %parallel_loop3A_409 = arith.addi %parallel_loop3A_294, %parallel_loop3A_408 : vector<16xi32>
          %parallel_loop3A_410 = tpu.vector_load_idx %arg5[%parallel_loop3A_409] : memref<200xf32, #tpu.memory_space<vmem>>[vector<16xi32>], vector<16xf32>,
          %parallel_loop3A_411 = arith.constant 0 : i32
          %parallel_loop3A_412 = arith.constant 11 : i32
          %parallel_loop3A_413 = arith.index_cast %parallel_loop3A_411 : i32 to index
          %parallel_loop3A_414 = arith.index_cast %parallel_loop3A_412 : i32 to index
          %parallel_loop3A_415 = arith.index_cast %parallel_loop3A_237 : i32 to index
          %parallel_loop3A_416 = arith.index_cast %parallel_loop3A_255 : i32 to index
          %parallel_loop3A_417 = tpu.vector_load %arg7[%parallel_loop3A_413, %parallel_loop3A_414, %parallel_loop3A_415, %parallel_loop3A_416] {strides = array<i32>} : memref<3x14x8x128xf32, #tpu.memory_space<vmem>>, vector<16xf32>,
          tpu.vector_store %arg7[%parallel_loop3A_413, %parallel_loop3A_414, %parallel_loop3A_415, %parallel_loop3A_416], %parallel_loop3A_410 {strides = array<i32>} : memref<3x14x8x128xf32, #tpu.memory_space<vmem>>, vector<16xf32>,
          %parallel_loop3A_418 = arith.constant 6 : i32
          %parallel_loop3A_419 = vector.broadcast %parallel_loop3A_418 : i32 to vector<16xi32>
          %parallel_loop3A_420 = arith.addi %parallel_loop3A_294, %parallel_loop3A_419 : vector<16xi32>
          %parallel_loop3A_421 = tpu.vector_load_idx %arg5[%parallel_loop3A_420] : memref<200xf32, #tpu.memory_space<vmem>>[vector<16xi32>], vector<16xf32>,
          %parallel_loop3A_422 = arith.constant 0 : i32
          %parallel_loop3A_423 = arith.constant 12 : i32
          %parallel_loop3A_424 = arith.index_cast %parallel_loop3A_422 : i32 to index
          %parallel_loop3A_425 = arith.index_cast %parallel_loop3A_423 : i32 to index
          %parallel_loop3A_426 = arith.index_cast %parallel_loop3A_237 : i32 to index
          %parallel_loop3A_427 = arith.index_cast %parallel_loop3A_255 : i32 to index
          %parallel_loop3A_428 = tpu.vector_load %arg7[%parallel_loop3A_424, %parallel_loop3A_425, %parallel_loop3A_426, %parallel_loop3A_427] {strides = array<i32>} : memref<3x14x8x128xf32, #tpu.memory_space<vmem>>, vector<16xf32>,
          tpu.vector_store %arg7[%parallel_loop3A_424, %parallel_loop3A_425, %parallel_loop3A_426, %parallel_loop3A_427], %parallel_loop3A_421 {strides = array<i32>} : memref<3x14x8x128xf32, #tpu.memory_space<vmem>>, vector<16xf32>,
          %parallel_loop3A_429 = arith.constant 7 : i32
          %parallel_loop3A_430 = vector.broadcast %parallel_loop3A_429 : i32 to vector<16xi32>
          %parallel_loop3A_431 = arith.addi %parallel_loop3A_294, %parallel_loop3A_430 : vector<16xi32>
          %parallel_loop3A_432 = tpu.vector_load_idx %arg5[%parallel_loop3A_431] : memref<200xf32, #tpu.memory_space<vmem>>[vector<16xi32>], vector<16xf32>,
          %parallel_loop3A_433 = arith.constant 0 : i32
          %parallel_loop3A_434 = arith.constant 13 : i32
          %parallel_loop3A_435 = arith.index_cast %parallel_loop3A_433 : i32 to index
          %parallel_loop3A_436 = arith.index_cast %parallel_loop3A_434 : i32 to index
          %parallel_loop3A_437 = arith.index_cast %parallel_loop3A_237 : i32 to index
          %parallel_loop3A_438 = arith.index_cast %parallel_loop3A_255 : i32 to index
          %parallel_loop3A_439 = tpu.vector_load %arg7[%parallel_loop3A_435, %parallel_loop3A_436, %parallel_loop3A_437, %parallel_loop3A_438] {strides = array<i32>} : memref<3x14x8x128xf32, #tpu.memory_space<vmem>>, vector<16xf32>,
          tpu.vector_store %arg7[%parallel_loop3A_435, %parallel_loop3A_436, %parallel_loop3A_437, %parallel_loop3A_438], %parallel_loop3A_432 {strides = array<i32>} : memref<3x14x8x128xf32, #tpu.memory_space<vmem>>, vector<16xf32>,
        } {sc.loop_unroll_factor = 8 : i64, sc.parallel_access}
        %dma_start3A_153 = arith.constant 0 : i32
        %dma_start3A_154 = arith.constant 0 : i32
        %dma_start3A_155 = arith.constant 0 : i32
        %dma_start3A_156 = arith.constant 0 : i32
        %dma_start3A_157 = tpu.memref_slice %arg7[%dma_start3A_153, %dma_start3A_154, %dma_start3A_155, %dma_start3A_156] : memref<3x14x8x128xf32, #tpu.memory_space<vmem>> -> memref<1x14x8x128xf32, #tpu.memory_space<vmem>>
        %dma_start3A_158 = tpu.memref_squeeze %dma_start3A_157 : memref<1x14x8x128xf32, #tpu.memory_space<vmem>> -> memref<14x8x128xf32, #tpu.memory_space<vmem>>
        %dma_start3A_159 = arith.constant 20 : i32
        %dma_start3A_160 = tpu.memref_slice %arg4[%dma_start3A_159, %add3A_119, %mul3A_136] : memref<36x1024x1024xf32, #tpu.memory_space<hbm>> -> memref<14x8x128xf32, #tpu.memory_space<hbm>>
        %dma_start3A_161 = arith.constant 20 : i32
        %dma_start3A_162 = tpu.memref_slice %arg4[%dma_start3A_161, %add3A_119, %mul3A_136] : memref<36x1024x1024xf32, #tpu.memory_space<hbm>> -> memref<14x8x128xf32, #tpu.memory_space<hbm>>
        %dma_start3A_163 = arith.constant 0 : i32
        %dma_start3A_164 = arith.constant 0 : i32
        %dma_start3A_165 = arith.constant 0 : i32
        %dma_start3A_166 = tpu.memref_slice %arg7[%dma_start3A_153, %dma_start3A_163, %dma_start3A_164, %dma_start3A_165] : memref<3x14x8x128xf32, #tpu.memory_space<vmem>> -> memref<1x14x8x128xf32, #tpu.memory_space<vmem>>
        %dma_start3A_167 = tpu.memref_squeeze %dma_start3A_166 : memref<1x14x8x128xf32, #tpu.memory_space<vmem>> -> memref<14x8x128xf32, #tpu.memory_space<vmem>>
        tpu.enqueue_dma source(%dma_start3A_167 : memref<14x8x128xf32, #tpu.memory_space<vmem>>) target(%dma_start3A_162 : memref<14x8x128xf32, #tpu.memory_space<hbm>>) target_semaphore(%arg11 : memref<!tpu.dma_semaphore, #tpu.memory_space<semaphore_mem>>)
        %dma_start3A_168 = arith.constant 0 : i32
        %dma_start3A_169 = arith.constant 0 : i32
        %dma_start3A_170 = arith.constant 0 : i32
        %dma_start3A_171 = arith.constant 0 : i32
        %dma_start3A_172 = tpu.memref_slice %arg6[%dma_start3A_168, %dma_start3A_169, %dma_start3A_170, %dma_start3A_171] : memref<3x26x8x128xf32, #tpu.memory_space<vmem>> -> memref<1x18x8x128xf32, #tpu.memory_space<vmem>>
        %dma_start3A_173 = tpu.memref_squeeze %dma_start3A_172 : memref<1x18x8x128xf32, #tpu.memory_space<vmem>> -> memref<18x8x128xf32, #tpu.memory_space<vmem>>
        %dma_start3A_174 = arith.constant 0 : i32
        %dma_start3A_175 = tpu.memref_slice %arg4[%dma_start3A_174, %add3A_119, %mul3A_136] : memref<36x1024x1024xf32, #tpu.memory_space<hbm>> -> memref<18x8x128xf32, #tpu.memory_space<hbm>>
        %dma_start3A_176 = arith.constant 0 : i32
        %dma_start3A_177 = tpu.memref_slice %arg4[%dma_start3A_176, %add3A_119, %mul3A_136] : memref<36x1024x1024xf32, #tpu.memory_space<hbm>> -> memref<18x8x128xf32, #tpu.memory_space<hbm>>
        %dma_start3A_178 = arith.constant 0 : i32
        %dma_start3A_179 = arith.constant 0 : i32
        %dma_start3A_180 = arith.constant 0 : i32
        %dma_start3A_181 = tpu.memref_slice %arg6[%dma_start3A_168, %dma_start3A_178, %dma_start3A_179, %dma_start3A_180] : memref<3x26x8x128xf32, #tpu.memory_space<vmem>> -> memref<1x18x8x128xf32, #tpu.memory_space<vmem>>
        %dma_start3A_182 = tpu.memref_squeeze %dma_start3A_181 : memref<1x18x8x128xf32, #tpu.memory_space<vmem>> -> memref<18x8x128xf32, #tpu.memory_space<vmem>>
        tpu.enqueue_dma source(%dma_start3A_182 : memref<18x8x128xf32, #tpu.memory_space<vmem>>) target(%dma_start3A_177 : memref<18x8x128xf32, #tpu.memory_space<hbm>>) target_semaphore(%arg11 : memref<!tpu.dma_semaphore, #tpu.memory_space<semaphore_mem>>)
        %dma_start3A_183 = arith.constant 0 : i32
        %dma_start3A_184 = arith.constant 19 : i32
        %dma_start3A_185 = arith.constant 0 : i32
        %dma_start3A_186 = arith.constant 0 : i32
        %dma_start3A_187 = tpu.memref_slice %arg6[%dma_start3A_183, %dma_start3A_184, %dma_start3A_185, %dma_start3A_186] : memref<3x26x8x128xf32, #tpu.memory_space<vmem>> -> memref<1x2x8x128xf32, #tpu.memory_space<vmem>>
        %dma_start3A_188 = tpu.memref_squeeze %dma_start3A_187 : memref<1x2x8x128xf32, #tpu.memory_space<vmem>> -> memref<2x8x128xf32, #tpu.memory_space<vmem>>
        %dma_start3A_189 = arith.constant 18 : i32
        %dma_start3A_190 = tpu.memref_slice %arg4[%dma_start3A_189, %add3A_119, %mul3A_136] : memref<36x1024x1024xf32, #tpu.memory_space<hbm>> -> memref<2x8x128xf32, #tpu.memory_space<hbm>>
        %dma_start3A_191 = arith.constant 18 : i32
        %dma_start3A_192 = tpu.memref_slice %arg4[%dma_start3A_191, %add3A_119, %mul3A_136] : memref<36x1024x1024xf32, #tpu.memory_space<hbm>> -> memref<2x8x128xf32, #tpu.memory_space<hbm>>
        %dma_start3A_193 = arith.constant 19 : i32
        %dma_start3A_194 = arith.constant 0 : i32
        %dma_start3A_195 = arith.constant 0 : i32
        %dma_start3A_196 = tpu.memref_slice %arg6[%dma_start3A_183, %dma_start3A_193, %dma_start3A_194, %dma_start3A_195] : memref<3x26x8x128xf32, #tpu.memory_space<vmem>> -> memref<1x2x8x128xf32, #tpu.memory_space<vmem>>
        %dma_start3A_197 = tpu.memref_squeeze %dma_start3A_196 : memref<1x2x8x128xf32, #tpu.memory_space<vmem>> -> memref<2x8x128xf32, #tpu.memory_space<vmem>>
        tpu.enqueue_dma source(%dma_start3A_197 : memref<2x8x128xf32, #tpu.memory_space<vmem>>) target(%dma_start3A_192 : memref<2x8x128xf32, #tpu.memory_space<hbm>>) target_semaphore(%arg11 : memref<!tpu.dma_semaphore, #tpu.memory_space<semaphore_mem>>)
        %dma_start3A_198 = arith.constant 0 : i32
        %dma_start3A_199 = arith.constant 24 : i32
        %dma_start3A_200 = arith.constant 0 : i32
        %dma_start3A_201 = arith.constant 0 : i32
        %dma_start3A_202 = tpu.memref_slice %arg6[%dma_start3A_198, %dma_start3A_199, %dma_start3A_200, %dma_start3A_201] : memref<3x26x8x128xf32, #tpu.memory_space<vmem>> -> memref<1x2x8x128xf32, #tpu.memory_space<vmem>>
        %dma_start3A_203 = tpu.memref_squeeze %dma_start3A_202 : memref<1x2x8x128xf32, #tpu.memory_space<vmem>> -> memref<2x8x128xf32, #tpu.memory_space<vmem>>
        %dma_start3A_204 = arith.constant 34 : i32
        %dma_start3A_205 = tpu.memref_slice %arg4[%dma_start3A_204, %add3A_119, %mul3A_136] : memref<36x1024x1024xf32, #tpu.memory_space<hbm>> -> memref<2x8x128xf32, #tpu.memory_space<hbm>>
        %dma_start3A_206 = arith.constant 34 : i32
        %dma_start3A_207 = tpu.memref_slice %arg4[%dma_start3A_206, %add3A_119, %mul3A_136] : memref<36x1024x1024xf32, #tpu.memory_space<hbm>> -> memref<2x8x128xf32, #tpu.memory_space<hbm>>
        %dma_start3A_208 = arith.constant 24 : i32
        %dma_start3A_209 = arith.constant 0 : i32
        %dma_start3A_210 = arith.constant 0 : i32
        %dma_start3A_211 = tpu.memref_slice %arg6[%dma_start3A_198, %dma_start3A_208, %dma_start3A_209, %dma_start3A_210] : memref<3x26x8x128xf32, #tpu.memory_space<vmem>> -> memref<1x2x8x128xf32, #tpu.memory_space<vmem>>
        %dma_start3A_212 = tpu.memref_squeeze %dma_start3A_211 : memref<1x2x8x128xf32, #tpu.memory_space<vmem>> -> memref<2x8x128xf32, #tpu.memory_space<vmem>>
        tpu.enqueue_dma source(%dma_start3A_212 : memref<2x8x128xf32, #tpu.memory_space<vmem>>) target(%dma_start3A_207 : memref<2x8x128xf32, #tpu.memory_space<hbm>>) target_semaphore(%arg11 : memref<!tpu.dma_semaphore, #tpu.memory_space<semaphore_mem>>)
      } else {
      }
      %mul3A_47 = arith.constant 3 : i32
      %mul3A_48 = arith.muli %scan3A_26, %mul3A_47 : i32
      %add3A_49 = arith.constant 1 : i32
      %add3A_50 = arith.addi %mul3A_48, %add3A_49 : i32
      %ge3A_51 = arith.constant 2 : i32
      %ge3A_52 = arith.cmpi sge, %add3A_50, %ge3A_51 : i32
      %sub3A_53 = arith.constant 2 : i32
      %sub3A_54 = arith.subi %add3A_50, %sub3A_53 : i32
      %lt3A_55 = arith.constant 32 : i32
      %lt3A_56 = arith.cmpi slt, %sub3A_54, %lt3A_55 : i32
      %and3A_57 = arith.andi %ge3A_52, %lt3A_56 : i1
      %convert_element_type3A_58 = arith.extui %and3A_57 : i1 to i32
      %cond3A_59 = arith.constant 0 : i32
      %cond3A_60 = arith.cmpi ne, %convert_element_type3A_58, %cond3A_59 : i32
      scf.if %cond3A_60 {
        %sub3A_99 = arith.constant 2 : i32
        %sub3A_100 = arith.subi %add3A_50, %sub3A_99 : i32
        %jit3A = arith.constant 8 : i32
        %div3A = arith.divsi %sub3A_100, %jit3A : i32
        %sign3A = arith.constant 0 : i32
        %sign3A_101 = arith.cmpi sgt, %sub3A_100, %sign3A : i32
        %sign3A_102 = arith.extui %sign3A_101 : i1 to i32
        %sign3A_103 = arith.constant 0 : i32
        %sign3A_104 = arith.cmpi slt, %sub3A_100, %sign3A_103 : i32
        %sign3A_105 = arith.extui %sign3A_104 : i1 to i32
        %sign3A_106 = arith.subi %sign3A_102, %sign3A_105 : i32
        %sign3A_107 = arith.constant 0 : i32
        %sign3A_108 = arith.cmpi sgt, %jit3A, %sign3A_107 : i32
        %sign3A_109 = arith.extui %sign3A_108 : i1 to i32
        %sign3A_110 = arith.constant 0 : i32
        %sign3A_111 = arith.cmpi slt, %jit3A, %sign3A_110 : i32
        %sign3A_112 = arith.extui %sign3A_111 : i1 to i32
        %sign3A_113 = arith.subi %sign3A_109, %sign3A_112 : i32
        %ne3A = arith.cmpi ne, %sign3A_106, %sign3A_113 : i32
        %rem3A = arith.remsi %sub3A_100, %jit3A : i32
        %ne3A_114 = arith.constant 0 : i32
        %ne3A_115 = arith.cmpi ne, %rem3A, %ne3A_114 : i32
        %and3A_116 = arith.andi %ne3A, %ne3A_115 : i1
        %sub3A_117 = arith.constant 1 : i32
        %sub3A_118 = arith.subi %div3A, %sub3A_117 : i32
        %select_n3A = arith.select %and3A_116, %sub3A_118, %div3A : i32
        %mul3A_119 = arith.constant 8 : i32
        %mul3A_120 = arith.muli %select_n3A, %mul3A_119 : i32
        %add3A_121 = arith.addi %mul3A_2, %mul3A_120 : i32
        %jit3A_122 = arith.constant 8 : i32
        %eq3A = arith.constant 0 : i32
        %eq3A_123 = arith.cmpi eq, %jit3A_122, %eq3A : i32
        %jit3A_124 = arith.constant 1 : i32
        %select_n3A_125 = arith.select %eq3A_123, %jit3A_124, %jit3A_122 : i32
        %rem3A_126 = arith.remsi %sub3A_100, %select_n3A_125 : i32
        %ne3A_127 = arith.constant 0 : i32
        %ne3A_128 = arith.cmpi ne, %rem3A_126, %ne3A_127 : i32
        %lt3A_129 = arith.constant 0 : i32
        %lt3A_130 = arith.cmpi slt, %rem3A_126, %lt3A_129 : i32
        %lt3A_131 = arith.constant 0 : i32
        %lt3A_132 = arith.cmpi slt, %select_n3A_125, %lt3A_131 : i32
        %ne3A_133 = arith.xori %lt3A_130, %lt3A_132 : i1
        %and3A_134 = arith.andi %ne3A_133, %ne3A_128 : i1
        %add3A_135 = arith.addi %rem3A_126, %select_n3A_125 : i32
        %select_n3A_136 = arith.select %and3A_134, %add3A_135, %rem3A_126 : i32
        %mul3A_137 = arith.constant 128 : i32
        %mul3A_138 = arith.muli %select_n3A_136, %mul3A_137 : i32
        %dma_wait3A = arith.constant 2 : i32
        %dma_wait3A_139 = arith.constant 0 : i32
        %dma_wait3A_140 = arith.constant 0 : i32
        %dma_wait3A_141 = arith.constant 0 : i32
        %dma_wait3A_142 = tpu.memref_slice %arg7[%dma_wait3A, %dma_wait3A_139, %dma_wait3A_140, %dma_wait3A_141] : memref<3x14x8x128xf32, #tpu.memory_space<vmem>> -> memref<1x14x8x128xf32, #tpu.memory_space<vmem>>
        %dma_wait3A_143 = tpu.memref_squeeze %dma_wait3A_142 : memref<1x14x8x128xf32, #tpu.memory_space<vmem>> -> memref<14x8x128xf32, #tpu.memory_space<vmem>>
        %dma_wait3A_144 = arith.constant 20 : i32
        %dma_wait3A_145 = tpu.memref_slice %arg4[%dma_wait3A_144, %add3A_121, %mul3A_138] : memref<36x1024x1024xf32, #tpu.memory_space<hbm>> -> memref<14x8x128xf32, #tpu.memory_space<hbm>>
        %dma_wait3A_146 = arith.constant 20 : i32
        %dma_wait3A_147 = tpu.memref_slice %arg4[%dma_wait3A_146, %add3A_121, %mul3A_138] : memref<36x1024x1024xf32, #tpu.memory_space<hbm>> -> memref<14x8x128xf32, #tpu.memory_space<hbm>>
        %dma_wait3A_148 = arith.constant 0 : i32
        %dma_wait3A_149 = arith.constant 0 : i32
        %dma_wait3A_150 = arith.constant 0 : i32
        %dma_wait3A_151 = tpu.memref_slice %arg7[%dma_wait3A, %dma_wait3A_148, %dma_wait3A_149, %dma_wait3A_150] : memref<3x14x8x128xf32, #tpu.memory_space<vmem>> -> memref<1x14x8x128xf32, #tpu.memory_space<vmem>>
        %dma_wait3A_152 = tpu.memref_squeeze %dma_wait3A_151 : memref<1x14x8x128xf32, #tpu.memory_space<vmem>> -> memref<14x8x128xf32, #tpu.memory_space<vmem>>
        tpu.wait_dma2 semaphore(%arg13 : memref<!tpu.dma_semaphore, #tpu.memory_space<semaphore_mem>>) src(%dma_wait3A_152 : memref<14x8x128xf32, #tpu.memory_space<vmem>>) dst(%dma_wait3A_147 : memref<14x8x128xf32, #tpu.memory_space<hbm>>)
        %dma_wait3A_153 = arith.constant 2 : i32
        %dma_wait3A_154 = arith.constant 0 : i32
        %dma_wait3A_155 = arith.constant 0 : i32
        %dma_wait3A_156 = arith.constant 0 : i32
        %dma_wait3A_157 = tpu.memref_slice %arg6[%dma_wait3A_153, %dma_wait3A_154, %dma_wait3A_155, %dma_wait3A_156] : memref<3x26x8x128xf32, #tpu.memory_space<vmem>> -> memref<1x18x8x128xf32, #tpu.memory_space<vmem>>
        %dma_wait3A_158 = tpu.memref_squeeze %dma_wait3A_157 : memref<1x18x8x128xf32, #tpu.memory_space<vmem>> -> memref<18x8x128xf32, #tpu.memory_space<vmem>>
        %dma_wait3A_159 = arith.constant 0 : i32
        %dma_wait3A_160 = tpu.memref_slice %arg4[%dma_wait3A_159, %add3A_121, %mul3A_138] : memref<36x1024x1024xf32, #tpu.memory_space<hbm>> -> memref<18x8x128xf32, #tpu.memory_space<hbm>>
        %dma_wait3A_161 = arith.constant 0 : i32
        %dma_wait3A_162 = tpu.memref_slice %arg4[%dma_wait3A_161, %add3A_121, %mul3A_138] : memref<36x1024x1024xf32, #tpu.memory_space<hbm>> -> memref<18x8x128xf32, #tpu.memory_space<hbm>>
        %dma_wait3A_163 = arith.constant 0 : i32
        %dma_wait3A_164 = arith.constant 0 : i32
        %dma_wait3A_165 = arith.constant 0 : i32
        %dma_wait3A_166 = tpu.memref_slice %arg6[%dma_wait3A_153, %dma_wait3A_163, %dma_wait3A_164, %dma_wait3A_165] : memref<3x26x8x128xf32, #tpu.memory_space<vmem>> -> memref<1x18x8x128xf32, #tpu.memory_space<vmem>>
        %dma_wait3A_167 = tpu.memref_squeeze %dma_wait3A_166 : memref<1x18x8x128xf32, #tpu.memory_space<vmem>> -> memref<18x8x128xf32, #tpu.memory_space<vmem>>
        tpu.wait_dma2 semaphore(%arg13 : memref<!tpu.dma_semaphore, #tpu.memory_space<semaphore_mem>>) src(%dma_wait3A_167 : memref<18x8x128xf32, #tpu.memory_space<vmem>>) dst(%dma_wait3A_162 : memref<18x8x128xf32, #tpu.memory_space<hbm>>)
        %dma_wait3A_168 = arith.constant 2 : i32
        %dma_wait3A_169 = arith.constant 19 : i32
        %dma_wait3A_170 = arith.constant 0 : i32
        %dma_wait3A_171 = arith.constant 0 : i32
        %dma_wait3A_172 = tpu.memref_slice %arg6[%dma_wait3A_168, %dma_wait3A_169, %dma_wait3A_170, %dma_wait3A_171] : memref<3x26x8x128xf32, #tpu.memory_space<vmem>> -> memref<1x2x8x128xf32, #tpu.memory_space<vmem>>
        %dma_wait3A_173 = tpu.memref_squeeze %dma_wait3A_172 : memref<1x2x8x128xf32, #tpu.memory_space<vmem>> -> memref<2x8x128xf32, #tpu.memory_space<vmem>>
        %dma_wait3A_174 = arith.constant 18 : i32
        %dma_wait3A_175 = tpu.memref_slice %arg4[%dma_wait3A_174, %add3A_121, %mul3A_138] : memref<36x1024x1024xf32, #tpu.memory_space<hbm>> -> memref<2x8x128xf32, #tpu.memory_space<hbm>>
        %dma_wait3A_176 = arith.constant 18 : i32
        %dma_wait3A_177 = tpu.memref_slice %arg4[%dma_wait3A_176, %add3A_121, %mul3A_138] : memref<36x1024x1024xf32, #tpu.memory_space<hbm>> -> memref<2x8x128xf32, #tpu.memory_space<hbm>>
        %dma_wait3A_178 = arith.constant 19 : i32
        %dma_wait3A_179 = arith.constant 0 : i32
        %dma_wait3A_180 = arith.constant 0 : i32
        %dma_wait3A_181 = tpu.memref_slice %arg6[%dma_wait3A_168, %dma_wait3A_178, %dma_wait3A_179, %dma_wait3A_180] : memref<3x26x8x128xf32, #tpu.memory_space<vmem>> -> memref<1x2x8x128xf32, #tpu.memory_space<vmem>>
        %dma_wait3A_182 = tpu.memref_squeeze %dma_wait3A_181 : memref<1x2x8x128xf32, #tpu.memory_space<vmem>> -> memref<2x8x128xf32, #tpu.memory_space<vmem>>
        tpu.wait_dma2 semaphore(%arg13 : memref<!tpu.dma_semaphore, #tpu.memory_space<semaphore_mem>>) src(%dma_wait3A_182 : memref<2x8x128xf32, #tpu.memory_space<vmem>>) dst(%dma_wait3A_177 : memref<2x8x128xf32, #tpu.memory_space<hbm>>)
        %dma_wait3A_183 = arith.constant 2 : i32
        %dma_wait3A_184 = arith.constant 24 : i32
        %dma_wait3A_185 = arith.constant 0 : i32
        %dma_wait3A_186 = arith.constant 0 : i32
        %dma_wait3A_187 = tpu.memref_slice %arg6[%dma_wait3A_183, %dma_wait3A_184, %dma_wait3A_185, %dma_wait3A_186] : memref<3x26x8x128xf32, #tpu.memory_space<vmem>> -> memref<1x2x8x128xf32, #tpu.memory_space<vmem>>
        %dma_wait3A_188 = tpu.memref_squeeze %dma_wait3A_187 : memref<1x2x8x128xf32, #tpu.memory_space<vmem>> -> memref<2x8x128xf32, #tpu.memory_space<vmem>>
        %dma_wait3A_189 = arith.constant 34 : i32
        %dma_wait3A_190 = tpu.memref_slice %arg4[%dma_wait3A_189, %add3A_121, %mul3A_138] : memref<36x1024x1024xf32, #tpu.memory_space<hbm>> -> memref<2x8x128xf32, #tpu.memory_space<hbm>>
        %dma_wait3A_191 = arith.constant 34 : i32
        %dma_wait3A_192 = tpu.memref_slice %arg4[%dma_wait3A_191, %add3A_121, %mul3A_138] : memref<36x1024x1024xf32, #tpu.memory_space<hbm>> -> memref<2x8x128xf32, #tpu.memory_space<hbm>>
        %dma_wait3A_193 = arith.constant 24 : i32
        %dma_wait3A_194 = arith.constant 0 : i32
        %dma_wait3A_195 = arith.constant 0 : i32
        %dma_wait3A_196 = tpu.memref_slice %arg6[%dma_wait3A_183, %dma_wait3A_193, %dma_wait3A_194, %dma_wait3A_195] : memref<3x26x8x128xf32, #tpu.memory_space<vmem>> -> memref<1x2x8x128xf32, #tpu.memory_space<vmem>>
        %dma_wait3A_197 = tpu.memref_squeeze %dma_wait3A_196 : memref<1x2x8x128xf32, #tpu.memory_space<vmem>> -> memref<2x8x128xf32, #tpu.memory_space<vmem>>
        tpu.wait_dma2 semaphore(%arg13 : memref<!tpu.dma_semaphore, #tpu.memory_space<semaphore_mem>>) src(%dma_wait3A_197 : memref<2x8x128xf32, #tpu.memory_space<vmem>>) dst(%dma_wait3A_192 : memref<2x8x128xf32, #tpu.memory_space<hbm>>)
      } else {
      }
      %add3A_61 = arith.constant 1 : i32
      %add3A_62 = arith.addi %add3A_50, %add3A_61 : i32
      %lt3A_63 = arith.constant 32 : i32
      %lt3A_64 = arith.cmpi slt, %add3A_62, %lt3A_63 : i32
      %convert_element_type3A_65 = arith.extui %lt3A_64 : i1 to i32
      %cond3A_66 = arith.constant 0 : i32
      %cond3A_67 = arith.cmpi ne, %convert_element_type3A_65, %cond3A_66 : i32
      scf.if %cond3A_67 {
        %add3A_99 = arith.constant 1 : i32
        %add3A_100 = arith.addi %add3A_50, %add3A_99 : i32
        %jit3A = arith.constant 8 : i32
        %div3A = arith.divsi %add3A_100, %jit3A : i32
        %sign3A = arith.constant 0 : i32
        %sign3A_101 = arith.cmpi sgt, %add3A_100, %sign3A : i32
        %sign3A_102 = arith.extui %sign3A_101 : i1 to i32
        %sign3A_103 = arith.constant 0 : i32
        %sign3A_104 = arith.cmpi slt, %add3A_100, %sign3A_103 : i32
        %sign3A_105 = arith.extui %sign3A_104 : i1 to i32
        %sign3A_106 = arith.subi %sign3A_102, %sign3A_105 : i32
        %sign3A_107 = arith.constant 0 : i32
        %sign3A_108 = arith.cmpi sgt, %jit3A, %sign3A_107 : i32
        %sign3A_109 = arith.extui %sign3A_108 : i1 to i32
        %sign3A_110 = arith.constant 0 : i32
        %sign3A_111 = arith.cmpi slt, %jit3A, %sign3A_110 : i32
        %sign3A_112 = arith.extui %sign3A_111 : i1 to i32
        %sign3A_113 = arith.subi %sign3A_109, %sign3A_112 : i32
        %ne3A = arith.cmpi ne, %sign3A_106, %sign3A_113 : i32
        %rem3A = arith.remsi %add3A_100, %jit3A : i32
        %ne3A_114 = arith.constant 0 : i32
        %ne3A_115 = arith.cmpi ne, %rem3A, %ne3A_114 : i32
        %and3A_116 = arith.andi %ne3A, %ne3A_115 : i1
        %sub3A_117 = arith.constant 1 : i32
        %sub3A_118 = arith.subi %div3A, %sub3A_117 : i32
        %select_n3A = arith.select %and3A_116, %sub3A_118, %div3A : i32
        %mul3A_119 = arith.constant 8 : i32
        %mul3A_120 = arith.muli %select_n3A, %mul3A_119 : i32
        %add3A_121 = arith.addi %mul3A_2, %mul3A_120 : i32
        %jit3A_122 = arith.constant 8 : i32
        %eq3A = arith.constant 0 : i32
        %eq3A_123 = arith.cmpi eq, %jit3A_122, %eq3A : i32
        %jit3A_124 = arith.constant 1 : i32
        %select_n3A_125 = arith.select %eq3A_123, %jit3A_124, %jit3A_122 : i32
        %rem3A_126 = arith.remsi %add3A_100, %select_n3A_125 : i32
        %ne3A_127 = arith.constant 0 : i32
        %ne3A_128 = arith.cmpi ne, %rem3A_126, %ne3A_127 : i32
        %lt3A_129 = arith.constant 0 : i32
        %lt3A_130 = arith.cmpi slt, %rem3A_126, %lt3A_129 : i32
        %lt3A_131 = arith.constant 0 : i32
        %lt3A_132 = arith.cmpi slt, %select_n3A_125, %lt3A_131 : i32
        %ne3A_133 = arith.xori %lt3A_130, %lt3A_132 : i1
        %and3A_134 = arith.andi %ne3A_133, %ne3A_128 : i1
        %add3A_135 = arith.addi %rem3A_126, %select_n3A_125 : i32
        %select_n3A_136 = arith.select %and3A_134, %add3A_135, %rem3A_126 : i32
        %mul3A_137 = arith.constant 128 : i32
        %mul3A_138 = arith.muli %select_n3A_136, %mul3A_137 : i32
        %dma_start3A_139 = arith.constant 2 : i32
        %dma_start3A_140 = arith.constant 0 : i32
        %dma_start3A_141 = arith.constant 0 : i32
        %dma_start3A_142 = arith.constant 0 : i32
        %dma_start3A_143 = tpu.memref_slice %arg6[%dma_start3A_139, %dma_start3A_140, %dma_start3A_141, %dma_start3A_142] : memref<3x26x8x128xf32, #tpu.memory_space<vmem>> -> memref<1x26x8x128xf32, #tpu.memory_space<vmem>>
        %dma_start3A_144 = tpu.memref_squeeze %dma_start3A_143 : memref<1x26x8x128xf32, #tpu.memory_space<vmem>> -> memref<26x8x128xf32, #tpu.memory_space<vmem>>
        %dma_start3A_145 = arith.constant 0 : i32
        %dma_start3A_146 = tpu.memref_slice %arg2[%dma_start3A_145, %add3A_121, %mul3A_138] : memref<26x1024x1024xf32, #tpu.memory_space<hbm>> -> memref<26x8x128xf32, #tpu.memory_space<hbm>>
        %dma_start3A_147 = arith.constant 0 : i32
        %dma_start3A_148 = arith.constant 0 : i32
        %dma_start3A_149 = arith.constant 0 : i32
        %dma_start3A_150 = tpu.memref_slice %arg6[%dma_start3A_139, %dma_start3A_147, %dma_start3A_148, %dma_start3A_149] : memref<3x26x8x128xf32, #tpu.memory_space<vmem>> -> memref<1x26x8x128xf32, #tpu.memory_space<vmem>>
        %dma_start3A_151 = tpu.memref_squeeze %dma_start3A_150 : memref<1x26x8x128xf32, #tpu.memory_space<vmem>> -> memref<26x8x128xf32, #tpu.memory_space<vmem>>
        %dma_start3A_152 = arith.constant 0 : i32
        %dma_start3A_153 = tpu.memref_slice %arg2[%dma_start3A_152, %add3A_121, %mul3A_138] : memref<26x1024x1024xf32, #tpu.memory_space<hbm>> -> memref<26x8x128xf32, #tpu.memory_space<hbm>>
        tpu.enqueue_dma source(%dma_start3A_153 : memref<26x8x128xf32, #tpu.memory_space<hbm>>) target(%dma_start3A_151 : memref<26x8x128xf32, #tpu.memory_space<vmem>>) target_semaphore(%arg10 : memref<!tpu.dma_semaphore, #tpu.memory_space<semaphore_mem>>)
      } else {
      }
      %lt3A_68 = arith.constant 32 : i32
      %lt3A_69 = arith.cmpi slt, %add3A_50, %lt3A_68 : i32
      %convert_element_type3A_70 = arith.extui %lt3A_69 : i1 to i32
      %cond3A_71 = arith.constant 0 : i32
      %cond3A_72 = arith.cmpi ne, %convert_element_type3A_70, %cond3A_71 : i32
      scf.if %cond3A_72 {
        %jit3A = arith.constant 8 : i32
        %div3A = arith.divsi %add3A_50, %jit3A : i32
        %sign3A = arith.constant 0 : i32
        %sign3A_99 = arith.cmpi sgt, %add3A_50, %sign3A : i32
        %sign3A_100 = arith.extui %sign3A_99 : i1 to i32
        %sign3A_101 = arith.constant 0 : i32
        %sign3A_102 = arith.cmpi slt, %add3A_50, %sign3A_101 : i32
        %sign3A_103 = arith.extui %sign3A_102 : i1 to i32
        %sign3A_104 = arith.subi %sign3A_100, %sign3A_103 : i32
        %sign3A_105 = arith.constant 0 : i32
        %sign3A_106 = arith.cmpi sgt, %jit3A, %sign3A_105 : i32
        %sign3A_107 = arith.extui %sign3A_106 : i1 to i32
        %sign3A_108 = arith.constant 0 : i32
        %sign3A_109 = arith.cmpi slt, %jit3A, %sign3A_108 : i32
        %sign3A_110 = arith.extui %sign3A_109 : i1 to i32
        %sign3A_111 = arith.subi %sign3A_107, %sign3A_110 : i32
        %ne3A = arith.cmpi ne, %sign3A_104, %sign3A_111 : i32
        %rem3A = arith.remsi %add3A_50, %jit3A : i32
        %ne3A_112 = arith.constant 0 : i32
        %ne3A_113 = arith.cmpi ne, %rem3A, %ne3A_112 : i32
        %and3A_114 = arith.andi %ne3A, %ne3A_113 : i1
        %sub3A_115 = arith.constant 1 : i32
        %sub3A_116 = arith.subi %div3A, %sub3A_115 : i32
        %select_n3A = arith.select %and3A_114, %sub3A_116, %div3A : i32
        %mul3A_117 = arith.constant 8 : i32
        %mul3A_118 = arith.muli %select_n3A, %mul3A_117 : i32
        %add3A_119 = arith.addi %mul3A_2, %mul3A_118 : i32
        %jit3A_120 = arith.constant 8 : i32
        %eq3A = arith.constant 0 : i32
        %eq3A_121 = arith.cmpi eq, %jit3A_120, %eq3A : i32
        %jit3A_122 = arith.constant 1 : i32
        %select_n3A_123 = arith.select %eq3A_121, %jit3A_122, %jit3A_120 : i32
        %rem3A_124 = arith.remsi %add3A_50, %select_n3A_123 : i32
        %ne3A_125 = arith.constant 0 : i32
        %ne3A_126 = arith.cmpi ne, %rem3A_124, %ne3A_125 : i32
        %lt3A_127 = arith.constant 0 : i32
        %lt3A_128 = arith.cmpi slt, %rem3A_124, %lt3A_127 : i32
        %lt3A_129 = arith.constant 0 : i32
        %lt3A_130 = arith.cmpi slt, %select_n3A_123, %lt3A_129 : i32
        %ne3A_131 = arith.xori %lt3A_128, %lt3A_130 : i1
        %and3A_132 = arith.andi %ne3A_131, %ne3A_126 : i1
        %add3A_133 = arith.addi %rem3A_124, %select_n3A_123 : i32
        %select_n3A_134 = arith.select %and3A_132, %add3A_133, %rem3A_124 : i32
        %mul3A_135 = arith.constant 128 : i32
        %mul3A_136 = arith.muli %select_n3A_134, %mul3A_135 : i32
        %dma_wait3A = arith.constant 1 : i32
        %dma_wait3A_137 = arith.constant 0 : i32
        %dma_wait3A_138 = arith.constant 0 : i32
        %dma_wait3A_139 = arith.constant 0 : i32
        %dma_wait3A_140 = tpu.memref_slice %arg6[%dma_wait3A, %dma_wait3A_137, %dma_wait3A_138, %dma_wait3A_139] : memref<3x26x8x128xf32, #tpu.memory_space<vmem>> -> memref<1x26x8x128xf32, #tpu.memory_space<vmem>>
        %dma_wait3A_141 = tpu.memref_squeeze %dma_wait3A_140 : memref<1x26x8x128xf32, #tpu.memory_space<vmem>> -> memref<26x8x128xf32, #tpu.memory_space<vmem>>
        %dma_wait3A_142 = arith.constant 0 : i32
        %dma_wait3A_143 = tpu.memref_slice %arg2[%dma_wait3A_142, %add3A_119, %mul3A_136] : memref<26x1024x1024xf32, #tpu.memory_space<hbm>> -> memref<26x8x128xf32, #tpu.memory_space<hbm>>
        %dma_wait3A_144 = arith.constant 0 : i32
        %dma_wait3A_145 = arith.constant 0 : i32
        %dma_wait3A_146 = arith.constant 0 : i32
        %dma_wait3A_147 = tpu.memref_slice %arg6[%dma_wait3A, %dma_wait3A_144, %dma_wait3A_145, %dma_wait3A_146] : memref<3x26x8x128xf32, #tpu.memory_space<vmem>> -> memref<1x26x8x128xf32, #tpu.memory_space<vmem>>
        %dma_wait3A_148 = tpu.memref_squeeze %dma_wait3A_147 : memref<1x26x8x128xf32, #tpu.memory_space<vmem>> -> memref<26x8x128xf32, #tpu.memory_space<vmem>>
        %dma_wait3A_149 = arith.constant 0 : i32
        %dma_wait3A_150 = tpu.memref_slice %arg2[%dma_wait3A_149, %add3A_119, %mul3A_136] : memref<26x1024x1024xf32, #tpu.memory_space<hbm>> -> memref<26x8x128xf32, #tpu.memory_space<hbm>>
        tpu.wait_dma2 semaphore(%arg9 : memref<!tpu.dma_semaphore, #tpu.memory_space<semaphore_mem>>) src(%dma_wait3A_150 : memref<26x8x128xf32, #tpu.memory_space<hbm>>) dst(%dma_wait3A_148 : memref<26x8x128xf32, #tpu.memory_space<vmem>>)
        %parallel_loop3A = arith.constant 0 : i32
        %parallel_loop3A_151 = arith.constant 64 : i32
        %parallel_loop3A_152 = arith.constant 1 : i32
        scf.for %parallel_loop3A_213 = %parallel_loop3A to %parallel_loop3A_151 step %parallel_loop3A_152  : i32 {
          %parallel_loop3A_214 = arith.constant 8 : i32
          %parallel_loop3A_215 = arith.divsi %parallel_loop3A_213, %parallel_loop3A_214 : i32
          %parallel_loop3A_216 = arith.constant 0 : i32
          %parallel_loop3A_217 = arith.cmpi sgt, %parallel_loop3A_213, %parallel_loop3A_216 : i32
          %parallel_loop3A_218 = arith.extui %parallel_loop3A_217 : i1 to i32
          %parallel_loop3A_219 = arith.constant 0 : i32
          %parallel_loop3A_220 = arith.cmpi slt, %parallel_loop3A_213, %parallel_loop3A_219 : i32
          %parallel_loop3A_221 = arith.extui %parallel_loop3A_220 : i1 to i32
          %parallel_loop3A_222 = arith.subi %parallel_loop3A_218, %parallel_loop3A_221 : i32
          %parallel_loop3A_223 = arith.constant 0 : i32
          %parallel_loop3A_224 = arith.cmpi sgt, %parallel_loop3A_214, %parallel_loop3A_223 : i32
          %parallel_loop3A_225 = arith.extui %parallel_loop3A_224 : i1 to i32
          %parallel_loop3A_226 = arith.constant 0 : i32
          %parallel_loop3A_227 = arith.cmpi slt, %parallel_loop3A_214, %parallel_loop3A_226 : i32
          %parallel_loop3A_228 = arith.extui %parallel_loop3A_227 : i1 to i32
          %parallel_loop3A_229 = arith.subi %parallel_loop3A_225, %parallel_loop3A_228 : i32
          %parallel_loop3A_230 = arith.cmpi ne, %parallel_loop3A_222, %parallel_loop3A_229 : i32
          %parallel_loop3A_231 = arith.remsi %parallel_loop3A_213, %parallel_loop3A_214 : i32
          %parallel_loop3A_232 = arith.constant 0 : i32
          %parallel_loop3A_233 = arith.cmpi ne, %parallel_loop3A_231, %parallel_loop3A_232 : i32
          %parallel_loop3A_234 = arith.andi %parallel_loop3A_230, %parallel_loop3A_233 : i1
          %parallel_loop3A_235 = arith.constant 1 : i32
          %parallel_loop3A_236 = arith.subi %parallel_loop3A_215, %parallel_loop3A_235 : i32
          %parallel_loop3A_237 = arith.select %parallel_loop3A_234, %parallel_loop3A_236, %parallel_loop3A_215 : i32
          %parallel_loop3A_238 = arith.constant 8 : i32
          %parallel_loop3A_239 = arith.constant 0 : i32
          %parallel_loop3A_240 = arith.cmpi eq, %parallel_loop3A_238, %parallel_loop3A_239 : i32
          %parallel_loop3A_241 = arith.constant 1 : i32
          %parallel_loop3A_242 = arith.select %parallel_loop3A_240, %parallel_loop3A_241, %parallel_loop3A_238 : i32
          %parallel_loop3A_243 = arith.remsi %parallel_loop3A_213, %parallel_loop3A_242 : i32
          %parallel_loop3A_244 = arith.constant 0 : i32
          %parallel_loop3A_245 = arith.cmpi ne, %parallel_loop3A_243, %parallel_loop3A_244 : i32
          %parallel_loop3A_246 = arith.constant 0 : i32
          %parallel_loop3A_247 = arith.cmpi slt, %parallel_loop3A_243, %parallel_loop3A_246 : i32
          %parallel_loop3A_248 = arith.constant 0 : i32
          %parallel_loop3A_249 = arith.cmpi slt, %parallel_loop3A_242, %parallel_loop3A_248 : i32
          %parallel_loop3A_250 = arith.xori %parallel_loop3A_247, %parallel_loop3A_249 : i1
          %parallel_loop3A_251 = arith.andi %parallel_loop3A_250, %parallel_loop3A_245 : i1
          %parallel_loop3A_252 = arith.addi %parallel_loop3A_243, %parallel_loop3A_242 : i32
          %parallel_loop3A_253 = arith.select %parallel_loop3A_251, %parallel_loop3A_252, %parallel_loop3A_243 : i32
          %parallel_loop3A_254 = arith.constant 16 : i32
          %parallel_loop3A_255 = arith.muli %parallel_loop3A_253, %parallel_loop3A_254 : i32
          %parallel_loop3A_256 = arith.constant 1 : i32
          %parallel_loop3A_257 = arith.constant 21 : i32
          %parallel_loop3A_258 = arith.index_cast %parallel_loop3A_256 : i32 to index
          %parallel_loop3A_259 = arith.index_cast %parallel_loop3A_257 : i32 to index
          %parallel_loop3A_260 = arith.index_cast %parallel_loop3A_237 : i32 to index
          %parallel_loop3A_261 = arith.index_cast %parallel_loop3A_255 : i32 to index
          %parallel_loop3A_262 = tpu.vector_load %arg6[%parallel_loop3A_258, %parallel_loop3A_259, %parallel_loop3A_260, %parallel_loop3A_261] {strides = array<i32>} : memref<3x26x8x128xf32, #tpu.memory_space<vmem>>, vector<16xf32>,
          %parallel_loop3A_263 = arith.constant 1 : i32
          %parallel_loop3A_264 = arith.constant 22 : i32
          %parallel_loop3A_265 = arith.index_cast %parallel_loop3A_263 : i32 to index
          %parallel_loop3A_266 = arith.index_cast %parallel_loop3A_264 : i32 to index
          %parallel_loop3A_267 = arith.index_cast %parallel_loop3A_237 : i32 to index
          %parallel_loop3A_268 = arith.index_cast %parallel_loop3A_255 : i32 to index
          %parallel_loop3A_269 = tpu.vector_load %arg6[%parallel_loop3A_265, %parallel_loop3A_266, %parallel_loop3A_267, %parallel_loop3A_268] {strides = array<i32>} : memref<3x26x8x128xf32, #tpu.memory_space<vmem>>, vector<16xf32>,
          %parallel_loop3A_270 = arith.constant 1 : i32
          %parallel_loop3A_271 = arith.constant 23 : i32
          %parallel_loop3A_272 = arith.index_cast %parallel_loop3A_270 : i32 to index
          %parallel_loop3A_273 = arith.index_cast %parallel_loop3A_271 : i32 to index
          %parallel_loop3A_274 = arith.index_cast %parallel_loop3A_237 : i32 to index
          %parallel_loop3A_275 = arith.index_cast %parallel_loop3A_255 : i32 to index
          %parallel_loop3A_276 = tpu.vector_load %arg6[%parallel_loop3A_272, %parallel_loop3A_273, %parallel_loop3A_274, %parallel_loop3A_275] {strides = array<i32>} : memref<3x26x8x128xf32, #tpu.memory_space<vmem>>, vector<16xf32>,
          %parallel_loop3A_277 = arith.constant 4.000000e+00 : f32
          %parallel_loop3A_278 = vector.broadcast %parallel_loop3A_277 : f32 to vector<16xf32>
          %parallel_loop3A_279 = arith.mulf %parallel_loop3A_262, %parallel_loop3A_278 : vector<16xf32>
          %parallel_loop3A_280 = arith.fptosi %parallel_loop3A_279 : vector<16xf32> to vector<16xi32>
          %parallel_loop3A_281 = arith.constant 2.000000e+00 : f32
          %parallel_loop3A_282 = vector.broadcast %parallel_loop3A_281 : f32 to vector<16xf32>
          %parallel_loop3A_283 = arith.mulf %parallel_loop3A_269, %parallel_loop3A_282 : vector<16xf32>
          %parallel_loop3A_284 = arith.constant 2.800000e+01 : f32
          %parallel_loop3A_285 = vector.broadcast %parallel_loop3A_284 : f32 to vector<16xf32>
          %parallel_loop3A_286 = arith.addf %parallel_loop3A_283, %parallel_loop3A_285 : vector<16xf32>
          %parallel_loop3A_287 = arith.fptosi %parallel_loop3A_286 : vector<16xf32> to vector<16xi32>
          %parallel_loop3A_288 = arith.constant 8.000000e+00 : f32
          %parallel_loop3A_289 = vector.broadcast %parallel_loop3A_288 : f32 to vector<16xf32>
          %parallel_loop3A_290 = arith.mulf %parallel_loop3A_276, %parallel_loop3A_289 : vector<16xf32>
          %parallel_loop3A_291 = arith.constant 3.200000e+01 : f32
          %parallel_loop3A_292 = vector.broadcast %parallel_loop3A_291 : f32 to vector<16xf32>
          %parallel_loop3A_293 = arith.addf %parallel_loop3A_290, %parallel_loop3A_292 : vector<16xf32>
          %parallel_loop3A_294 = arith.fptosi %parallel_loop3A_293 : vector<16xf32> to vector<16xi32>
          %parallel_loop3A_295 = tpu.vector_load_idx %arg5[%parallel_loop3A_280] : memref<200xf32, #tpu.memory_space<vmem>>[vector<16xi32>], vector<16xf32>,
          %parallel_loop3A_296 = arith.constant 1 : i32
          %parallel_loop3A_297 = arith.constant 0 : i32
          %parallel_loop3A_298 = arith.index_cast %parallel_loop3A_296 : i32 to index
          %parallel_loop3A_299 = arith.index_cast %parallel_loop3A_297 : i32 to index
          %parallel_loop3A_300 = arith.index_cast %parallel_loop3A_237 : i32 to index
          %parallel_loop3A_301 = arith.index_cast %parallel_loop3A_255 : i32 to index
          %parallel_loop3A_302 = tpu.vector_load %arg7[%parallel_loop3A_298, %parallel_loop3A_299, %parallel_loop3A_300, %parallel_loop3A_301] {strides = array<i32>} : memref<3x14x8x128xf32, #tpu.memory_space<vmem>>, vector<16xf32>,
          tpu.vector_store %arg7[%parallel_loop3A_298, %parallel_loop3A_299, %parallel_loop3A_300, %parallel_loop3A_301], %parallel_loop3A_295 {strides = array<i32>} : memref<3x14x8x128xf32, #tpu.memory_space<vmem>>, vector<16xf32>,
          %parallel_loop3A_303 = arith.constant 1 : i32
          %parallel_loop3A_304 = vector.broadcast %parallel_loop3A_303 : i32 to vector<16xi32>
          %parallel_loop3A_305 = arith.addi %parallel_loop3A_280, %parallel_loop3A_304 : vector<16xi32>
          %parallel_loop3A_306 = tpu.vector_load_idx %arg5[%parallel_loop3A_305] : memref<200xf32, #tpu.memory_space<vmem>>[vector<16xi32>], vector<16xf32>,
          %parallel_loop3A_307 = arith.constant 1 : i32
          %parallel_loop3A_308 = arith.constant 1 : i32
          %parallel_loop3A_309 = arith.index_cast %parallel_loop3A_307 : i32 to index
          %parallel_loop3A_310 = arith.index_cast %parallel_loop3A_308 : i32 to index
          %parallel_loop3A_311 = arith.index_cast %parallel_loop3A_237 : i32 to index
          %parallel_loop3A_312 = arith.index_cast %parallel_loop3A_255 : i32 to index
          %parallel_loop3A_313 = tpu.vector_load %arg7[%parallel_loop3A_309, %parallel_loop3A_310, %parallel_loop3A_311, %parallel_loop3A_312] {strides = array<i32>} : memref<3x14x8x128xf32, #tpu.memory_space<vmem>>, vector<16xf32>,
          tpu.vector_store %arg7[%parallel_loop3A_309, %parallel_loop3A_310, %parallel_loop3A_311, %parallel_loop3A_312], %parallel_loop3A_306 {strides = array<i32>} : memref<3x14x8x128xf32, #tpu.memory_space<vmem>>, vector<16xf32>,
          %parallel_loop3A_314 = arith.constant 2 : i32
          %parallel_loop3A_315 = vector.broadcast %parallel_loop3A_314 : i32 to vector<16xi32>
          %parallel_loop3A_316 = arith.addi %parallel_loop3A_280, %parallel_loop3A_315 : vector<16xi32>
          %parallel_loop3A_317 = tpu.vector_load_idx %arg5[%parallel_loop3A_316] : memref<200xf32, #tpu.memory_space<vmem>>[vector<16xi32>], vector<16xf32>,
          %parallel_loop3A_318 = arith.constant 1 : i32
          %parallel_loop3A_319 = arith.constant 2 : i32
          %parallel_loop3A_320 = arith.index_cast %parallel_loop3A_318 : i32 to index
          %parallel_loop3A_321 = arith.index_cast %parallel_loop3A_319 : i32 to index
          %parallel_loop3A_322 = arith.index_cast %parallel_loop3A_237 : i32 to index
          %parallel_loop3A_323 = arith.index_cast %parallel_loop3A_255 : i32 to index
          %parallel_loop3A_324 = tpu.vector_load %arg7[%parallel_loop3A_320, %parallel_loop3A_321, %parallel_loop3A_322, %parallel_loop3A_323] {strides = array<i32>} : memref<3x14x8x128xf32, #tpu.memory_space<vmem>>, vector<16xf32>,
          tpu.vector_store %arg7[%parallel_loop3A_320, %parallel_loop3A_321, %parallel_loop3A_322, %parallel_loop3A_323], %parallel_loop3A_317 {strides = array<i32>} : memref<3x14x8x128xf32, #tpu.memory_space<vmem>>, vector<16xf32>,
          %parallel_loop3A_325 = arith.constant 3 : i32
          %parallel_loop3A_326 = vector.broadcast %parallel_loop3A_325 : i32 to vector<16xi32>
          %parallel_loop3A_327 = arith.addi %parallel_loop3A_280, %parallel_loop3A_326 : vector<16xi32>
          %parallel_loop3A_328 = tpu.vector_load_idx %arg5[%parallel_loop3A_327] : memref<200xf32, #tpu.memory_space<vmem>>[vector<16xi32>], vector<16xf32>,
          %parallel_loop3A_329 = arith.constant 1 : i32
          %parallel_loop3A_330 = arith.constant 3 : i32
          %parallel_loop3A_331 = arith.index_cast %parallel_loop3A_329 : i32 to index
          %parallel_loop3A_332 = arith.index_cast %parallel_loop3A_330 : i32 to index
          %parallel_loop3A_333 = arith.index_cast %parallel_loop3A_237 : i32 to index
          %parallel_loop3A_334 = arith.index_cast %parallel_loop3A_255 : i32 to index
          %parallel_loop3A_335 = tpu.vector_load %arg7[%parallel_loop3A_331, %parallel_loop3A_332, %parallel_loop3A_333, %parallel_loop3A_334] {strides = array<i32>} : memref<3x14x8x128xf32, #tpu.memory_space<vmem>>, vector<16xf32>,
          tpu.vector_store %arg7[%parallel_loop3A_331, %parallel_loop3A_332, %parallel_loop3A_333, %parallel_loop3A_334], %parallel_loop3A_328 {strides = array<i32>} : memref<3x14x8x128xf32, #tpu.memory_space<vmem>>, vector<16xf32>,
          %parallel_loop3A_336 = tpu.vector_load_idx %arg5[%parallel_loop3A_287] : memref<200xf32, #tpu.memory_space<vmem>>[vector<16xi32>], vector<16xf32>,
          %parallel_loop3A_337 = arith.constant 1 : i32
          %parallel_loop3A_338 = arith.constant 4 : i32
          %parallel_loop3A_339 = arith.index_cast %parallel_loop3A_337 : i32 to index
          %parallel_loop3A_340 = arith.index_cast %parallel_loop3A_338 : i32 to index
          %parallel_loop3A_341 = arith.index_cast %parallel_loop3A_237 : i32 to index
          %parallel_loop3A_342 = arith.index_cast %parallel_loop3A_255 : i32 to index
          %parallel_loop3A_343 = tpu.vector_load %arg7[%parallel_loop3A_339, %parallel_loop3A_340, %parallel_loop3A_341, %parallel_loop3A_342] {strides = array<i32>} : memref<3x14x8x128xf32, #tpu.memory_space<vmem>>, vector<16xf32>,
          tpu.vector_store %arg7[%parallel_loop3A_339, %parallel_loop3A_340, %parallel_loop3A_341, %parallel_loop3A_342], %parallel_loop3A_336 {strides = array<i32>} : memref<3x14x8x128xf32, #tpu.memory_space<vmem>>, vector<16xf32>,
          %parallel_loop3A_344 = arith.constant 1 : i32
          %parallel_loop3A_345 = vector.broadcast %parallel_loop3A_344 : i32 to vector<16xi32>
          %parallel_loop3A_346 = arith.addi %parallel_loop3A_287, %parallel_loop3A_345 : vector<16xi32>
          %parallel_loop3A_347 = tpu.vector_load_idx %arg5[%parallel_loop3A_346] : memref<200xf32, #tpu.memory_space<vmem>>[vector<16xi32>], vector<16xf32>,
          %parallel_loop3A_348 = arith.constant 1 : i32
          %parallel_loop3A_349 = arith.constant 5 : i32
          %parallel_loop3A_350 = arith.index_cast %parallel_loop3A_348 : i32 to index
          %parallel_loop3A_351 = arith.index_cast %parallel_loop3A_349 : i32 to index
          %parallel_loop3A_352 = arith.index_cast %parallel_loop3A_237 : i32 to index
          %parallel_loop3A_353 = arith.index_cast %parallel_loop3A_255 : i32 to index
          %parallel_loop3A_354 = tpu.vector_load %arg7[%parallel_loop3A_350, %parallel_loop3A_351, %parallel_loop3A_352, %parallel_loop3A_353] {strides = array<i32>} : memref<3x14x8x128xf32, #tpu.memory_space<vmem>>, vector<16xf32>,
          tpu.vector_store %arg7[%parallel_loop3A_350, %parallel_loop3A_351, %parallel_loop3A_352, %parallel_loop3A_353], %parallel_loop3A_347 {strides = array<i32>} : memref<3x14x8x128xf32, #tpu.memory_space<vmem>>, vector<16xf32>,
          %parallel_loop3A_355 = tpu.vector_load_idx %arg5[%parallel_loop3A_294] : memref<200xf32, #tpu.memory_space<vmem>>[vector<16xi32>], vector<16xf32>,
          %parallel_loop3A_356 = arith.constant 1 : i32
          %parallel_loop3A_357 = arith.constant 6 : i32
          %parallel_loop3A_358 = arith.index_cast %parallel_loop3A_356 : i32 to index
          %parallel_loop3A_359 = arith.index_cast %parallel_loop3A_357 : i32 to index
          %parallel_loop3A_360 = arith.index_cast %parallel_loop3A_237 : i32 to index
          %parallel_loop3A_361 = arith.index_cast %parallel_loop3A_255 : i32 to index
          %parallel_loop3A_362 = tpu.vector_load %arg7[%parallel_loop3A_358, %parallel_loop3A_359, %parallel_loop3A_360, %parallel_loop3A_361] {strides = array<i32>} : memref<3x14x8x128xf32, #tpu.memory_space<vmem>>, vector<16xf32>,
          tpu.vector_store %arg7[%parallel_loop3A_358, %parallel_loop3A_359, %parallel_loop3A_360, %parallel_loop3A_361], %parallel_loop3A_355 {strides = array<i32>} : memref<3x14x8x128xf32, #tpu.memory_space<vmem>>, vector<16xf32>,
          %parallel_loop3A_363 = arith.constant 1 : i32
          %parallel_loop3A_364 = vector.broadcast %parallel_loop3A_363 : i32 to vector<16xi32>
          %parallel_loop3A_365 = arith.addi %parallel_loop3A_294, %parallel_loop3A_364 : vector<16xi32>
          %parallel_loop3A_366 = tpu.vector_load_idx %arg5[%parallel_loop3A_365] : memref<200xf32, #tpu.memory_space<vmem>>[vector<16xi32>], vector<16xf32>,
          %parallel_loop3A_367 = arith.constant 1 : i32
          %parallel_loop3A_368 = arith.constant 7 : i32
          %parallel_loop3A_369 = arith.index_cast %parallel_loop3A_367 : i32 to index
          %parallel_loop3A_370 = arith.index_cast %parallel_loop3A_368 : i32 to index
          %parallel_loop3A_371 = arith.index_cast %parallel_loop3A_237 : i32 to index
          %parallel_loop3A_372 = arith.index_cast %parallel_loop3A_255 : i32 to index
          %parallel_loop3A_373 = tpu.vector_load %arg7[%parallel_loop3A_369, %parallel_loop3A_370, %parallel_loop3A_371, %parallel_loop3A_372] {strides = array<i32>} : memref<3x14x8x128xf32, #tpu.memory_space<vmem>>, vector<16xf32>,
          tpu.vector_store %arg7[%parallel_loop3A_369, %parallel_loop3A_370, %parallel_loop3A_371, %parallel_loop3A_372], %parallel_loop3A_366 {strides = array<i32>} : memref<3x14x8x128xf32, #tpu.memory_space<vmem>>, vector<16xf32>,
          %parallel_loop3A_374 = arith.constant 2 : i32
          %parallel_loop3A_375 = vector.broadcast %parallel_loop3A_374 : i32 to vector<16xi32>
          %parallel_loop3A_376 = arith.addi %parallel_loop3A_294, %parallel_loop3A_375 : vector<16xi32>
          %parallel_loop3A_377 = tpu.vector_load_idx %arg5[%parallel_loop3A_376] : memref<200xf32, #tpu.memory_space<vmem>>[vector<16xi32>], vector<16xf32>,
          %parallel_loop3A_378 = arith.constant 1 : i32
          %parallel_loop3A_379 = arith.constant 8 : i32
          %parallel_loop3A_380 = arith.index_cast %parallel_loop3A_378 : i32 to index
          %parallel_loop3A_381 = arith.index_cast %parallel_loop3A_379 : i32 to index
          %parallel_loop3A_382 = arith.index_cast %parallel_loop3A_237 : i32 to index
          %parallel_loop3A_383 = arith.index_cast %parallel_loop3A_255 : i32 to index
          %parallel_loop3A_384 = tpu.vector_load %arg7[%parallel_loop3A_380, %parallel_loop3A_381, %parallel_loop3A_382, %parallel_loop3A_383] {strides = array<i32>} : memref<3x14x8x128xf32, #tpu.memory_space<vmem>>, vector<16xf32>,
          tpu.vector_store %arg7[%parallel_loop3A_380, %parallel_loop3A_381, %parallel_loop3A_382, %parallel_loop3A_383], %parallel_loop3A_377 {strides = array<i32>} : memref<3x14x8x128xf32, #tpu.memory_space<vmem>>, vector<16xf32>,
          %parallel_loop3A_385 = arith.constant 3 : i32
          %parallel_loop3A_386 = vector.broadcast %parallel_loop3A_385 : i32 to vector<16xi32>
          %parallel_loop3A_387 = arith.addi %parallel_loop3A_294, %parallel_loop3A_386 : vector<16xi32>
          %parallel_loop3A_388 = tpu.vector_load_idx %arg5[%parallel_loop3A_387] : memref<200xf32, #tpu.memory_space<vmem>>[vector<16xi32>], vector<16xf32>,
          %parallel_loop3A_389 = arith.constant 1 : i32
          %parallel_loop3A_390 = arith.constant 9 : i32
          %parallel_loop3A_391 = arith.index_cast %parallel_loop3A_389 : i32 to index
          %parallel_loop3A_392 = arith.index_cast %parallel_loop3A_390 : i32 to index
          %parallel_loop3A_393 = arith.index_cast %parallel_loop3A_237 : i32 to index
          %parallel_loop3A_394 = arith.index_cast %parallel_loop3A_255 : i32 to index
          %parallel_loop3A_395 = tpu.vector_load %arg7[%parallel_loop3A_391, %parallel_loop3A_392, %parallel_loop3A_393, %parallel_loop3A_394] {strides = array<i32>} : memref<3x14x8x128xf32, #tpu.memory_space<vmem>>, vector<16xf32>,
          tpu.vector_store %arg7[%parallel_loop3A_391, %parallel_loop3A_392, %parallel_loop3A_393, %parallel_loop3A_394], %parallel_loop3A_388 {strides = array<i32>} : memref<3x14x8x128xf32, #tpu.memory_space<vmem>>, vector<16xf32>,
          %parallel_loop3A_396 = arith.constant 4 : i32
          %parallel_loop3A_397 = vector.broadcast %parallel_loop3A_396 : i32 to vector<16xi32>
          %parallel_loop3A_398 = arith.addi %parallel_loop3A_294, %parallel_loop3A_397 : vector<16xi32>
          %parallel_loop3A_399 = tpu.vector_load_idx %arg5[%parallel_loop3A_398] : memref<200xf32, #tpu.memory_space<vmem>>[vector<16xi32>], vector<16xf32>,
          %parallel_loop3A_400 = arith.constant 1 : i32
          %parallel_loop3A_401 = arith.constant 10 : i32
          %parallel_loop3A_402 = arith.index_cast %parallel_loop3A_400 : i32 to index
          %parallel_loop3A_403 = arith.index_cast %parallel_loop3A_401 : i32 to index
          %parallel_loop3A_404 = arith.index_cast %parallel_loop3A_237 : i32 to index
          %parallel_loop3A_405 = arith.index_cast %parallel_loop3A_255 : i32 to index
          %parallel_loop3A_406 = tpu.vector_load %arg7[%parallel_loop3A_402, %parallel_loop3A_403, %parallel_loop3A_404, %parallel_loop3A_405] {strides = array<i32>} : memref<3x14x8x128xf32, #tpu.memory_space<vmem>>, vector<16xf32>,
          tpu.vector_store %arg7[%parallel_loop3A_402, %parallel_loop3A_403, %parallel_loop3A_404, %parallel_loop3A_405], %parallel_loop3A_399 {strides = array<i32>} : memref<3x14x8x128xf32, #tpu.memory_space<vmem>>, vector<16xf32>,
          %parallel_loop3A_407 = arith.constant 5 : i32
          %parallel_loop3A_408 = vector.broadcast %parallel_loop3A_407 : i32 to vector<16xi32>
          %parallel_loop3A_409 = arith.addi %parallel_loop3A_294, %parallel_loop3A_408 : vector<16xi32>
          %parallel_loop3A_410 = tpu.vector_load_idx %arg5[%parallel_loop3A_409] : memref<200xf32, #tpu.memory_space<vmem>>[vector<16xi32>], vector<16xf32>,
          %parallel_loop3A_411 = arith.constant 1 : i32
          %parallel_loop3A_412 = arith.constant 11 : i32
          %parallel_loop3A_413 = arith.index_cast %parallel_loop3A_411 : i32 to index
          %parallel_loop3A_414 = arith.index_cast %parallel_loop3A_412 : i32 to index
          %parallel_loop3A_415 = arith.index_cast %parallel_loop3A_237 : i32 to index
          %parallel_loop3A_416 = arith.index_cast %parallel_loop3A_255 : i32 to index
          %parallel_loop3A_417 = tpu.vector_load %arg7[%parallel_loop3A_413, %parallel_loop3A_414, %parallel_loop3A_415, %parallel_loop3A_416] {strides = array<i32>} : memref<3x14x8x128xf32, #tpu.memory_space<vmem>>, vector<16xf32>,
          tpu.vector_store %arg7[%parallel_loop3A_413, %parallel_loop3A_414, %parallel_loop3A_415, %parallel_loop3A_416], %parallel_loop3A_410 {strides = array<i32>} : memref<3x14x8x128xf32, #tpu.memory_space<vmem>>, vector<16xf32>,
          %parallel_loop3A_418 = arith.constant 6 : i32
          %parallel_loop3A_419 = vector.broadcast %parallel_loop3A_418 : i32 to vector<16xi32>
          %parallel_loop3A_420 = arith.addi %parallel_loop3A_294, %parallel_loop3A_419 : vector<16xi32>
          %parallel_loop3A_421 = tpu.vector_load_idx %arg5[%parallel_loop3A_420] : memref<200xf32, #tpu.memory_space<vmem>>[vector<16xi32>], vector<16xf32>,
          %parallel_loop3A_422 = arith.constant 1 : i32
          %parallel_loop3A_423 = arith.constant 12 : i32
          %parallel_loop3A_424 = arith.index_cast %parallel_loop3A_422 : i32 to index
          %parallel_loop3A_425 = arith.index_cast %parallel_loop3A_423 : i32 to index
          %parallel_loop3A_426 = arith.index_cast %parallel_loop3A_237 : i32 to index
          %parallel_loop3A_427 = arith.index_cast %parallel_loop3A_255 : i32 to index
          %parallel_loop3A_428 = tpu.vector_load %arg7[%parallel_loop3A_424, %parallel_loop3A_425, %parallel_loop3A_426, %parallel_loop3A_427] {strides = array<i32>} : memref<3x14x8x128xf32, #tpu.memory_space<vmem>>, vector<16xf32>,
          tpu.vector_store %arg7[%parallel_loop3A_424, %parallel_loop3A_425, %parallel_loop3A_426, %parallel_loop3A_427], %parallel_loop3A_421 {strides = array<i32>} : memref<3x14x8x128xf32, #tpu.memory_space<vmem>>, vector<16xf32>,
          %parallel_loop3A_429 = arith.constant 7 : i32
          %parallel_loop3A_430 = vector.broadcast %parallel_loop3A_429 : i32 to vector<16xi32>
          %parallel_loop3A_431 = arith.addi %parallel_loop3A_294, %parallel_loop3A_430 : vector<16xi32>
          %parallel_loop3A_432 = tpu.vector_load_idx %arg5[%parallel_loop3A_431] : memref<200xf32, #tpu.memory_space<vmem>>[vector<16xi32>], vector<16xf32>,
          %parallel_loop3A_433 = arith.constant 1 : i32
          %parallel_loop3A_434 = arith.constant 13 : i32
          %parallel_loop3A_435 = arith.index_cast %parallel_loop3A_433 : i32 to index
          %parallel_loop3A_436 = arith.index_cast %parallel_loop3A_434 : i32 to index
          %parallel_loop3A_437 = arith.index_cast %parallel_loop3A_237 : i32 to index
          %parallel_loop3A_438 = arith.index_cast %parallel_loop3A_255 : i32 to index
          %parallel_loop3A_439 = tpu.vector_load %arg7[%parallel_loop3A_435, %parallel_loop3A_436, %parallel_loop3A_437, %parallel_loop3A_438] {strides = array<i32>} : memref<3x14x8x128xf32, #tpu.memory_space<vmem>>, vector<16xf32>,
          tpu.vector_store %arg7[%parallel_loop3A_435, %parallel_loop3A_436, %parallel_loop3A_437, %parallel_loop3A_438], %parallel_loop3A_432 {strides = array<i32>} : memref<3x14x8x128xf32, #tpu.memory_space<vmem>>, vector<16xf32>,
        } {sc.loop_unroll_factor = 8 : i64, sc.parallel_access}
        %dma_start3A_153 = arith.constant 1 : i32
        %dma_start3A_154 = arith.constant 0 : i32
        %dma_start3A_155 = arith.constant 0 : i32
        %dma_start3A_156 = arith.constant 0 : i32
        %dma_start3A_157 = tpu.memref_slice %arg7[%dma_start3A_153, %dma_start3A_154, %dma_start3A_155, %dma_start3A_156] : memref<3x14x8x128xf32, #tpu.memory_space<vmem>> -> memref<1x14x8x128xf32, #tpu.memory_space<vmem>>
        %dma_start3A_158 = tpu.memref_squeeze %dma_start3A_157 : memref<1x14x8x128xf32, #tpu.memory_space<vmem>> -> memref<14x8x128xf32, #tpu.memory_space<vmem>>
        %dma_start3A_159 = arith.constant 20 : i32
        %dma_start3A_160 = tpu.memref_slice %arg4[%dma_start3A_159, %add3A_119, %mul3A_136] : memref<36x1024x1024xf32, #tpu.memory_space<hbm>> -> memref<14x8x128xf32, #tpu.memory_space<hbm>>
        %dma_start3A_161 = arith.constant 20 : i32
        %dma_start3A_162 = tpu.memref_slice %arg4[%dma_start3A_161, %add3A_119, %mul3A_136] : memref<36x1024x1024xf32, #tpu.memory_space<hbm>> -> memref<14x8x128xf32, #tpu.memory_space<hbm>>
        %dma_start3A_163 = arith.constant 0 : i32
        %dma_start3A_164 = arith.constant 0 : i32
        %dma_start3A_165 = arith.constant 0 : i32
        %dma_start3A_166 = tpu.memref_slice %arg7[%dma_start3A_153, %dma_start3A_163, %dma_start3A_164, %dma_start3A_165] : memref<3x14x8x128xf32, #tpu.memory_space<vmem>> -> memref<1x14x8x128xf32, #tpu.memory_space<vmem>>
        %dma_start3A_167 = tpu.memref_squeeze %dma_start3A_166 : memref<1x14x8x128xf32, #tpu.memory_space<vmem>> -> memref<14x8x128xf32, #tpu.memory_space<vmem>>
        tpu.enqueue_dma source(%dma_start3A_167 : memref<14x8x128xf32, #tpu.memory_space<vmem>>) target(%dma_start3A_162 : memref<14x8x128xf32, #tpu.memory_space<hbm>>) target_semaphore(%arg12 : memref<!tpu.dma_semaphore, #tpu.memory_space<semaphore_mem>>)
        %dma_start3A_168 = arith.constant 1 : i32
        %dma_start3A_169 = arith.constant 0 : i32
        %dma_start3A_170 = arith.constant 0 : i32
        %dma_start3A_171 = arith.constant 0 : i32
        %dma_start3A_172 = tpu.memref_slice %arg6[%dma_start3A_168, %dma_start3A_169, %dma_start3A_170, %dma_start3A_171] : memref<3x26x8x128xf32, #tpu.memory_space<vmem>> -> memref<1x18x8x128xf32, #tpu.memory_space<vmem>>
        %dma_start3A_173 = tpu.memref_squeeze %dma_start3A_172 : memref<1x18x8x128xf32, #tpu.memory_space<vmem>> -> memref<18x8x128xf32, #tpu.memory_space<vmem>>
        %dma_start3A_174 = arith.constant 0 : i32
        %dma_start3A_175 = tpu.memref_slice %arg4[%dma_start3A_174, %add3A_119, %mul3A_136] : memref<36x1024x1024xf32, #tpu.memory_space<hbm>> -> memref<18x8x128xf32, #tpu.memory_space<hbm>>
        %dma_start3A_176 = arith.constant 0 : i32
        %dma_start3A_177 = tpu.memref_slice %arg4[%dma_start3A_176, %add3A_119, %mul3A_136] : memref<36x1024x1024xf32, #tpu.memory_space<hbm>> -> memref<18x8x128xf32, #tpu.memory_space<hbm>>
        %dma_start3A_178 = arith.constant 0 : i32
        %dma_start3A_179 = arith.constant 0 : i32
        %dma_start3A_180 = arith.constant 0 : i32
        %dma_start3A_181 = tpu.memref_slice %arg6[%dma_start3A_168, %dma_start3A_178, %dma_start3A_179, %dma_start3A_180] : memref<3x26x8x128xf32, #tpu.memory_space<vmem>> -> memref<1x18x8x128xf32, #tpu.memory_space<vmem>>
        %dma_start3A_182 = tpu.memref_squeeze %dma_start3A_181 : memref<1x18x8x128xf32, #tpu.memory_space<vmem>> -> memref<18x8x128xf32, #tpu.memory_space<vmem>>
        tpu.enqueue_dma source(%dma_start3A_182 : memref<18x8x128xf32, #tpu.memory_space<vmem>>) target(%dma_start3A_177 : memref<18x8x128xf32, #tpu.memory_space<hbm>>) target_semaphore(%arg12 : memref<!tpu.dma_semaphore, #tpu.memory_space<semaphore_mem>>)
        %dma_start3A_183 = arith.constant 1 : i32
        %dma_start3A_184 = arith.constant 19 : i32
        %dma_start3A_185 = arith.constant 0 : i32
        %dma_start3A_186 = arith.constant 0 : i32
        %dma_start3A_187 = tpu.memref_slice %arg6[%dma_start3A_183, %dma_start3A_184, %dma_start3A_185, %dma_start3A_186] : memref<3x26x8x128xf32, #tpu.memory_space<vmem>> -> memref<1x2x8x128xf32, #tpu.memory_space<vmem>>
        %dma_start3A_188 = tpu.memref_squeeze %dma_start3A_187 : memref<1x2x8x128xf32, #tpu.memory_space<vmem>> -> memref<2x8x128xf32, #tpu.memory_space<vmem>>
        %dma_start3A_189 = arith.constant 18 : i32
        %dma_start3A_190 = tpu.memref_slice %arg4[%dma_start3A_189, %add3A_119, %mul3A_136] : memref<36x1024x1024xf32, #tpu.memory_space<hbm>> -> memref<2x8x128xf32, #tpu.memory_space<hbm>>
        %dma_start3A_191 = arith.constant 18 : i32
        %dma_start3A_192 = tpu.memref_slice %arg4[%dma_start3A_191, %add3A_119, %mul3A_136] : memref<36x1024x1024xf32, #tpu.memory_space<hbm>> -> memref<2x8x128xf32, #tpu.memory_space<hbm>>
        %dma_start3A_193 = arith.constant 19 : i32
        %dma_start3A_194 = arith.constant 0 : i32
        %dma_start3A_195 = arith.constant 0 : i32
        %dma_start3A_196 = tpu.memref_slice %arg6[%dma_start3A_183, %dma_start3A_193, %dma_start3A_194, %dma_start3A_195] : memref<3x26x8x128xf32, #tpu.memory_space<vmem>> -> memref<1x2x8x128xf32, #tpu.memory_space<vmem>>
        %dma_start3A_197 = tpu.memref_squeeze %dma_start3A_196 : memref<1x2x8x128xf32, #tpu.memory_space<vmem>> -> memref<2x8x128xf32, #tpu.memory_space<vmem>>
        tpu.enqueue_dma source(%dma_start3A_197 : memref<2x8x128xf32, #tpu.memory_space<vmem>>) target(%dma_start3A_192 : memref<2x8x128xf32, #tpu.memory_space<hbm>>) target_semaphore(%arg12 : memref<!tpu.dma_semaphore, #tpu.memory_space<semaphore_mem>>)
        %dma_start3A_198 = arith.constant 1 : i32
        %dma_start3A_199 = arith.constant 24 : i32
        %dma_start3A_200 = arith.constant 0 : i32
        %dma_start3A_201 = arith.constant 0 : i32
        %dma_start3A_202 = tpu.memref_slice %arg6[%dma_start3A_198, %dma_start3A_199, %dma_start3A_200, %dma_start3A_201] : memref<3x26x8x128xf32, #tpu.memory_space<vmem>> -> memref<1x2x8x128xf32, #tpu.memory_space<vmem>>
        %dma_start3A_203 = tpu.memref_squeeze %dma_start3A_202 : memref<1x2x8x128xf32, #tpu.memory_space<vmem>> -> memref<2x8x128xf32, #tpu.memory_space<vmem>>
        %dma_start3A_204 = arith.constant 34 : i32
        %dma_start3A_205 = tpu.memref_slice %arg4[%dma_start3A_204, %add3A_119, %mul3A_136] : memref<36x1024x1024xf32, #tpu.memory_space<hbm>> -> memref<2x8x128xf32, #tpu.memory_space<hbm>>
        %dma_start3A_206 = arith.constant 34 : i32
        %dma_start3A_207 = tpu.memref_slice %arg4[%dma_start3A_206, %add3A_119, %mul3A_136] : memref<36x1024x1024xf32, #tpu.memory_space<hbm>> -> memref<2x8x128xf32, #tpu.memory_space<hbm>>
        %dma_start3A_208 = arith.constant 24 : i32
        %dma_start3A_209 = arith.constant 0 : i32
        %dma_start3A_210 = arith.constant 0 : i32
        %dma_start3A_211 = tpu.memref_slice %arg6[%dma_start3A_198, %dma_start3A_208, %dma_start3A_209, %dma_start3A_210] : memref<3x26x8x128xf32, #tpu.memory_space<vmem>> -> memref<1x2x8x128xf32, #tpu.memory_space<vmem>>
        %dma_start3A_212 = tpu.memref_squeeze %dma_start3A_211 : memref<1x2x8x128xf32, #tpu.memory_space<vmem>> -> memref<2x8x128xf32, #tpu.memory_space<vmem>>
        tpu.enqueue_dma source(%dma_start3A_212 : memref<2x8x128xf32, #tpu.memory_space<vmem>>) target(%dma_start3A_207 : memref<2x8x128xf32, #tpu.memory_space<hbm>>) target_semaphore(%arg12 : memref<!tpu.dma_semaphore, #tpu.memory_space<semaphore_mem>>)
      } else {
      }
      %mul3A_73 = arith.constant 3 : i32
      %mul3A_74 = arith.muli %scan3A_26, %mul3A_73 : i32
      %add3A_75 = arith.constant 2 : i32
      %add3A_76 = arith.addi %mul3A_74, %add3A_75 : i32
      %ge3A_77 = arith.constant 2 : i32
      %ge3A_78 = arith.cmpi sge, %add3A_76, %ge3A_77 : i32
      %sub3A_79 = arith.constant 2 : i32
      %sub3A_80 = arith.subi %add3A_76, %sub3A_79 : i32
      %lt3A_81 = arith.constant 32 : i32
      %lt3A_82 = arith.cmpi slt, %sub3A_80, %lt3A_81 : i32
      %and3A_83 = arith.andi %ge3A_78, %lt3A_82 : i1
      %convert_element_type3A_84 = arith.extui %and3A_83 : i1 to i32
      %cond3A_85 = arith.constant 0 : i32
      %cond3A_86 = arith.cmpi ne, %convert_element_type3A_84, %cond3A_85 : i32
      scf.if %cond3A_86 {
        %sub3A_99 = arith.constant 2 : i32
        %sub3A_100 = arith.subi %add3A_76, %sub3A_99 : i32
        %jit3A = arith.constant 8 : i32
        %div3A = arith.divsi %sub3A_100, %jit3A : i32
        %sign3A = arith.constant 0 : i32
        %sign3A_101 = arith.cmpi sgt, %sub3A_100, %sign3A : i32
        %sign3A_102 = arith.extui %sign3A_101 : i1 to i32
        %sign3A_103 = arith.constant 0 : i32
        %sign3A_104 = arith.cmpi slt, %sub3A_100, %sign3A_103 : i32
        %sign3A_105 = arith.extui %sign3A_104 : i1 to i32
        %sign3A_106 = arith.subi %sign3A_102, %sign3A_105 : i32
        %sign3A_107 = arith.constant 0 : i32
        %sign3A_108 = arith.cmpi sgt, %jit3A, %sign3A_107 : i32
        %sign3A_109 = arith.extui %sign3A_108 : i1 to i32
        %sign3A_110 = arith.constant 0 : i32
        %sign3A_111 = arith.cmpi slt, %jit3A, %sign3A_110 : i32
        %sign3A_112 = arith.extui %sign3A_111 : i1 to i32
        %sign3A_113 = arith.subi %sign3A_109, %sign3A_112 : i32
        %ne3A = arith.cmpi ne, %sign3A_106, %sign3A_113 : i32
        %rem3A = arith.remsi %sub3A_100, %jit3A : i32
        %ne3A_114 = arith.constant 0 : i32
        %ne3A_115 = arith.cmpi ne, %rem3A, %ne3A_114 : i32
        %and3A_116 = arith.andi %ne3A, %ne3A_115 : i1
        %sub3A_117 = arith.constant 1 : i32
        %sub3A_118 = arith.subi %div3A, %sub3A_117 : i32
        %select_n3A = arith.select %and3A_116, %sub3A_118, %div3A : i32
        %mul3A_119 = arith.constant 8 : i32
        %mul3A_120 = arith.muli %select_n3A, %mul3A_119 : i32
        %add3A_121 = arith.addi %mul3A_2, %mul3A_120 : i32
        %jit3A_122 = arith.constant 8 : i32
        %eq3A = arith.constant 0 : i32
        %eq3A_123 = arith.cmpi eq, %jit3A_122, %eq3A : i32
        %jit3A_124 = arith.constant 1 : i32
        %select_n3A_125 = arith.select %eq3A_123, %jit3A_124, %jit3A_122 : i32
        %rem3A_126 = arith.remsi %sub3A_100, %select_n3A_125 : i32
        %ne3A_127 = arith.constant 0 : i32
        %ne3A_128 = arith.cmpi ne, %rem3A_126, %ne3A_127 : i32
        %lt3A_129 = arith.constant 0 : i32
        %lt3A_130 = arith.cmpi slt, %rem3A_126, %lt3A_129 : i32
        %lt3A_131 = arith.constant 0 : i32
        %lt3A_132 = arith.cmpi slt, %select_n3A_125, %lt3A_131 : i32
        %ne3A_133 = arith.xori %lt3A_130, %lt3A_132 : i1
        %and3A_134 = arith.andi %ne3A_133, %ne3A_128 : i1
        %add3A_135 = arith.addi %rem3A_126, %select_n3A_125 : i32
        %select_n3A_136 = arith.select %and3A_134, %add3A_135, %rem3A_126 : i32
        %mul3A_137 = arith.constant 128 : i32
        %mul3A_138 = arith.muli %select_n3A_136, %mul3A_137 : i32
        %dma_wait3A = arith.constant 0 : i32
        %dma_wait3A_139 = arith.constant 0 : i32
        %dma_wait3A_140 = arith.constant 0 : i32
        %dma_wait3A_141 = arith.constant 0 : i32
        %dma_wait3A_142 = tpu.memref_slice %arg7[%dma_wait3A, %dma_wait3A_139, %dma_wait3A_140, %dma_wait3A_141] : memref<3x14x8x128xf32, #tpu.memory_space<vmem>> -> memref<1x14x8x128xf32, #tpu.memory_space<vmem>>
        %dma_wait3A_143 = tpu.memref_squeeze %dma_wait3A_142 : memref<1x14x8x128xf32, #tpu.memory_space<vmem>> -> memref<14x8x128xf32, #tpu.memory_space<vmem>>
        %dma_wait3A_144 = arith.constant 20 : i32
        %dma_wait3A_145 = tpu.memref_slice %arg4[%dma_wait3A_144, %add3A_121, %mul3A_138] : memref<36x1024x1024xf32, #tpu.memory_space<hbm>> -> memref<14x8x128xf32, #tpu.memory_space<hbm>>
        %dma_wait3A_146 = arith.constant 20 : i32
        %dma_wait3A_147 = tpu.memref_slice %arg4[%dma_wait3A_146, %add3A_121, %mul3A_138] : memref<36x1024x1024xf32, #tpu.memory_space<hbm>> -> memref<14x8x128xf32, #tpu.memory_space<hbm>>
        %dma_wait3A_148 = arith.constant 0 : i32
        %dma_wait3A_149 = arith.constant 0 : i32
        %dma_wait3A_150 = arith.constant 0 : i32
        %dma_wait3A_151 = tpu.memref_slice %arg7[%dma_wait3A, %dma_wait3A_148, %dma_wait3A_149, %dma_wait3A_150] : memref<3x14x8x128xf32, #tpu.memory_space<vmem>> -> memref<1x14x8x128xf32, #tpu.memory_space<vmem>>
        %dma_wait3A_152 = tpu.memref_squeeze %dma_wait3A_151 : memref<1x14x8x128xf32, #tpu.memory_space<vmem>> -> memref<14x8x128xf32, #tpu.memory_space<vmem>>
        tpu.wait_dma2 semaphore(%arg11 : memref<!tpu.dma_semaphore, #tpu.memory_space<semaphore_mem>>) src(%dma_wait3A_152 : memref<14x8x128xf32, #tpu.memory_space<vmem>>) dst(%dma_wait3A_147 : memref<14x8x128xf32, #tpu.memory_space<hbm>>)
        %dma_wait3A_153 = arith.constant 0 : i32
        %dma_wait3A_154 = arith.constant 0 : i32
        %dma_wait3A_155 = arith.constant 0 : i32
        %dma_wait3A_156 = arith.constant 0 : i32
        %dma_wait3A_157 = tpu.memref_slice %arg6[%dma_wait3A_153, %dma_wait3A_154, %dma_wait3A_155, %dma_wait3A_156] : memref<3x26x8x128xf32, #tpu.memory_space<vmem>> -> memref<1x18x8x128xf32, #tpu.memory_space<vmem>>
        %dma_wait3A_158 = tpu.memref_squeeze %dma_wait3A_157 : memref<1x18x8x128xf32, #tpu.memory_space<vmem>> -> memref<18x8x128xf32, #tpu.memory_space<vmem>>
        %dma_wait3A_159 = arith.constant 0 : i32
        %dma_wait3A_160 = tpu.memref_slice %arg4[%dma_wait3A_159, %add3A_121, %mul3A_138] : memref<36x1024x1024xf32, #tpu.memory_space<hbm>> -> memref<18x8x128xf32, #tpu.memory_space<hbm>>
        %dma_wait3A_161 = arith.constant 0 : i32
        %dma_wait3A_162 = tpu.memref_slice %arg4[%dma_wait3A_161, %add3A_121, %mul3A_138] : memref<36x1024x1024xf32, #tpu.memory_space<hbm>> -> memref<18x8x128xf32, #tpu.memory_space<hbm>>
        %dma_wait3A_163 = arith.constant 0 : i32
        %dma_wait3A_164 = arith.constant 0 : i32
        %dma_wait3A_165 = arith.constant 0 : i32
        %dma_wait3A_166 = tpu.memref_slice %arg6[%dma_wait3A_153, %dma_wait3A_163, %dma_wait3A_164, %dma_wait3A_165] : memref<3x26x8x128xf32, #tpu.memory_space<vmem>> -> memref<1x18x8x128xf32, #tpu.memory_space<vmem>>
        %dma_wait3A_167 = tpu.memref_squeeze %dma_wait3A_166 : memref<1x18x8x128xf32, #tpu.memory_space<vmem>> -> memref<18x8x128xf32, #tpu.memory_space<vmem>>
        tpu.wait_dma2 semaphore(%arg11 : memref<!tpu.dma_semaphore, #tpu.memory_space<semaphore_mem>>) src(%dma_wait3A_167 : memref<18x8x128xf32, #tpu.memory_space<vmem>>) dst(%dma_wait3A_162 : memref<18x8x128xf32, #tpu.memory_space<hbm>>)
        %dma_wait3A_168 = arith.constant 0 : i32
        %dma_wait3A_169 = arith.constant 19 : i32
        %dma_wait3A_170 = arith.constant 0 : i32
        %dma_wait3A_171 = arith.constant 0 : i32
        %dma_wait3A_172 = tpu.memref_slice %arg6[%dma_wait3A_168, %dma_wait3A_169, %dma_wait3A_170, %dma_wait3A_171] : memref<3x26x8x128xf32, #tpu.memory_space<vmem>> -> memref<1x2x8x128xf32, #tpu.memory_space<vmem>>
        %dma_wait3A_173 = tpu.memref_squeeze %dma_wait3A_172 : memref<1x2x8x128xf32, #tpu.memory_space<vmem>> -> memref<2x8x128xf32, #tpu.memory_space<vmem>>
        %dma_wait3A_174 = arith.constant 18 : i32
        %dma_wait3A_175 = tpu.memref_slice %arg4[%dma_wait3A_174, %add3A_121, %mul3A_138] : memref<36x1024x1024xf32, #tpu.memory_space<hbm>> -> memref<2x8x128xf32, #tpu.memory_space<hbm>>
        %dma_wait3A_176 = arith.constant 18 : i32
        %dma_wait3A_177 = tpu.memref_slice %arg4[%dma_wait3A_176, %add3A_121, %mul3A_138] : memref<36x1024x1024xf32, #tpu.memory_space<hbm>> -> memref<2x8x128xf32, #tpu.memory_space<hbm>>
        %dma_wait3A_178 = arith.constant 19 : i32
        %dma_wait3A_179 = arith.constant 0 : i32
        %dma_wait3A_180 = arith.constant 0 : i32
        %dma_wait3A_181 = tpu.memref_slice %arg6[%dma_wait3A_168, %dma_wait3A_178, %dma_wait3A_179, %dma_wait3A_180] : memref<3x26x8x128xf32, #tpu.memory_space<vmem>> -> memref<1x2x8x128xf32, #tpu.memory_space<vmem>>
        %dma_wait3A_182 = tpu.memref_squeeze %dma_wait3A_181 : memref<1x2x8x128xf32, #tpu.memory_space<vmem>> -> memref<2x8x128xf32, #tpu.memory_space<vmem>>
        tpu.wait_dma2 semaphore(%arg11 : memref<!tpu.dma_semaphore, #tpu.memory_space<semaphore_mem>>) src(%dma_wait3A_182 : memref<2x8x128xf32, #tpu.memory_space<vmem>>) dst(%dma_wait3A_177 : memref<2x8x128xf32, #tpu.memory_space<hbm>>)
        %dma_wait3A_183 = arith.constant 0 : i32
        %dma_wait3A_184 = arith.constant 24 : i32
        %dma_wait3A_185 = arith.constant 0 : i32
        %dma_wait3A_186 = arith.constant 0 : i32
        %dma_wait3A_187 = tpu.memref_slice %arg6[%dma_wait3A_183, %dma_wait3A_184, %dma_wait3A_185, %dma_wait3A_186] : memref<3x26x8x128xf32, #tpu.memory_space<vmem>> -> memref<1x2x8x128xf32, #tpu.memory_space<vmem>>
        %dma_wait3A_188 = tpu.memref_squeeze %dma_wait3A_187 : memref<1x2x8x128xf32, #tpu.memory_space<vmem>> -> memref<2x8x128xf32, #tpu.memory_space<vmem>>
        %dma_wait3A_189 = arith.constant 34 : i32
        %dma_wait3A_190 = tpu.memref_slice %arg4[%dma_wait3A_189, %add3A_121, %mul3A_138] : memref<36x1024x1024xf32, #tpu.memory_space<hbm>> -> memref<2x8x128xf32, #tpu.memory_space<hbm>>
        %dma_wait3A_191 = arith.constant 34 : i32
        %dma_wait3A_192 = tpu.memref_slice %arg4[%dma_wait3A_191, %add3A_121, %mul3A_138] : memref<36x1024x1024xf32, #tpu.memory_space<hbm>> -> memref<2x8x128xf32, #tpu.memory_space<hbm>>
        %dma_wait3A_193 = arith.constant 24 : i32
        %dma_wait3A_194 = arith.constant 0 : i32
        %dma_wait3A_195 = arith.constant 0 : i32
        %dma_wait3A_196 = tpu.memref_slice %arg6[%dma_wait3A_183, %dma_wait3A_193, %dma_wait3A_194, %dma_wait3A_195] : memref<3x26x8x128xf32, #tpu.memory_space<vmem>> -> memref<1x2x8x128xf32, #tpu.memory_space<vmem>>
        %dma_wait3A_197 = tpu.memref_squeeze %dma_wait3A_196 : memref<1x2x8x128xf32, #tpu.memory_space<vmem>> -> memref<2x8x128xf32, #tpu.memory_space<vmem>>
        tpu.wait_dma2 semaphore(%arg11 : memref<!tpu.dma_semaphore, #tpu.memory_space<semaphore_mem>>) src(%dma_wait3A_197 : memref<2x8x128xf32, #tpu.memory_space<vmem>>) dst(%dma_wait3A_192 : memref<2x8x128xf32, #tpu.memory_space<hbm>>)
      } else {
      }
      %add3A_87 = arith.constant 1 : i32
      %add3A_88 = arith.addi %add3A_76, %add3A_87 : i32
      %lt3A_89 = arith.constant 32 : i32
      %lt3A_90 = arith.cmpi slt, %add3A_88, %lt3A_89 : i32
      %convert_element_type3A_91 = arith.extui %lt3A_90 : i1 to i32
      %cond3A_92 = arith.constant 0 : i32
      %cond3A_93 = arith.cmpi ne, %convert_element_type3A_91, %cond3A_92 : i32
      scf.if %cond3A_93 {
        %add3A_99 = arith.constant 1 : i32
        %add3A_100 = arith.addi %add3A_76, %add3A_99 : i32
        %jit3A = arith.constant 8 : i32
        %div3A = arith.divsi %add3A_100, %jit3A : i32
        %sign3A = arith.constant 0 : i32
        %sign3A_101 = arith.cmpi sgt, %add3A_100, %sign3A : i32
        %sign3A_102 = arith.extui %sign3A_101 : i1 to i32
        %sign3A_103 = arith.constant 0 : i32
        %sign3A_104 = arith.cmpi slt, %add3A_100, %sign3A_103 : i32
        %sign3A_105 = arith.extui %sign3A_104 : i1 to i32
        %sign3A_106 = arith.subi %sign3A_102, %sign3A_105 : i32
        %sign3A_107 = arith.constant 0 : i32
        %sign3A_108 = arith.cmpi sgt, %jit3A, %sign3A_107 : i32
        %sign3A_109 = arith.extui %sign3A_108 : i1 to i32
        %sign3A_110 = arith.constant 0 : i32
        %sign3A_111 = arith.cmpi slt, %jit3A, %sign3A_110 : i32
        %sign3A_112 = arith.extui %sign3A_111 : i1 to i32
        %sign3A_113 = arith.subi %sign3A_109, %sign3A_112 : i32
        %ne3A = arith.cmpi ne, %sign3A_106, %sign3A_113 : i32
        %rem3A = arith.remsi %add3A_100, %jit3A : i32
        %ne3A_114 = arith.constant 0 : i32
        %ne3A_115 = arith.cmpi ne, %rem3A, %ne3A_114 : i32
        %and3A_116 = arith.andi %ne3A, %ne3A_115 : i1
        %sub3A_117 = arith.constant 1 : i32
        %sub3A_118 = arith.subi %div3A, %sub3A_117 : i32
        %select_n3A = arith.select %and3A_116, %sub3A_118, %div3A : i32
        %mul3A_119 = arith.constant 8 : i32
        %mul3A_120 = arith.muli %select_n3A, %mul3A_119 : i32
        %add3A_121 = arith.addi %mul3A_2, %mul3A_120 : i32
        %jit3A_122 = arith.constant 8 : i32
        %eq3A = arith.constant 0 : i32
        %eq3A_123 = arith.cmpi eq, %jit3A_122, %eq3A : i32
        %jit3A_124 = arith.constant 1 : i32
        %select_n3A_125 = arith.select %eq3A_123, %jit3A_124, %jit3A_122 : i32
        %rem3A_126 = arith.remsi %add3A_100, %select_n3A_125 : i32
        %ne3A_127 = arith.constant 0 : i32
        %ne3A_128 = arith.cmpi ne, %rem3A_126, %ne3A_127 : i32
        %lt3A_129 = arith.constant 0 : i32
        %lt3A_130 = arith.cmpi slt, %rem3A_126, %lt3A_129 : i32
        %lt3A_131 = arith.constant 0 : i32
        %lt3A_132 = arith.cmpi slt, %select_n3A_125, %lt3A_131 : i32
        %ne3A_133 = arith.xori %lt3A_130, %lt3A_132 : i1
        %and3A_134 = arith.andi %ne3A_133, %ne3A_128 : i1
        %add3A_135 = arith.addi %rem3A_126, %select_n3A_125 : i32
        %select_n3A_136 = arith.select %and3A_134, %add3A_135, %rem3A_126 : i32
        %mul3A_137 = arith.constant 128 : i32
        %mul3A_138 = arith.muli %select_n3A_136, %mul3A_137 : i32
        %dma_start3A_139 = arith.constant 0 : i32
        %dma_start3A_140 = arith.constant 0 : i32
        %dma_start3A_141 = arith.constant 0 : i32
        %dma_start3A_142 = arith.constant 0 : i32
        %dma_start3A_143 = tpu.memref_slice %arg6[%dma_start3A_139, %dma_start3A_140, %dma_start3A_141, %dma_start3A_142] : memref<3x26x8x128xf32, #tpu.memory_space<vmem>> -> memref<1x26x8x128xf32, #tpu.memory_space<vmem>>
        %dma_start3A_144 = tpu.memref_squeeze %dma_start3A_143 : memref<1x26x8x128xf32, #tpu.memory_space<vmem>> -> memref<26x8x128xf32, #tpu.memory_space<vmem>>
        %dma_start3A_145 = arith.constant 0 : i32
        %dma_start3A_146 = tpu.memref_slice %arg2[%dma_start3A_145, %add3A_121, %mul3A_138] : memref<26x1024x1024xf32, #tpu.memory_space<hbm>> -> memref<26x8x128xf32, #tpu.memory_space<hbm>>
        %dma_start3A_147 = arith.constant 0 : i32
        %dma_start3A_148 = arith.constant 0 : i32
        %dma_start3A_149 = arith.constant 0 : i32
        %dma_start3A_150 = tpu.memref_slice %arg6[%dma_start3A_139, %dma_start3A_147, %dma_start3A_148, %dma_start3A_149] : memref<3x26x8x128xf32, #tpu.memory_space<vmem>> -> memref<1x26x8x128xf32, #tpu.memory_space<vmem>>
        %dma_start3A_151 = tpu.memref_squeeze %dma_start3A_150 : memref<1x26x8x128xf32, #tpu.memory_space<vmem>> -> memref<26x8x128xf32, #tpu.memory_space<vmem>>
        %dma_start3A_152 = arith.constant 0 : i32
        %dma_start3A_153 = tpu.memref_slice %arg2[%dma_start3A_152, %add3A_121, %mul3A_138] : memref<26x1024x1024xf32, #tpu.memory_space<hbm>> -> memref<26x8x128xf32, #tpu.memory_space<hbm>>
        tpu.enqueue_dma source(%dma_start3A_153 : memref<26x8x128xf32, #tpu.memory_space<hbm>>) target(%dma_start3A_151 : memref<26x8x128xf32, #tpu.memory_space<vmem>>) target_semaphore(%arg8 : memref<!tpu.dma_semaphore, #tpu.memory_space<semaphore_mem>>)
      } else {
      }
      %lt3A_94 = arith.constant 32 : i32
      %lt3A_95 = arith.cmpi slt, %add3A_76, %lt3A_94 : i32
      %convert_element_type3A_96 = arith.extui %lt3A_95 : i1 to i32
      %cond3A_97 = arith.constant 0 : i32
      %cond3A_98 = arith.cmpi ne, %convert_element_type3A_96, %cond3A_97 : i32
      scf.if %cond3A_98 {
        %jit3A = arith.constant 8 : i32
        %div3A = arith.divsi %add3A_76, %jit3A : i32
        %sign3A = arith.constant 0 : i32
        %sign3A_99 = arith.cmpi sgt, %add3A_76, %sign3A : i32
        %sign3A_100 = arith.extui %sign3A_99 : i1 to i32
        %sign3A_101 = arith.constant 0 : i32
        %sign3A_102 = arith.cmpi slt, %add3A_76, %sign3A_101 : i32
        %sign3A_103 = arith.extui %sign3A_102 : i1 to i32
        %sign3A_104 = arith.subi %sign3A_100, %sign3A_103 : i32
        %sign3A_105 = arith.constant 0 : i32
        %sign3A_106 = arith.cmpi sgt, %jit3A, %sign3A_105 : i32
        %sign3A_107 = arith.extui %sign3A_106 : i1 to i32
        %sign3A_108 = arith.constant 0 : i32
        %sign3A_109 = arith.cmpi slt, %jit3A, %sign3A_108 : i32
        %sign3A_110 = arith.extui %sign3A_109 : i1 to i32
        %sign3A_111 = arith.subi %sign3A_107, %sign3A_110 : i32
        %ne3A = arith.cmpi ne, %sign3A_104, %sign3A_111 : i32
        %rem3A = arith.remsi %add3A_76, %jit3A : i32
        %ne3A_112 = arith.constant 0 : i32
        %ne3A_113 = arith.cmpi ne, %rem3A, %ne3A_112 : i32
        %and3A_114 = arith.andi %ne3A, %ne3A_113 : i1
        %sub3A_115 = arith.constant 1 : i32
        %sub3A_116 = arith.subi %div3A, %sub3A_115 : i32
        %select_n3A = arith.select %and3A_114, %sub3A_116, %div3A : i32
        %mul3A_117 = arith.constant 8 : i32
        %mul3A_118 = arith.muli %select_n3A, %mul3A_117 : i32
        %add3A_119 = arith.addi %mul3A_2, %mul3A_118 : i32
        %jit3A_120 = arith.constant 8 : i32
        %eq3A = arith.constant 0 : i32
        %eq3A_121 = arith.cmpi eq, %jit3A_120, %eq3A : i32
        %jit3A_122 = arith.constant 1 : i32
        %select_n3A_123 = arith.select %eq3A_121, %jit3A_122, %jit3A_120 : i32
        %rem3A_124 = arith.remsi %add3A_76, %select_n3A_123 : i32
        %ne3A_125 = arith.constant 0 : i32
        %ne3A_126 = arith.cmpi ne, %rem3A_124, %ne3A_125 : i32
        %lt3A_127 = arith.constant 0 : i32
        %lt3A_128 = arith.cmpi slt, %rem3A_124, %lt3A_127 : i32
        %lt3A_129 = arith.constant 0 : i32
        %lt3A_130 = arith.cmpi slt, %select_n3A_123, %lt3A_129 : i32
        %ne3A_131 = arith.xori %lt3A_128, %lt3A_130 : i1
        %and3A_132 = arith.andi %ne3A_131, %ne3A_126 : i1
        %add3A_133 = arith.addi %rem3A_124, %select_n3A_123 : i32
        %select_n3A_134 = arith.select %and3A_132, %add3A_133, %rem3A_124 : i32
        %mul3A_135 = arith.constant 128 : i32
        %mul3A_136 = arith.muli %select_n3A_134, %mul3A_135 : i32
        %dma_wait3A = arith.constant 2 : i32
        %dma_wait3A_137 = arith.constant 0 : i32
        %dma_wait3A_138 = arith.constant 0 : i32
        %dma_wait3A_139 = arith.constant 0 : i32
        %dma_wait3A_140 = tpu.memref_slice %arg6[%dma_wait3A, %dma_wait3A_137, %dma_wait3A_138, %dma_wait3A_139] : memref<3x26x8x128xf32, #tpu.memory_space<vmem>> -> memref<1x26x8x128xf32, #tpu.memory_space<vmem>>
        %dma_wait3A_141 = tpu.memref_squeeze %dma_wait3A_140 : memref<1x26x8x128xf32, #tpu.memory_space<vmem>> -> memref<26x8x128xf32, #tpu.memory_space<vmem>>
        %dma_wait3A_142 = arith.constant 0 : i32
        %dma_wait3A_143 = tpu.memref_slice %arg2[%dma_wait3A_142, %add3A_119, %mul3A_136] : memref<26x1024x1024xf32, #tpu.memory_space<hbm>> -> memref<26x8x128xf32, #tpu.memory_space<hbm>>
        %dma_wait3A_144 = arith.constant 0 : i32
        %dma_wait3A_145 = arith.constant 0 : i32
        %dma_wait3A_146 = arith.constant 0 : i32
        %dma_wait3A_147 = tpu.memref_slice %arg6[%dma_wait3A, %dma_wait3A_144, %dma_wait3A_145, %dma_wait3A_146] : memref<3x26x8x128xf32, #tpu.memory_space<vmem>> -> memref<1x26x8x128xf32, #tpu.memory_space<vmem>>
        %dma_wait3A_148 = tpu.memref_squeeze %dma_wait3A_147 : memref<1x26x8x128xf32, #tpu.memory_space<vmem>> -> memref<26x8x128xf32, #tpu.memory_space<vmem>>
        %dma_wait3A_149 = arith.constant 0 : i32
        %dma_wait3A_150 = tpu.memref_slice %arg2[%dma_wait3A_149, %add3A_119, %mul3A_136] : memref<26x1024x1024xf32, #tpu.memory_space<hbm>> -> memref<26x8x128xf32, #tpu.memory_space<hbm>>
        tpu.wait_dma2 semaphore(%arg10 : memref<!tpu.dma_semaphore, #tpu.memory_space<semaphore_mem>>) src(%dma_wait3A_150 : memref<26x8x128xf32, #tpu.memory_space<hbm>>) dst(%dma_wait3A_148 : memref<26x8x128xf32, #tpu.memory_space<vmem>>)
        %parallel_loop3A = arith.constant 0 : i32
        %parallel_loop3A_151 = arith.constant 64 : i32
        %parallel_loop3A_152 = arith.constant 1 : i32
        scf.for %parallel_loop3A_213 = %parallel_loop3A to %parallel_loop3A_151 step %parallel_loop3A_152  : i32 {
          %parallel_loop3A_214 = arith.constant 8 : i32
          %parallel_loop3A_215 = arith.divsi %parallel_loop3A_213, %parallel_loop3A_214 : i32
          %parallel_loop3A_216 = arith.constant 0 : i32
          %parallel_loop3A_217 = arith.cmpi sgt, %parallel_loop3A_213, %parallel_loop3A_216 : i32
          %parallel_loop3A_218 = arith.extui %parallel_loop3A_217 : i1 to i32
          %parallel_loop3A_219 = arith.constant 0 : i32
          %parallel_loop3A_220 = arith.cmpi slt, %parallel_loop3A_213, %parallel_loop3A_219 : i32
          %parallel_loop3A_221 = arith.extui %parallel_loop3A_220 : i1 to i32
          %parallel_loop3A_222 = arith.subi %parallel_loop3A_218, %parallel_loop3A_221 : i32
          %parallel_loop3A_223 = arith.constant 0 : i32
          %parallel_loop3A_224 = arith.cmpi sgt, %parallel_loop3A_214, %parallel_loop3A_223 : i32
          %parallel_loop3A_225 = arith.extui %parallel_loop3A_224 : i1 to i32
          %parallel_loop3A_226 = arith.constant 0 : i32
          %parallel_loop3A_227 = arith.cmpi slt, %parallel_loop3A_214, %parallel_loop3A_226 : i32
          %parallel_loop3A_228 = arith.extui %parallel_loop3A_227 : i1 to i32
          %parallel_loop3A_229 = arith.subi %parallel_loop3A_225, %parallel_loop3A_228 : i32
          %parallel_loop3A_230 = arith.cmpi ne, %parallel_loop3A_222, %parallel_loop3A_229 : i32
          %parallel_loop3A_231 = arith.remsi %parallel_loop3A_213, %parallel_loop3A_214 : i32
          %parallel_loop3A_232 = arith.constant 0 : i32
          %parallel_loop3A_233 = arith.cmpi ne, %parallel_loop3A_231, %parallel_loop3A_232 : i32
          %parallel_loop3A_234 = arith.andi %parallel_loop3A_230, %parallel_loop3A_233 : i1
          %parallel_loop3A_235 = arith.constant 1 : i32
          %parallel_loop3A_236 = arith.subi %parallel_loop3A_215, %parallel_loop3A_235 : i32
          %parallel_loop3A_237 = arith.select %parallel_loop3A_234, %parallel_loop3A_236, %parallel_loop3A_215 : i32
          %parallel_loop3A_238 = arith.constant 8 : i32
          %parallel_loop3A_239 = arith.constant 0 : i32
          %parallel_loop3A_240 = arith.cmpi eq, %parallel_loop3A_238, %parallel_loop3A_239 : i32
          %parallel_loop3A_241 = arith.constant 1 : i32
          %parallel_loop3A_242 = arith.select %parallel_loop3A_240, %parallel_loop3A_241, %parallel_loop3A_238 : i32
          %parallel_loop3A_243 = arith.remsi %parallel_loop3A_213, %parallel_loop3A_242 : i32
          %parallel_loop3A_244 = arith.constant 0 : i32
          %parallel_loop3A_245 = arith.cmpi ne, %parallel_loop3A_243, %parallel_loop3A_244 : i32
          %parallel_loop3A_246 = arith.constant 0 : i32
          %parallel_loop3A_247 = arith.cmpi slt, %parallel_loop3A_243, %parallel_loop3A_246 : i32
          %parallel_loop3A_248 = arith.constant 0 : i32
          %parallel_loop3A_249 = arith.cmpi slt, %parallel_loop3A_242, %parallel_loop3A_248 : i32
          %parallel_loop3A_250 = arith.xori %parallel_loop3A_247, %parallel_loop3A_249 : i1
          %parallel_loop3A_251 = arith.andi %parallel_loop3A_250, %parallel_loop3A_245 : i1
          %parallel_loop3A_252 = arith.addi %parallel_loop3A_243, %parallel_loop3A_242 : i32
          %parallel_loop3A_253 = arith.select %parallel_loop3A_251, %parallel_loop3A_252, %parallel_loop3A_243 : i32
          %parallel_loop3A_254 = arith.constant 16 : i32
          %parallel_loop3A_255 = arith.muli %parallel_loop3A_253, %parallel_loop3A_254 : i32
          %parallel_loop3A_256 = arith.constant 2 : i32
          %parallel_loop3A_257 = arith.constant 21 : i32
          %parallel_loop3A_258 = arith.index_cast %parallel_loop3A_256 : i32 to index
          %parallel_loop3A_259 = arith.index_cast %parallel_loop3A_257 : i32 to index
          %parallel_loop3A_260 = arith.index_cast %parallel_loop3A_237 : i32 to index
          %parallel_loop3A_261 = arith.index_cast %parallel_loop3A_255 : i32 to index
          %parallel_loop3A_262 = tpu.vector_load %arg6[%parallel_loop3A_258, %parallel_loop3A_259, %parallel_loop3A_260, %parallel_loop3A_261] {strides = array<i32>} : memref<3x26x8x128xf32, #tpu.memory_space<vmem>>, vector<16xf32>,
          %parallel_loop3A_263 = arith.constant 2 : i32
          %parallel_loop3A_264 = arith.constant 22 : i32
          %parallel_loop3A_265 = arith.index_cast %parallel_loop3A_263 : i32 to index
          %parallel_loop3A_266 = arith.index_cast %parallel_loop3A_264 : i32 to index
          %parallel_loop3A_267 = arith.index_cast %parallel_loop3A_237 : i32 to index
          %parallel_loop3A_268 = arith.index_cast %parallel_loop3A_255 : i32 to index
          %parallel_loop3A_269 = tpu.vector_load %arg6[%parallel_loop3A_265, %parallel_loop3A_266, %parallel_loop3A_267, %parallel_loop3A_268] {strides = array<i32>} : memref<3x26x8x128xf32, #tpu.memory_space<vmem>>, vector<16xf32>,
          %parallel_loop3A_270 = arith.constant 2 : i32
          %parallel_loop3A_271 = arith.constant 23 : i32
          %parallel_loop3A_272 = arith.index_cast %parallel_loop3A_270 : i32 to index
          %parallel_loop3A_273 = arith.index_cast %parallel_loop3A_271 : i32 to index
          %parallel_loop3A_274 = arith.index_cast %parallel_loop3A_237 : i32 to index
          %parallel_loop3A_275 = arith.index_cast %parallel_loop3A_255 : i32 to index
          %parallel_loop3A_276 = tpu.vector_load %arg6[%parallel_loop3A_272, %parallel_loop3A_273, %parallel_loop3A_274, %parallel_loop3A_275] {strides = array<i32>} : memref<3x26x8x128xf32, #tpu.memory_space<vmem>>, vector<16xf32>,
          %parallel_loop3A_277 = arith.constant 4.000000e+00 : f32
          %parallel_loop3A_278 = vector.broadcast %parallel_loop3A_277 : f32 to vector<16xf32>
          %parallel_loop3A_279 = arith.mulf %parallel_loop3A_262, %parallel_loop3A_278 : vector<16xf32>
          %parallel_loop3A_280 = arith.fptosi %parallel_loop3A_279 : vector<16xf32> to vector<16xi32>
          %parallel_loop3A_281 = arith.constant 2.000000e+00 : f32
          %parallel_loop3A_282 = vector.broadcast %parallel_loop3A_281 : f32 to vector<16xf32>
          %parallel_loop3A_283 = arith.mulf %parallel_loop3A_269, %parallel_loop3A_282 : vector<16xf32>
          %parallel_loop3A_284 = arith.constant 2.800000e+01 : f32
          %parallel_loop3A_285 = vector.broadcast %parallel_loop3A_284 : f32 to vector<16xf32>
          %parallel_loop3A_286 = arith.addf %parallel_loop3A_283, %parallel_loop3A_285 : vector<16xf32>
          %parallel_loop3A_287 = arith.fptosi %parallel_loop3A_286 : vector<16xf32> to vector<16xi32>
          %parallel_loop3A_288 = arith.constant 8.000000e+00 : f32
          %parallel_loop3A_289 = vector.broadcast %parallel_loop3A_288 : f32 to vector<16xf32>
          %parallel_loop3A_290 = arith.mulf %parallel_loop3A_276, %parallel_loop3A_289 : vector<16xf32>
          %parallel_loop3A_291 = arith.constant 3.200000e+01 : f32
          %parallel_loop3A_292 = vector.broadcast %parallel_loop3A_291 : f32 to vector<16xf32>
          %parallel_loop3A_293 = arith.addf %parallel_loop3A_290, %parallel_loop3A_292 : vector<16xf32>
          %parallel_loop3A_294 = arith.fptosi %parallel_loop3A_293 : vector<16xf32> to vector<16xi32>
          %parallel_loop3A_295 = tpu.vector_load_idx %arg5[%parallel_loop3A_280] : memref<200xf32, #tpu.memory_space<vmem>>[vector<16xi32>], vector<16xf32>,
          %parallel_loop3A_296 = arith.constant 2 : i32
          %parallel_loop3A_297 = arith.constant 0 : i32
          %parallel_loop3A_298 = arith.index_cast %parallel_loop3A_296 : i32 to index
          %parallel_loop3A_299 = arith.index_cast %parallel_loop3A_297 : i32 to index
          %parallel_loop3A_300 = arith.index_cast %parallel_loop3A_237 : i32 to index
          %parallel_loop3A_301 = arith.index_cast %parallel_loop3A_255 : i32 to index
          %parallel_loop3A_302 = tpu.vector_load %arg7[%parallel_loop3A_298, %parallel_loop3A_299, %parallel_loop3A_300, %parallel_loop3A_301] {strides = array<i32>} : memref<3x14x8x128xf32, #tpu.memory_space<vmem>>, vector<16xf32>,
          tpu.vector_store %arg7[%parallel_loop3A_298, %parallel_loop3A_299, %parallel_loop3A_300, %parallel_loop3A_301], %parallel_loop3A_295 {strides = array<i32>} : memref<3x14x8x128xf32, #tpu.memory_space<vmem>>, vector<16xf32>,
          %parallel_loop3A_303 = arith.constant 1 : i32
          %parallel_loop3A_304 = vector.broadcast %parallel_loop3A_303 : i32 to vector<16xi32>
          %parallel_loop3A_305 = arith.addi %parallel_loop3A_280, %parallel_loop3A_304 : vector<16xi32>
          %parallel_loop3A_306 = tpu.vector_load_idx %arg5[%parallel_loop3A_305] : memref<200xf32, #tpu.memory_space<vmem>>[vector<16xi32>], vector<16xf32>,
          %parallel_loop3A_307 = arith.constant 2 : i32
          %parallel_loop3A_308 = arith.constant 1 : i32
          %parallel_loop3A_309 = arith.index_cast %parallel_loop3A_307 : i32 to index
          %parallel_loop3A_310 = arith.index_cast %parallel_loop3A_308 : i32 to index
          %parallel_loop3A_311 = arith.index_cast %parallel_loop3A_237 : i32 to index
          %parallel_loop3A_312 = arith.index_cast %parallel_loop3A_255 : i32 to index
          %parallel_loop3A_313 = tpu.vector_load %arg7[%parallel_loop3A_309, %parallel_loop3A_310, %parallel_loop3A_311, %parallel_loop3A_312] {strides = array<i32>} : memref<3x14x8x128xf32, #tpu.memory_space<vmem>>, vector<16xf32>,
          tpu.vector_store %arg7[%parallel_loop3A_309, %parallel_loop3A_310, %parallel_loop3A_311, %parallel_loop3A_312], %parallel_loop3A_306 {strides = array<i32>} : memref<3x14x8x128xf32, #tpu.memory_space<vmem>>, vector<16xf32>,
          %parallel_loop3A_314 = arith.constant 2 : i32
          %parallel_loop3A_315 = vector.broadcast %parallel_loop3A_314 : i32 to vector<16xi32>
          %parallel_loop3A_316 = arith.addi %parallel_loop3A_280, %parallel_loop3A_315 : vector<16xi32>
          %parallel_loop3A_317 = tpu.vector_load_idx %arg5[%parallel_loop3A_316] : memref<200xf32, #tpu.memory_space<vmem>>[vector<16xi32>], vector<16xf32>,
          %parallel_loop3A_318 = arith.constant 2 : i32
          %parallel_loop3A_319 = arith.constant 2 : i32
          %parallel_loop3A_320 = arith.index_cast %parallel_loop3A_318 : i32 to index
          %parallel_loop3A_321 = arith.index_cast %parallel_loop3A_319 : i32 to index
          %parallel_loop3A_322 = arith.index_cast %parallel_loop3A_237 : i32 to index
          %parallel_loop3A_323 = arith.index_cast %parallel_loop3A_255 : i32 to index
          %parallel_loop3A_324 = tpu.vector_load %arg7[%parallel_loop3A_320, %parallel_loop3A_321, %parallel_loop3A_322, %parallel_loop3A_323] {strides = array<i32>} : memref<3x14x8x128xf32, #tpu.memory_space<vmem>>, vector<16xf32>,
          tpu.vector_store %arg7[%parallel_loop3A_320, %parallel_loop3A_321, %parallel_loop3A_322, %parallel_loop3A_323], %parallel_loop3A_317 {strides = array<i32>} : memref<3x14x8x128xf32, #tpu.memory_space<vmem>>, vector<16xf32>,
          %parallel_loop3A_325 = arith.constant 3 : i32
          %parallel_loop3A_326 = vector.broadcast %parallel_loop3A_325 : i32 to vector<16xi32>
          %parallel_loop3A_327 = arith.addi %parallel_loop3A_280, %parallel_loop3A_326 : vector<16xi32>
          %parallel_loop3A_328 = tpu.vector_load_idx %arg5[%parallel_loop3A_327] : memref<200xf32, #tpu.memory_space<vmem>>[vector<16xi32>], vector<16xf32>,
          %parallel_loop3A_329 = arith.constant 2 : i32
          %parallel_loop3A_330 = arith.constant 3 : i32
          %parallel_loop3A_331 = arith.index_cast %parallel_loop3A_329 : i32 to index
          %parallel_loop3A_332 = arith.index_cast %parallel_loop3A_330 : i32 to index
          %parallel_loop3A_333 = arith.index_cast %parallel_loop3A_237 : i32 to index
          %parallel_loop3A_334 = arith.index_cast %parallel_loop3A_255 : i32 to index
          %parallel_loop3A_335 = tpu.vector_load %arg7[%parallel_loop3A_331, %parallel_loop3A_332, %parallel_loop3A_333, %parallel_loop3A_334] {strides = array<i32>} : memref<3x14x8x128xf32, #tpu.memory_space<vmem>>, vector<16xf32>,
          tpu.vector_store %arg7[%parallel_loop3A_331, %parallel_loop3A_332, %parallel_loop3A_333, %parallel_loop3A_334], %parallel_loop3A_328 {strides = array<i32>} : memref<3x14x8x128xf32, #tpu.memory_space<vmem>>, vector<16xf32>,
          %parallel_loop3A_336 = tpu.vector_load_idx %arg5[%parallel_loop3A_287] : memref<200xf32, #tpu.memory_space<vmem>>[vector<16xi32>], vector<16xf32>,
          %parallel_loop3A_337 = arith.constant 2 : i32
          %parallel_loop3A_338 = arith.constant 4 : i32
          %parallel_loop3A_339 = arith.index_cast %parallel_loop3A_337 : i32 to index
          %parallel_loop3A_340 = arith.index_cast %parallel_loop3A_338 : i32 to index
          %parallel_loop3A_341 = arith.index_cast %parallel_loop3A_237 : i32 to index
          %parallel_loop3A_342 = arith.index_cast %parallel_loop3A_255 : i32 to index
          %parallel_loop3A_343 = tpu.vector_load %arg7[%parallel_loop3A_339, %parallel_loop3A_340, %parallel_loop3A_341, %parallel_loop3A_342] {strides = array<i32>} : memref<3x14x8x128xf32, #tpu.memory_space<vmem>>, vector<16xf32>,
          tpu.vector_store %arg7[%parallel_loop3A_339, %parallel_loop3A_340, %parallel_loop3A_341, %parallel_loop3A_342], %parallel_loop3A_336 {strides = array<i32>} : memref<3x14x8x128xf32, #tpu.memory_space<vmem>>, vector<16xf32>,
          %parallel_loop3A_344 = arith.constant 1 : i32
          %parallel_loop3A_345 = vector.broadcast %parallel_loop3A_344 : i32 to vector<16xi32>
          %parallel_loop3A_346 = arith.addi %parallel_loop3A_287, %parallel_loop3A_345 : vector<16xi32>
          %parallel_loop3A_347 = tpu.vector_load_idx %arg5[%parallel_loop3A_346] : memref<200xf32, #tpu.memory_space<vmem>>[vector<16xi32>], vector<16xf32>,
          %parallel_loop3A_348 = arith.constant 2 : i32
          %parallel_loop3A_349 = arith.constant 5 : i32
          %parallel_loop3A_350 = arith.index_cast %parallel_loop3A_348 : i32 to index
          %parallel_loop3A_351 = arith.index_cast %parallel_loop3A_349 : i32 to index
          %parallel_loop3A_352 = arith.index_cast %parallel_loop3A_237 : i32 to index
          %parallel_loop3A_353 = arith.index_cast %parallel_loop3A_255 : i32 to index
          %parallel_loop3A_354 = tpu.vector_load %arg7[%parallel_loop3A_350, %parallel_loop3A_351, %parallel_loop3A_352, %parallel_loop3A_353] {strides = array<i32>} : memref<3x14x8x128xf32, #tpu.memory_space<vmem>>, vector<16xf32>,
          tpu.vector_store %arg7[%parallel_loop3A_350, %parallel_loop3A_351, %parallel_loop3A_352, %parallel_loop3A_353], %parallel_loop3A_347 {strides = array<i32>} : memref<3x14x8x128xf32, #tpu.memory_space<vmem>>, vector<16xf32>,
          %parallel_loop3A_355 = tpu.vector_load_idx %arg5[%parallel_loop3A_294] : memref<200xf32, #tpu.memory_space<vmem>>[vector<16xi32>], vector<16xf32>,
          %parallel_loop3A_356 = arith.constant 2 : i32
          %parallel_loop3A_357 = arith.constant 6 : i32
          %parallel_loop3A_358 = arith.index_cast %parallel_loop3A_356 : i32 to index
          %parallel_loop3A_359 = arith.index_cast %parallel_loop3A_357 : i32 to index
          %parallel_loop3A_360 = arith.index_cast %parallel_loop3A_237 : i32 to index
          %parallel_loop3A_361 = arith.index_cast %parallel_loop3A_255 : i32 to index
          %parallel_loop3A_362 = tpu.vector_load %arg7[%parallel_loop3A_358, %parallel_loop3A_359, %parallel_loop3A_360, %parallel_loop3A_361] {strides = array<i32>} : memref<3x14x8x128xf32, #tpu.memory_space<vmem>>, vector<16xf32>,
          tpu.vector_store %arg7[%parallel_loop3A_358, %parallel_loop3A_359, %parallel_loop3A_360, %parallel_loop3A_361], %parallel_loop3A_355 {strides = array<i32>} : memref<3x14x8x128xf32, #tpu.memory_space<vmem>>, vector<16xf32>,
          %parallel_loop3A_363 = arith.constant 1 : i32
          %parallel_loop3A_364 = vector.broadcast %parallel_loop3A_363 : i32 to vector<16xi32>
          %parallel_loop3A_365 = arith.addi %parallel_loop3A_294, %parallel_loop3A_364 : vector<16xi32>
          %parallel_loop3A_366 = tpu.vector_load_idx %arg5[%parallel_loop3A_365] : memref<200xf32, #tpu.memory_space<vmem>>[vector<16xi32>], vector<16xf32>,
          %parallel_loop3A_367 = arith.constant 2 : i32
          %parallel_loop3A_368 = arith.constant 7 : i32
          %parallel_loop3A_369 = arith.index_cast %parallel_loop3A_367 : i32 to index
          %parallel_loop3A_370 = arith.index_cast %parallel_loop3A_368 : i32 to index
          %parallel_loop3A_371 = arith.index_cast %parallel_loop3A_237 : i32 to index
          %parallel_loop3A_372 = arith.index_cast %parallel_loop3A_255 : i32 to index
          %parallel_loop3A_373 = tpu.vector_load %arg7[%parallel_loop3A_369, %parallel_loop3A_370, %parallel_loop3A_371, %parallel_loop3A_372] {strides = array<i32>} : memref<3x14x8x128xf32, #tpu.memory_space<vmem>>, vector<16xf32>,
          tpu.vector_store %arg7[%parallel_loop3A_369, %parallel_loop3A_370, %parallel_loop3A_371, %parallel_loop3A_372], %parallel_loop3A_366 {strides = array<i32>} : memref<3x14x8x128xf32, #tpu.memory_space<vmem>>, vector<16xf32>,
          %parallel_loop3A_374 = arith.constant 2 : i32
          %parallel_loop3A_375 = vector.broadcast %parallel_loop3A_374 : i32 to vector<16xi32>
          %parallel_loop3A_376 = arith.addi %parallel_loop3A_294, %parallel_loop3A_375 : vector<16xi32>
          %parallel_loop3A_377 = tpu.vector_load_idx %arg5[%parallel_loop3A_376] : memref<200xf32, #tpu.memory_space<vmem>>[vector<16xi32>], vector<16xf32>,
          %parallel_loop3A_378 = arith.constant 2 : i32
          %parallel_loop3A_379 = arith.constant 8 : i32
          %parallel_loop3A_380 = arith.index_cast %parallel_loop3A_378 : i32 to index
          %parallel_loop3A_381 = arith.index_cast %parallel_loop3A_379 : i32 to index
          %parallel_loop3A_382 = arith.index_cast %parallel_loop3A_237 : i32 to index
          %parallel_loop3A_383 = arith.index_cast %parallel_loop3A_255 : i32 to index
          %parallel_loop3A_384 = tpu.vector_load %arg7[%parallel_loop3A_380, %parallel_loop3A_381, %parallel_loop3A_382, %parallel_loop3A_383] {strides = array<i32>} : memref<3x14x8x128xf32, #tpu.memory_space<vmem>>, vector<16xf32>,
          tpu.vector_store %arg7[%parallel_loop3A_380, %parallel_loop3A_381, %parallel_loop3A_382, %parallel_loop3A_383], %parallel_loop3A_377 {strides = array<i32>} : memref<3x14x8x128xf32, #tpu.memory_space<vmem>>, vector<16xf32>,
          %parallel_loop3A_385 = arith.constant 3 : i32
          %parallel_loop3A_386 = vector.broadcast %parallel_loop3A_385 : i32 to vector<16xi32>
          %parallel_loop3A_387 = arith.addi %parallel_loop3A_294, %parallel_loop3A_386 : vector<16xi32>
          %parallel_loop3A_388 = tpu.vector_load_idx %arg5[%parallel_loop3A_387] : memref<200xf32, #tpu.memory_space<vmem>>[vector<16xi32>], vector<16xf32>,
          %parallel_loop3A_389 = arith.constant 2 : i32
          %parallel_loop3A_390 = arith.constant 9 : i32
          %parallel_loop3A_391 = arith.index_cast %parallel_loop3A_389 : i32 to index
          %parallel_loop3A_392 = arith.index_cast %parallel_loop3A_390 : i32 to index
          %parallel_loop3A_393 = arith.index_cast %parallel_loop3A_237 : i32 to index
          %parallel_loop3A_394 = arith.index_cast %parallel_loop3A_255 : i32 to index
          %parallel_loop3A_395 = tpu.vector_load %arg7[%parallel_loop3A_391, %parallel_loop3A_392, %parallel_loop3A_393, %parallel_loop3A_394] {strides = array<i32>} : memref<3x14x8x128xf32, #tpu.memory_space<vmem>>, vector<16xf32>,
          tpu.vector_store %arg7[%parallel_loop3A_391, %parallel_loop3A_392, %parallel_loop3A_393, %parallel_loop3A_394], %parallel_loop3A_388 {strides = array<i32>} : memref<3x14x8x128xf32, #tpu.memory_space<vmem>>, vector<16xf32>,
          %parallel_loop3A_396 = arith.constant 4 : i32
          %parallel_loop3A_397 = vector.broadcast %parallel_loop3A_396 : i32 to vector<16xi32>
          %parallel_loop3A_398 = arith.addi %parallel_loop3A_294, %parallel_loop3A_397 : vector<16xi32>
          %parallel_loop3A_399 = tpu.vector_load_idx %arg5[%parallel_loop3A_398] : memref<200xf32, #tpu.memory_space<vmem>>[vector<16xi32>], vector<16xf32>,
          %parallel_loop3A_400 = arith.constant 2 : i32
          %parallel_loop3A_401 = arith.constant 10 : i32
          %parallel_loop3A_402 = arith.index_cast %parallel_loop3A_400 : i32 to index
          %parallel_loop3A_403 = arith.index_cast %parallel_loop3A_401 : i32 to index
          %parallel_loop3A_404 = arith.index_cast %parallel_loop3A_237 : i32 to index
          %parallel_loop3A_405 = arith.index_cast %parallel_loop3A_255 : i32 to index
          %parallel_loop3A_406 = tpu.vector_load %arg7[%parallel_loop3A_402, %parallel_loop3A_403, %parallel_loop3A_404, %parallel_loop3A_405] {strides = array<i32>} : memref<3x14x8x128xf32, #tpu.memory_space<vmem>>, vector<16xf32>,
          tpu.vector_store %arg7[%parallel_loop3A_402, %parallel_loop3A_403, %parallel_loop3A_404, %parallel_loop3A_405], %parallel_loop3A_399 {strides = array<i32>} : memref<3x14x8x128xf32, #tpu.memory_space<vmem>>, vector<16xf32>,
          %parallel_loop3A_407 = arith.constant 5 : i32
          %parallel_loop3A_408 = vector.broadcast %parallel_loop3A_407 : i32 to vector<16xi32>
          %parallel_loop3A_409 = arith.addi %parallel_loop3A_294, %parallel_loop3A_408 : vector<16xi32>
          %parallel_loop3A_410 = tpu.vector_load_idx %arg5[%parallel_loop3A_409] : memref<200xf32, #tpu.memory_space<vmem>>[vector<16xi32>], vector<16xf32>,
          %parallel_loop3A_411 = arith.constant 2 : i32
          %parallel_loop3A_412 = arith.constant 11 : i32
          %parallel_loop3A_413 = arith.index_cast %parallel_loop3A_411 : i32 to index
          %parallel_loop3A_414 = arith.index_cast %parallel_loop3A_412 : i32 to index
          %parallel_loop3A_415 = arith.index_cast %parallel_loop3A_237 : i32 to index
          %parallel_loop3A_416 = arith.index_cast %parallel_loop3A_255 : i32 to index
          %parallel_loop3A_417 = tpu.vector_load %arg7[%parallel_loop3A_413, %parallel_loop3A_414, %parallel_loop3A_415, %parallel_loop3A_416] {strides = array<i32>} : memref<3x14x8x128xf32, #tpu.memory_space<vmem>>, vector<16xf32>,
          tpu.vector_store %arg7[%parallel_loop3A_413, %parallel_loop3A_414, %parallel_loop3A_415, %parallel_loop3A_416], %parallel_loop3A_410 {strides = array<i32>} : memref<3x14x8x128xf32, #tpu.memory_space<vmem>>, vector<16xf32>,
          %parallel_loop3A_418 = arith.constant 6 : i32
          %parallel_loop3A_419 = vector.broadcast %parallel_loop3A_418 : i32 to vector<16xi32>
          %parallel_loop3A_420 = arith.addi %parallel_loop3A_294, %parallel_loop3A_419 : vector<16xi32>
          %parallel_loop3A_421 = tpu.vector_load_idx %arg5[%parallel_loop3A_420] : memref<200xf32, #tpu.memory_space<vmem>>[vector<16xi32>], vector<16xf32>,
          %parallel_loop3A_422 = arith.constant 2 : i32
          %parallel_loop3A_423 = arith.constant 12 : i32
          %parallel_loop3A_424 = arith.index_cast %parallel_loop3A_422 : i32 to index
          %parallel_loop3A_425 = arith.index_cast %parallel_loop3A_423 : i32 to index
          %parallel_loop3A_426 = arith.index_cast %parallel_loop3A_237 : i32 to index
          %parallel_loop3A_427 = arith.index_cast %parallel_loop3A_255 : i32 to index
          %parallel_loop3A_428 = tpu.vector_load %arg7[%parallel_loop3A_424, %parallel_loop3A_425, %parallel_loop3A_426, %parallel_loop3A_427] {strides = array<i32>} : memref<3x14x8x128xf32, #tpu.memory_space<vmem>>, vector<16xf32>,
          tpu.vector_store %arg7[%parallel_loop3A_424, %parallel_loop3A_425, %parallel_loop3A_426, %parallel_loop3A_427], %parallel_loop3A_421 {strides = array<i32>} : memref<3x14x8x128xf32, #tpu.memory_space<vmem>>, vector<16xf32>,
          %parallel_loop3A_429 = arith.constant 7 : i32
          %parallel_loop3A_430 = vector.broadcast %parallel_loop3A_429 : i32 to vector<16xi32>
          %parallel_loop3A_431 = arith.addi %parallel_loop3A_294, %parallel_loop3A_430 : vector<16xi32>
          %parallel_loop3A_432 = tpu.vector_load_idx %arg5[%parallel_loop3A_431] : memref<200xf32, #tpu.memory_space<vmem>>[vector<16xi32>], vector<16xf32>,
          %parallel_loop3A_433 = arith.constant 2 : i32
          %parallel_loop3A_434 = arith.constant 13 : i32
          %parallel_loop3A_435 = arith.index_cast %parallel_loop3A_433 : i32 to index
          %parallel_loop3A_436 = arith.index_cast %parallel_loop3A_434 : i32 to index
          %parallel_loop3A_437 = arith.index_cast %parallel_loop3A_237 : i32 to index
          %parallel_loop3A_438 = arith.index_cast %parallel_loop3A_255 : i32 to index
          %parallel_loop3A_439 = tpu.vector_load %arg7[%parallel_loop3A_435, %parallel_loop3A_436, %parallel_loop3A_437, %parallel_loop3A_438] {strides = array<i32>} : memref<3x14x8x128xf32, #tpu.memory_space<vmem>>, vector<16xf32>,
          tpu.vector_store %arg7[%parallel_loop3A_435, %parallel_loop3A_436, %parallel_loop3A_437, %parallel_loop3A_438], %parallel_loop3A_432 {strides = array<i32>} : memref<3x14x8x128xf32, #tpu.memory_space<vmem>>, vector<16xf32>,
        } {sc.loop_unroll_factor = 8 : i64, sc.parallel_access}
        %dma_start3A_153 = arith.constant 2 : i32
        %dma_start3A_154 = arith.constant 0 : i32
        %dma_start3A_155 = arith.constant 0 : i32
        %dma_start3A_156 = arith.constant 0 : i32
        %dma_start3A_157 = tpu.memref_slice %arg7[%dma_start3A_153, %dma_start3A_154, %dma_start3A_155, %dma_start3A_156] : memref<3x14x8x128xf32, #tpu.memory_space<vmem>> -> memref<1x14x8x128xf32, #tpu.memory_space<vmem>>
        %dma_start3A_158 = tpu.memref_squeeze %dma_start3A_157 : memref<1x14x8x128xf32, #tpu.memory_space<vmem>> -> memref<14x8x128xf32, #tpu.memory_space<vmem>>
        %dma_start3A_159 = arith.constant 20 : i32
        %dma_start3A_160 = tpu.memref_slice %arg4[%dma_start3A_159, %add3A_119, %mul3A_136] : memref<36x1024x1024xf32, #tpu.memory_space<hbm>> -> memref<14x8x128xf32, #tpu.memory_space<hbm>>
        %dma_start3A_161 = arith.constant 20 : i32
        %dma_start3A_162 = tpu.memref_slice %arg4[%dma_start3A_161, %add3A_119, %mul3A_136] : memref<36x1024x1024xf32, #tpu.memory_space<hbm>> -> memref<14x8x128xf32, #tpu.memory_space<hbm>>
        %dma_start3A_163 = arith.constant 0 : i32
        %dma_start3A_164 = arith.constant 0 : i32
        %dma_start3A_165 = arith.constant 0 : i32
        %dma_start3A_166 = tpu.memref_slice %arg7[%dma_start3A_153, %dma_start3A_163, %dma_start3A_164, %dma_start3A_165] : memref<3x14x8x128xf32, #tpu.memory_space<vmem>> -> memref<1x14x8x128xf32, #tpu.memory_space<vmem>>
        %dma_start3A_167 = tpu.memref_squeeze %dma_start3A_166 : memref<1x14x8x128xf32, #tpu.memory_space<vmem>> -> memref<14x8x128xf32, #tpu.memory_space<vmem>>
        tpu.enqueue_dma source(%dma_start3A_167 : memref<14x8x128xf32, #tpu.memory_space<vmem>>) target(%dma_start3A_162 : memref<14x8x128xf32, #tpu.memory_space<hbm>>) target_semaphore(%arg13 : memref<!tpu.dma_semaphore, #tpu.memory_space<semaphore_mem>>)
        %dma_start3A_168 = arith.constant 2 : i32
        %dma_start3A_169 = arith.constant 0 : i32
        %dma_start3A_170 = arith.constant 0 : i32
        %dma_start3A_171 = arith.constant 0 : i32
        %dma_start3A_172 = tpu.memref_slice %arg6[%dma_start3A_168, %dma_start3A_169, %dma_start3A_170, %dma_start3A_171] : memref<3x26x8x128xf32, #tpu.memory_space<vmem>> -> memref<1x18x8x128xf32, #tpu.memory_space<vmem>>
        %dma_start3A_173 = tpu.memref_squeeze %dma_start3A_172 : memref<1x18x8x128xf32, #tpu.memory_space<vmem>> -> memref<18x8x128xf32, #tpu.memory_space<vmem>>
        %dma_start3A_174 = arith.constant 0 : i32
        %dma_start3A_175 = tpu.memref_slice %arg4[%dma_start3A_174, %add3A_119, %mul3A_136] : memref<36x1024x1024xf32, #tpu.memory_space<hbm>> -> memref<18x8x128xf32, #tpu.memory_space<hbm>>
        %dma_start3A_176 = arith.constant 0 : i32
        %dma_start3A_177 = tpu.memref_slice %arg4[%dma_start3A_176, %add3A_119, %mul3A_136] : memref<36x1024x1024xf32, #tpu.memory_space<hbm>> -> memref<18x8x128xf32, #tpu.memory_space<hbm>>
        %dma_start3A_178 = arith.constant 0 : i32
        %dma_start3A_179 = arith.constant 0 : i32
        %dma_start3A_180 = arith.constant 0 : i32
        %dma_start3A_181 = tpu.memref_slice %arg6[%dma_start3A_168, %dma_start3A_178, %dma_start3A_179, %dma_start3A_180] : memref<3x26x8x128xf32, #tpu.memory_space<vmem>> -> memref<1x18x8x128xf32, #tpu.memory_space<vmem>>
        %dma_start3A_182 = tpu.memref_squeeze %dma_start3A_181 : memref<1x18x8x128xf32, #tpu.memory_space<vmem>> -> memref<18x8x128xf32, #tpu.memory_space<vmem>>
        tpu.enqueue_dma source(%dma_start3A_182 : memref<18x8x128xf32, #tpu.memory_space<vmem>>) target(%dma_start3A_177 : memref<18x8x128xf32, #tpu.memory_space<hbm>>) target_semaphore(%arg13 : memref<!tpu.dma_semaphore, #tpu.memory_space<semaphore_mem>>)
        %dma_start3A_183 = arith.constant 2 : i32
        %dma_start3A_184 = arith.constant 19 : i32
        %dma_start3A_185 = arith.constant 0 : i32
        %dma_start3A_186 = arith.constant 0 : i32
        %dma_start3A_187 = tpu.memref_slice %arg6[%dma_start3A_183, %dma_start3A_184, %dma_start3A_185, %dma_start3A_186] : memref<3x26x8x128xf32, #tpu.memory_space<vmem>> -> memref<1x2x8x128xf32, #tpu.memory_space<vmem>>
        %dma_start3A_188 = tpu.memref_squeeze %dma_start3A_187 : memref<1x2x8x128xf32, #tpu.memory_space<vmem>> -> memref<2x8x128xf32, #tpu.memory_space<vmem>>
        %dma_start3A_189 = arith.constant 18 : i32
        %dma_start3A_190 = tpu.memref_slice %arg4[%dma_start3A_189, %add3A_119, %mul3A_136] : memref<36x1024x1024xf32, #tpu.memory_space<hbm>> -> memref<2x8x128xf32, #tpu.memory_space<hbm>>
        %dma_start3A_191 = arith.constant 18 : i32
        %dma_start3A_192 = tpu.memref_slice %arg4[%dma_start3A_191, %add3A_119, %mul3A_136] : memref<36x1024x1024xf32, #tpu.memory_space<hbm>> -> memref<2x8x128xf32, #tpu.memory_space<hbm>>
        %dma_start3A_193 = arith.constant 19 : i32
        %dma_start3A_194 = arith.constant 0 : i32
        %dma_start3A_195 = arith.constant 0 : i32
        %dma_start3A_196 = tpu.memref_slice %arg6[%dma_start3A_183, %dma_start3A_193, %dma_start3A_194, %dma_start3A_195] : memref<3x26x8x128xf32, #tpu.memory_space<vmem>> -> memref<1x2x8x128xf32, #tpu.memory_space<vmem>>
        %dma_start3A_197 = tpu.memref_squeeze %dma_start3A_196 : memref<1x2x8x128xf32, #tpu.memory_space<vmem>> -> memref<2x8x128xf32, #tpu.memory_space<vmem>>
        tpu.enqueue_dma source(%dma_start3A_197 : memref<2x8x128xf32, #tpu.memory_space<vmem>>) target(%dma_start3A_192 : memref<2x8x128xf32, #tpu.memory_space<hbm>>) target_semaphore(%arg13 : memref<!tpu.dma_semaphore, #tpu.memory_space<semaphore_mem>>)
        %dma_start3A_198 = arith.constant 2 : i32
        %dma_start3A_199 = arith.constant 24 : i32
        %dma_start3A_200 = arith.constant 0 : i32
        %dma_start3A_201 = arith.constant 0 : i32
        %dma_start3A_202 = tpu.memref_slice %arg6[%dma_start3A_198, %dma_start3A_199, %dma_start3A_200, %dma_start3A_201] : memref<3x26x8x128xf32, #tpu.memory_space<vmem>> -> memref<1x2x8x128xf32, #tpu.memory_space<vmem>>
        %dma_start3A_203 = tpu.memref_squeeze %dma_start3A_202 : memref<1x2x8x128xf32, #tpu.memory_space<vmem>> -> memref<2x8x128xf32, #tpu.memory_space<vmem>>
        %dma_start3A_204 = arith.constant 34 : i32
        %dma_start3A_205 = tpu.memref_slice %arg4[%dma_start3A_204, %add3A_119, %mul3A_136] : memref<36x1024x1024xf32, #tpu.memory_space<hbm>> -> memref<2x8x128xf32, #tpu.memory_space<hbm>>
        %dma_start3A_206 = arith.constant 34 : i32
        %dma_start3A_207 = tpu.memref_slice %arg4[%dma_start3A_206, %add3A_119, %mul3A_136] : memref<36x1024x1024xf32, #tpu.memory_space<hbm>> -> memref<2x8x128xf32, #tpu.memory_space<hbm>>
        %dma_start3A_208 = arith.constant 24 : i32
        %dma_start3A_209 = arith.constant 0 : i32
        %dma_start3A_210 = arith.constant 0 : i32
        %dma_start3A_211 = tpu.memref_slice %arg6[%dma_start3A_198, %dma_start3A_208, %dma_start3A_209, %dma_start3A_210] : memref<3x26x8x128xf32, #tpu.memory_space<vmem>> -> memref<1x2x8x128xf32, #tpu.memory_space<vmem>>
        %dma_start3A_212 = tpu.memref_squeeze %dma_start3A_211 : memref<1x2x8x128xf32, #tpu.memory_space<vmem>> -> memref<2x8x128xf32, #tpu.memory_space<vmem>>
        tpu.enqueue_dma source(%dma_start3A_212 : memref<2x8x128xf32, #tpu.memory_space<vmem>>) target(%dma_start3A_207 : memref<2x8x128xf32, #tpu.memory_space<hbm>>) target_semaphore(%arg13 : memref<!tpu.dma_semaphore, #tpu.memory_space<semaphore_mem>>)
      } else {
      }
    }
    %scan3A_25 = arith.constant 11 : i32
    return
  }
}

</mosaic_0001>

<sc_bundles>
// kernel: kernel.3.cloned.1.call-start
scs
__scs_entry_jumppad:
0x0: {  	(pc) =	sbr.rel $0x88, $3  }
0x1: {  	(tag) =	ssettag $0x0;
	lr =	simm.s32 $0x1  }
0x2: {  	[smem:$0x3F9D] =	sst lr;
	_ =	strace $0xD0000000  }
0x3: {  	_ = 	snop  }
0x4: {  	_ = 	snop  }
0x5: {  	_ = 	snop  }
0x6: {  	_ = 	snop  }
0x7: {  	_ = 	snop  }
__scs_overlays_trampoline_lowered:
0x8: {  	[smem:$0x3FAC] =	sst s0  }
0x9: {  	[smem:$0x3FAD] =	sst s1  }
0xa: {  	[smem:$0x3FAE] =	sst s2  }
0xb: {  	[smem:$0x3FAF] =	sst s3  }
0xc: {  	[smem:$0x3FB0] =	sst s4  }
0xd: {  	[smem:$0x3FB1] =	sst s5  }
0xe: {  	[smem:$0x3FB2] =	sst s6  }
0xf: {  	[smem:$0x3FB3] =	sst s7  }
0x10: {  	[smem:$0x3FB4] =	sst s8  }
0x11: {  	[smem:$0x3FB5] =	sst s9;
	s0 =	simm.s32 @!p0 $0x0  }
0x12: {  	s1 =	sld [smem:$0x3F9B];
	s0 =	simm.s32 @p0 $0x1  }
0x13: {  	[smem:$0x3FB6] =	sst s0;
	s0 =	simm.s32 @!p1 $0x0  }
0x14: {  	s2 =	sld [smem:$0x3F9A];
	s0 =	simm.s32 @p1 $0x1  }
0x15: {  	[smem:$0x3FB7] =	sst s0;
	s0 =	simm.s32 @!p2 $0x0  }
0x16: {  	s3 =	sld [smem:$0x3FDB];
	s0 =	simm.s32 @p2 $0x1  }
0x17: {  	s4 =	simm.s32 $0x1BF5;
	[smem:$0x3FB9] =	sst s0  }
0x18: {  	s0 =	sld [smem:$0x3F9C];
	_ =	swait.ge [sflag:s4], $0x0  }
0x19: {  	s7 =	sld [smem:$0x3F9D]  }
0x1a: {  	s8 =	sadd.s32 $0xFFFFE003, lr  }
0x1b: {  	s9 =	sadd.s32 $0xFFFFFEF7, lr;
	s5 =	simm.s32 $0xFFFFFFFF;
	p2 =	slt.u32 s8, $0xFFFFF086  }
0x1c: {  	p1 =	slt.u32 s9, $0xF7A;
	s5 =	simm.s32 @!p2 $0x0  }
0x1d: {  	s5 =	simm.s32 @p1 $0x1;
	p0 =	seq.s32 s7, s2  }
0x1e: {  	s7 =	smul.u32 @!p0 $0xF7A, s2;
	p2 =	seq.s32 @!p0 s5, $0x0  }
0x1f: {  	s9 =	smul.u32 $0xF7A, s1;
	s8 =	simm.s32 @!p0 $0x1BF5;
	p2 =	por !p2, p0  }
0x20: {  	[sflag:s8] =	ssyncset.s32 @!p0 $0xFFFFF086;
	s6 =	sadd.s32 @!p0 s3, s7;
	s7 =	simm.s32 @!p0 $0x108  }
0x21: {  	s3 =	sadd.s32 s3, s9;
	s6 =	sadd.s32 @!p0 $0x88, s6;
	s7 =	simm.s32 @p2 $0x1082  }
0x22: {  	[simem:s7], [sflag:s8] =	dma.local @!p0 [hbm:s6], $0xF7A  }
0x23: {  	s9 =	sor.u32 $0xD0000000, s2;
	s6 =	simm.s32 $0x108;
	_ =	swait.ge @!p0 [sflag:s8], $0x0  }
0x24: {  	s3 =	sadd.s32 $0x88, s3;
	s6 =	simm.s32 @!p1 $0x1082;
	[sflag:s4] =	ssyncset.s32 $0xFFFFF086  }
0x25: {  	[simem:s6], [sflag:s4] =	dma.local [hbm:s3], $0xF7A  }
0x26: {  	[smem:$0x3F9D] =	sst s1;
	(tag) =	ssettag s2;
	_ =	strace s9  }
0x27: {  	s1 =	sld [smem:$0x3FAD]  }
0x28: {  	s2 =	sld [smem:$0x3FAE]  }
0x29: {  	s4 =	sld [smem:$0x3FB0]  }
0x2a: {  	p0 =	seq.s32 s5, $0x0;
	s5 =	sld [smem:$0x3FB1]  }
0x2b: {  	s6 =	sld [smem:$0x3FB2]  }
0x2c: {  	s7 =	sld [smem:$0x3FB3]  }
0x2d: {  	s3 =	simm.s32 $0x108;
	s8 =	sld [smem:$0x3FB4]  }
0x2e: {  	s3 =	simm.s32 @!p0 $0x1082;
	s9 =	sld [smem:$0x3FB5]  }
0x2f: {  	lr =	sadd.s32 s0, s3;
	s0 =	sld [smem:$0x3FAC]  }
0x30: {  	s3 =	sld [smem:$0x3FAF]  }
0x31: {  	[smem:$0x3FB8] =	sst s10  }
0x32: {  	s10 =	sld [smem:$0x3FB6];
	_ =	sdelay $0x3  }
0x33: {  	p0 =	seq.s32 s10, $0x1;
	s10 =	sld [smem:$0x3FB8];
	_ =	sdelay $0x3  }
0x34: {  	[smem:$0x3FB8] =	sst s10  }
0x35: {  	s10 =	sld [smem:$0x3FB7];
	_ =	sdelay $0x3  }
0x36: {  	p1 =	seq.s32 s10, $0x1;
	s10 =	sld [smem:$0x3FB8];
	_ =	sdelay $0x3  }
0x37: {  	[smem:$0x3FB8] =	sst s10  }
0x38: {  	s10 =	sld [smem:$0x3FB9]  }
0x39: {  	_ = 	snop;
	(pc) =	sbr.ind lr, $3  }
0x3a: {  	_ = 	snop  }
0x3b: {  	_ = 	snop  }
0x3c: {  	p2 =	seq.s32 s10, $0x1;
	s10 =	sld [smem:$0x3FB8]  }
0x3d: {  	_ =	shalt  }
0x3e: {  	_ =	shalt  }
0x3f: {  	_ =	shalt  }
0x40: {  	_ =	shalt  }
0x41: {  	_ =	shalt  }
0x42: {  	_ =	shalt  }
0x43: {  	_ =	shalt  }
0x44: {  	_ =	shalt  }
0x45: {  	_ =	shalt  }
0x46: {  	_ =	shalt  }
0x47: {  	_ =	shalt  }
0x48: {  	_ =	shalt  }
0x49: {  	_ =	shalt  }
0x4a: {  	_ =	shalt  }
0x4b: {  	_ =	shalt  }
0x4c: {  	_ =	shalt  }
0x4d: {  	_ =	shalt  }
0x4e: {  	_ =	shalt  }
0x4f: {  	_ =	shalt  }
0x50: {  	_ =	shalt  }
0x51: {  	_ =	shalt  }
0x52: {  	_ =	shalt  }
0x53: {  	_ =	shalt  }
0x54: {  	_ =	shalt  }
0x55: {  	_ =	shalt  }
0x56: {  	_ =	shalt  }
0x57: {  	_ =	shalt  }
0x58: {  	_ =	shalt  }
0x59: {  	_ =	shalt  }
0x5a: {  	_ =	shalt  }
0x5b: {  	_ =	shalt  }
0x5c: {  	_ =	shalt  }
0x5d: {  	_ =	shalt  }
0x5e: {  	_ =	shalt  }
0x5f: {  	_ =	shalt  }
0x60: {  	_ =	shalt  }
0x61: {  	_ =	shalt  }
0x62: {  	_ =	shalt  }
0x63: {  	_ =	shalt  }
0x64: {  	_ =	shalt  }
0x65: {  	_ =	shalt  }
0x66: {  	_ =	shalt  }
0x67: {  	_ =	shalt  }
0x68: {  	_ =	shalt  }
0x69: {  	_ =	shalt  }
0x6a: {  	_ =	shalt  }
0x6b: {  	_ =	shalt  }
0x6c: {  	_ =	shalt  }
0x6d: {  	_ =	shalt  }
0x6e: {  	_ =	shalt  }
0x6f: {  	_ =	shalt  }
0x70: {  	_ =	shalt  }
0x71: {  	_ =	shalt  }
0x72: {  	_ =	shalt  }
0x73: {  	_ =	shalt  }
0x74: {  	_ =	shalt  }
0x75: {  	_ =	shalt  }
0x76: {  	_ =	shalt  }
0x77: {  	_ =	shalt  }
0x78: {  	_ =	shalt  }
0x79: {  	_ =	shalt  }
0x7a: {  	_ =	shalt  }
0x7b: {  	_ =	shalt  }
0x7c: {  	_ =	shalt  }
0x7d: {  	_ =	shalt  }
0x7e: {  	_ =	shalt  }
0x7f: {  	_ =	shalt  }
0x80: {  	_ =	shalt  }
0x81: {  	_ =	shalt  }
0x82: {  	_ =	shalt  }
0x83: {  	_ =	shalt  }
0x84: {  	_ =	shalt  }
0x85: {  	_ =	shalt  }
0x86: {  	_ =	shalt  }
0x87: {  	_ =	shalt  }
.Lfunc_end0:
.L_simem_size_0:
called_computation_lowered:
.L_overlay_start_0:
0x88: {  	s2 =	sld [smem:$0x3FD9]  }
0x89: {  	s3 =	sld [smem:$0x3FFE];
	_ =	sdelay $0x1  }
0x8a: {  	s1 =	srdreg.scid  }
0x8b: {  	s0 =	sand.u32 $0x1, s1  }
0x8c: {  	s17 =	sshll.u32 s0, $0xA;
	s2 =	sadd.s32 s3, s2  }
0x8d: {  	s2 =	sadd.s32 s2, s17  }
0x8e: {  	[smem:$0x3FC4] =	sst s2  }
0x8f: {  	_ = 	snop  }
0x90: {  	s2 =	sld [smem:$0x3FC9]  }
0x91: {  	s18 =	sld [smem:$0x3FD0];
	(tm) =	ssettm $0x1  }
0x92: {  	s4 =	sld [smem:$0x3FFB];
	_ =	sdelay $0x3  }
0x93: {  	_ =	strace s4  }
0x94: {  	s4 =	sld [smem:$0x3FFC];
	_ =	sdelay $0x3  }
0x95: {  	_ =	strace s4  }
0x96: {  	s4 =	sld [smem:$0x3FFD];
	_ =	sdelay $0x3  }
0x97: {  	_ =	strace s4  }
0x98: {  	_ =	strace $0x8FFFFFFF  }
0x99: {  	s19 =	sld [smem:$0x3FDB];
	_ =	sdelay $0x1  }
0x9a: {  	s5 =	simm.s32 $_scs_section_size  }
0x9b: {  	s6 =	simm.s32 $_size__tile_overlayer_lowered;
	s7 =	simm.s32 $_tile_overlayer_lowered  }
0x9c: {  	s22 =	simm.s32 $0x1BFF;
	s21 =	sshll.u32 s7, $0x1;
	s4 =	sadd.s32 s5, s19  }
0x9d: {  	s8 =	simm.s32 $0x0;
	s20 =	sshll.u32 s6, $0x1;
	s6 =	sadd.s32 s21, s4  }
0x9e: {  	[timem:s8], [sflag:s22] =	dma.local [hbm:s6], s20  }
0x9f: {  	_ =	swait.ge [sflag:s22], s20  }
0xa0: {  	s5 =	ssub.s32 $0x0, s20;
	[sflag:s22] =	ssyncset.done $0x0  }
0xa1: {  	[sflag:s22] =	ssyncadd.s32 s5;
	_ =	sdelay $0x1  }
0xa2: {  	s23 =	simm.s32 $0x1B8B  }
0xa3: {  	_ =	swait.ge [sflag:s23], $0x1  }
0xa4: {  	[sflag:s23] =	ssyncset.done $0x0  }
0xa5: {  	s25 =	simm.s32 $0x1B8E;
	s24 =	sld [smem:$0x3FFE];
	[sflag:s23] =	ssyncadd.s32 $0xFFFFFFFF  }
0xa6: {  	s26 =	simm.s32 $execute0_lowered;
	[smem:$0x3FD2] =	sst s25  }
0xa7: {  	s6 =	sshll.u32 s26, $0x1;
	_ =	strace $0x80000046;
	[dreg:$0x1] =	wrdreg $0xFFFFFFFF  }
0xa8: {  	s28 =	simm.s32 $_size_execute0_lowered;
	s4 =	sadd.s32 s4, s6;
	[dreg:$0x0] =	wrdreg $0x0  }
0xa9: {  	s6 =	sshll.u32 s28, $0x1;
	[dreg:$0x2] =	wrdreg s4  }
0xaa: {  	[dreg:$0x3] =	wrdreg s6  }
0xab: {  	[dreg:$0x4] =	wrdreg $0xC0  }
0xac: {  	_ =	task [dreg:s8], $0x5FFFF  }
0xad: {  	[dreg:$0x1] =	wrdreg $0xFFFFFFFF  }
0xae: {  	[dreg:$0x0] =	wrdreg $0x60  }
0xaf: {  	[dreg:$0x2] =	wrdreg s2  }
0xb0: {  	[dreg:$0x3] =	wrdreg s24  }
0xb1: {  	[dreg:$0x4] =	wrdreg s18  }
0xb2: {  	[dreg:$0x5] =	wrdreg $0x9  }
0xb3: {  	_ =	task.clear_ibuf [dreg:s8], $0x6FFFF;
	_ =	strace $0x90000046  }
0xb4: {  	s29 =	simm.s32 $0x9;
	_ =	strace $0x80000048  }
0xb5: {  	_ =	swait.ge [sflag:s29], $0x1  }
0xb6: {  	[sflag:s29] =	ssyncadd.s32 $0xFFFFFFFF  }
0xb7: {  	_ =	strace $0x90000048  }
0xb8: {  	_ =	sfence  }
0xb9: {  	s30 =	sld [smem:$0x0];
	_ =	sdelay $0x2  }
0xba: {  	s31 =	sshll.u32 s1, $0xD;
	s1 =	sshrl.u32 s1, $0x2  }
0xbb: {  	s3 =	sand.u32 $0x4000, s31;
	s1 =	sadd.s32 s1, s30  }
0xbc: {  	s0 =	sor.u32 s3, s0;
	s1 =	sshll.u32 s1, $0x11  }
0xbd: {  	s0 =	sor.u32 s1, s0  }
0xbe: {  	s0 =	sadd.s32 $0x8F2B, s0  }
0xbf: {  	[sflag:s0] =	ssyncadd.remote.s32 $0x1  }
0xc0: {  	_ =	sfence.sel $0xFFFF  }
0xc1: {  	[dreg:$0x0] =	wrdreg $0xFFFFFFFF;
	(pc) =	sbr.abs _section_cstart, $3  }
0xc2: {  	[dreg:$0x1] =	wrdreg $0xFFFFFFFF  }
0xc3: {  	_ =	task.clear_ibuf [dreg:s8], $0x2FFFF;
	_ =	strace $0x9FFFFFFF  }
0xc4: {  	(tm) =	ssettm $0x7FFFFFFF  }
0xc5: {  	_ =	shalt  }
tec
execute0_lowered:
.L_overlay_start_1:
0x0: {  	(tag) =	ssettag $0x1  }
0x1: {  	s1 =	rddreg [dreg:$0x0]  }
0x2: {  	s0 =	rddreg [dreg:$0x1]  }
0x3: {  	s3 =	rddreg [dreg:$0x2];
	s2 =	srdreg.scid  }
0x4: {  	s4 =	simm.s32 $0x0;
	s5 =	stileid.u32;
	s10 =	simm.s32 $0x400  }
0x5: {  	s11 =	simm.s32 $0x100000;
	s12 =	simm.s32 $0x100;
	s13 =	simm.s32 $0x6900  }
0x6: {  	s14 =	simm.s32 $0x1;
	s15 =	simm.s32 $0x13900;
	s16 =	simm.s32 $0x4D00  }
0x7: {  	s17 =	simm.s32 $0x6100;
	s18 =	simm.s32 $0x2;
	s19 =	simm.s32 $0x17100  }
0x8: {  	s20 =	simm.s32 $0xB500;
	s21 =	simm.s32 $0xC900;
	s22 =	simm.s32 $0x4  }
0x9: {  	s23 =	simm.s32 $0x3;
	s24 =	simm.s32 $0x1A900;
	s25 =	simm.s32 $0xD100  }
0xa: {  	s26 =	simm.s32 $0x11D00;
	s2 =	sand.u32 $0x1, s2;
	[smem:$0x7FF] =	sst s4  }
0xb: {  	s5 =	sshll.u32 s5, $0x6;
	s0 =	sadd.s32 $0x400, s0;
	s6 =	sshll.u32 s2, $0x5  }
.Ltmp0:
0xc: {  	s2 =	ssub.s32 $0x2, s2;
	s5 =	sor.u32 s6, s5;
	(pc) =	sbr.rel .LBB2_1-.Ltmp0, $4  }
0xd: {  	_ =	strace $0x80000047;
	s30 =	sshrl.u32 s2, $0x1;
	s6 =	sshll.u32 s5, $0x7  }
0xe: {  	[dreg:$0x4] =	wrdreg s0;
	s0 =	ssub.s32 s2, s30;
	s31 =	sadd.s32 s1, s6  }
0xf: {  	s28 =	simm.s32 $0x13100;
	s0 =	smax.u32 s0, $0x1;
	[dreg:$0x5] =	wrdreg s31  }
0x10: {  	s7 =	sshrl.u32 s5, $0x3;
	s2 =	simm.s32 $0x0;
	[dreg:$0x6] =	wrdreg s0  }
.LBB2_10:
0x11: {  	s2 =	rddreg [dreg:$0x7]  }
0x12: {  	s0 =	rddreg [dreg:$0x6];
	s2 =	sadd.s32 $0x1, s2  }
0x13: {  	p0 =	sne.s32 s2, s0  }
.Ltmp1:
0x14: {  	_ = 	snop;
	(pc) =	sbr.rel @!p0 .LBB2_11-.Ltmp1, $1  }
0x15: {  	_ =	sdelay $0x3  }
.LBB2_1:
0x16: {  	[dreg:$0x7] =	wrdreg s2  }
0x17: {  	s0 =	rddreg [dreg:$0x4];
	s29 =	simm.s32 $0x7  }
0x18: {  	[tilespmem:s4], [sflag:$0x7] =	stream.linear.gather [hbm4b:s0+s4], $0x100, $0x38;
	[tilespmem:$0x1E100] =	vst v63  }
0x19: {  	_ =	swait.ge [sflag:s29], $0x100  }
0x1a: {  	[sflag:s29] =	ssyncset.done $0x0  }
0x1b: {  	s30 =	simm.s32 $0x0;
	s31 =	rddreg [dreg:$0x5];
	[sflag:s29] =	ssyncadd.s32 $0xFFFFFF00  }
0x1c: {  	[tilespmem:s12], [sflag:$0x1] =	stream.strided.gather [hbm4b:s31+s10], $0x6800, s11, s10, $0x38;
	[tilespmem:$0x1E100] =	vst v63  }
.LBB2_2:
0x1d: {  	s31 =	smul.u32 $0x3, s30;
	_ =	sdelay $0x1  }
0x1e: {  	s0 =	sadd.s32 $0xFFFFFFFE, s31  }
0x1f: {  	p0 =	sgt.u32 s0, $0x1F  }
0x20: {  	s2 =	simm.s32 @!p0 $0x5  }
0x21: {  	_ =	swait.ge @!p0 [sflag:s2], $0x3800  }
0x22: {  	[sflag:s2] =	ssyncset.done @!p0 $0x0  }
0x23: {  	[sflag:s2] =	ssyncadd.s32 @!p0 $0xFFFFC800  }
0x24: {  	_ =	swait.ge @!p0 [sflag:s2], $0x4800  }
0x25: {  	[sflag:s2] =	ssyncset.done @!p0 $0x0  }
0x26: {  	[sflag:s2] =	ssyncadd.s32 @!p0 $0xFFFFB800  }
0x27: {  	_ =	swait.ge @!p0 [sflag:s2], $0x800  }
0x28: {  	s0 =	sadd.s32 $0x1, s31;
	[sflag:s2] =	ssyncset.done @!p0 $0x0  }
0x29: {  	s5 =	sshrl.u32 s0, $0x3;
	s6 =	sshll.u32 s0, $0x7;
	[sflag:s2] =	ssyncadd.s32 @!p0 $0xFFFFF800  }
0x2a: {  	s5 =	sadd.s32 s7, s5;
	s6 =	sand.u32 $0x380, s6;
	_ =	swait.ge @!p0 [sflag:s2], $0x800  }
0x2b: {  	s8 =	sshll.u32 s5, $0xA;
	s6 =	sadd.s32 s1, s6;
	[sflag:s2] =	ssyncset.done @!p0 $0x0  }
0x2c: {  	s29 =	sadd.s32 s8, s6;
	[sflag:s2] =	ssyncadd.s32 @!p0 $0xFFFFF800  }
0x2d: {  	[tilespmem:s13], [sflag:$0x2] =	stream.strided.gather [hbm4b:s29+s10], $0x6800, s11, s10, $0x38;
	[tilespmem:$0x1E100] =	vst v63  }
0x2e: {  	_ =	swait.ge [sflag:s14], $0x6800  }
0x2f: {  	[sflag:s14] =	ssyncset.done $0x0  }
0x30: {  	s2 =	simm.s32 $0x0;
	[sflag:s14] =	ssyncadd.s32 $0xFFFF9800  }
0x31: {  	v0 =	vld [tilespmem:s2+$0x5570]  }
0x32: {  	v1 =	vld [tilespmem:s2+$0x5500]  }
0x33: {  	v2 =	vld [tilespmem:s2+$0x5510]  }
0x34: {  	v3 =	vld [tilespmem:s2+$0x5520]  }
0x35: {  	v6 =	vld [tilespmem:s2+$0x5550]  }
0x36: {  	v7 =	vld [tilespmem:s2+$0x5560]  }
0x37: {  	v4 =	vld [tilespmem:s2+$0x5530]  }
0x38: {  	v5 =	vld [tilespmem:s2+$0x5540]  }
0x39: {  	v8 =	vld [tilespmem:s2+$0x5900]  }
0x3a: {  	v10 =	vld [tilespmem:s2+$0x5910];
	v0 =	vmul.f32 $4.000000000e+00, v0;
	v6 =	vmul.f32 $4.000000000e+00, v6  }
0x3b: {  	v11 =	vld [tilespmem:s2+$0x5920];
	v7 =	vmul.f32 $4.000000000e+00, v7  }
0x3c: {  	v12 =	vld [tilespmem:s2+$0x5930];
	v0 =	vtrunc.f32 v0;
	v6 =	vtrunc.f32 v6  }
0x3d: {  	v13 =	vld [tilespmem:s2+$0x5940];
	v7 =	vtrunc.f32 v7;
	v9 =	vcvt.f32.s32 v0  }
0x3e: {  	v14 =	vld [tilespmem:s2+$0x5950];
	v0 =	vmul.f32 $4.000000000e+00, v1;
	v1 =	vmul.f32 $4.000000000e+00, v2  }
0x3f: {  	v28 =	vld [tilespmem:s2+$0x5970];
	v2 =	vmul.f32 $4.000000000e+00, v3;
	v3 =	vmul.f32 $4.000000000e+00, v4  }
0x40: {  	v45 =	vld [tilespmem:s2+$0x5D70];
	v4 =	vmul.f32 $4.000000000e+00, v5;
	v6 =	vcvt.f32.s32 v6  }
0x41: {  	v5 =	vld [tilespmem:s2+$0x5960];
	v7 =	vcvt.f32.s32 v7;
	v0 =	vtrunc.f32 v0  }
0x42: {  	v1 =	vtrunc.f32 v1;
	v19 =	vtrunc.f32 v4;
	v4 =	vld [tilespmem:s2+$0x5D20]  }
0x43: {  	v2 =	vtrunc.f32 v2;
	v15 =	vcvt.f32.s32 v0;
	v0 =	vld [tilespmem:s2+$0x5D00]  }
0x44: {  	v3 =	vtrunc.f32 v3;
	v17 =	vcvt.f32.s32 v1;
	v1 =	vld [tilespmem:s2+$0x5D10]  }
0x45: {  	v2 =	vcvt.f32.s32 v2;
	v20 =	vcvt.f32.s32 v3;
	v3 =	vld [tilespmem:s2+$0x5D30]  }
0x46: {  	v16 =	vld.idx.msk [tilespmem:v9+s4+$0x0], $0xffff  }
0x47: {  	v19 =	vcvt.f32.s32 v19;
	v30 =	vld.idx.msk [tilespmem:v6+s4+$0x0], $0xffff  }
0x48: {  	v33 =	vld.idx.msk [tilespmem:v7+s4+$0x0], $0xffff  }
0x49: {  	v21 =	vld.idx.msk [tilespmem:v15+s4+$0x0], $0xffff  }
0x4a: {  	v18 =	vadd.s32 $0x1, v9;
	v62 =	vld.idx.msk [tilespmem:v17+s4+$0x0], $0xffff  }
0x4b: {  	v35 =	vadd.s32 $0x1, v6;
	v22 =	vld.idx.msk [tilespmem:v2+s4+$0x0], $0xffff  }
0x4c: {  	v25 =	vadd.s32 $0x1, v15;
	v24 =	vld.idx.msk [tilespmem:v20+s4+$0x0], $0xffff  }
0x4d: {  	v27 =	vadd.s32 $0x1, v17;
	v26 =	vld.idx.msk [tilespmem:v19+s4+$0x0], $0xffff;
	[tilespmem:s2+$0x13970] =	vst v16  }
0x4e: {  	v29 =	vadd.s32 $0x1, v2;
	[tilespmem:s2+$0x13960] =	vst v33;
	v33 =	vld [tilespmem:s2+$0x5D60]  }
0x4f: {  	v31 =	vadd.s32 $0x1, v19;
	[tilespmem:s2+$0x13950] =	vst v30;
	v16 =	vld.idx.msk [tilespmem:v18+s4+$0x0], $0xffff  }
0x50: {  	v41 =	vld.idx.msk [tilespmem:v35+s4+$0x0], $0xffff;
	[tilespmem:s2+$0x13900] =	vst v21  }
0x51: {  	v63 =	vadd.s32 $0x1, v20;
	[tilespmem:s2+$0x13910] =	vst v62;
	v34 =	vld.idx.msk [tilespmem:v25+s4+$0x0], $0xffff  }
0x52: {  	v23 =	vadd.s32 $0x2, v9;
	[tilespmem:s2+$0x13920] =	vst v22;
	v36 =	vld.idx.msk [tilespmem:v27+s4+$0x0], $0xffff  }
0x53: {  	[tilespmem:s2+$0x13940] =	vst v26;
	v27 =	vadd.f32 v28, v28;
	v28 =	vadd.s32 $0x1, v7;
	v37 =	vld.idx.msk [tilespmem:v29+s4+$0x0], $0xffff  }
0x54: {  	v29 =	vadd.s32 $0x2, v15;
	v31 =	vld.idx.msk [tilespmem:v31+s4+$0x0], $0xffff  }
0x55: {  	v40 =	vadd.s32 $0x2, v2;
	[tilespmem:s2+$0x13930] =	vst v24;
	v25 =	vld [tilespmem:s2+$0x5D40]  }
0x56: {  	[tilespmem:s2+$0x13D70] =	vst v16;
	v16 =	vld.idx.msk [tilespmem:v63+s4+$0x0], $0xffff;
	v38 =	vadd.f32 $2.800000000e+01, v27;
	v27 =	vadd.s32 $0x2, v17  }
0x57: {  	v43 =	vadd.s32 $0x2, v20;
	[tilespmem:s2+$0x13D50] =	vst v41;
	v23 =	vld.idx.msk [tilespmem:v23+s4+$0x0], $0xffff  }
0x58: {  	v9 =	vadd.s32 $0x3, v9;
	[tilespmem:s2+$0x13D00] =	vst v34;
	v42 =	vld.idx.msk [tilespmem:v28+s4+$0x0], $0xffff  }
0x59: {  	v28 =	vadd.s32 $0x2, v19;
	[tilespmem:s2+$0x13D20] =	vst v37;
	v44 =	vld.idx.msk [tilespmem:v29+s4+$0x0], $0xffff  }
0x5a: {  	[tilespmem:s2+$0x13D10] =	vst v36;
	v29 =	vadd.s32 $0x2, v6;
	v26 =	vld.idx.msk [tilespmem:v40+s4+$0x0], $0xffff  }
0x5b: {  	v30 =	vadd.s32 $0x2, v7;
	v27 =	vld.idx.msk [tilespmem:v27+s4+$0x0], $0xffff;
	[tilespmem:s2+$0x13D30] =	vst v16  }
0x5c: {  	[tilespmem:s2+$0x14170] =	vst v23;
	v49 =	vld.idx.msk [tilespmem:v43+s4+$0x0], $0xffff  }
0x5d: {  	v8 =	vadd.f32 v8, v8;
	v10 =	vadd.f32 v10, v10;
	v2 =	vadd.s32 $0x3, v2;
	[tilespmem:s2+$0x13D40] =	vst v31;
	v9 =	vld.idx.msk [tilespmem:v9+s4+$0x0], $0xffff  }
0x5e: {  	v11 =	vadd.f32 v11, v11;
	v12 =	vadd.f32 v12, v12;
	v48 =	vadd.s32 $0x3, v17;
	v50 =	vld.idx.msk [tilespmem:v28+s4+$0x0], $0xffff;
	[tilespmem:s2+$0x13D60] =	vst v42  }
0x5f: {  	v13 =	vadd.f32 v13, v13;
	v46 =	vadd.s32 $0x3, v15;
	v39 =	vtrunc.f32 v38;
	v51 =	vld.idx.msk [tilespmem:v29+s4+$0x0], $0xffff;
	[tilespmem:s2+$0x14100] =	vst v44  }
0x60: {  	v14 =	vadd.f32 v14, v14;
	v20 =	vadd.s32 $0x3, v20;
	v23 =	vcvt.f32.s32 v39;
	v52 =	vld.idx.msk [tilespmem:v30+s4+$0x0], $0xffff;
	[tilespmem:s2+$0x14120] =	vst v26  }
0x61: {  	v8 =	vadd.f32 $2.800000000e+01, v8;
	v11 =	vadd.f32 $2.800000000e+01, v11;
	v26 =	vld [tilespmem:s2+$0x5D50];
	[tilespmem:s2+$0x14110] =	vst v27  }
0x62: {  	v10 =	vadd.f32 $2.800000000e+01, v10;
	v12 =	vadd.f32 $2.800000000e+01, v12;
	v19 =	vadd.s32 $0x3, v19;
	v54 =	vld.idx.msk [tilespmem:v2+s4+$0x0], $0xffff;
	[tilespmem:s2+$0x14130] =	vst v49  }
0x63: {  	v13 =	vadd.f32 $2.800000000e+01, v13;
	v11 =	vtrunc.f32 v11;
	v6 =	vadd.s32 $0x3, v6;
	v16 =	vld.idx.msk [tilespmem:v48+s4+$0x0], $0xffff;
	[tilespmem:s2+$0x14570] =	vst v9  }
0x64: {  	v10 =	vtrunc.f32 v10;
	v11 =	vcvt.f32.s32 v11;
	v7 =	vadd.s32 $0x3, v7;
	v9 =	vld.idx.msk [tilespmem:v46+s4+$0x0], $0xffff;
	[tilespmem:s2+$0x14140] =	vst v50  }
0x65: {  	v14 =	vadd.f32 $2.800000000e+01, v14;
	v8 =	vtrunc.f32 v8;
	v10 =	vcvt.f32.s32 v10;
	v55 =	vld.idx.msk [tilespmem:v20+s4+$0x0], $0xffff;
	[tilespmem:s2+$0x14150] =	vst v51  }
0x66: {  	v12 =	vtrunc.f32 v12;
	v8 =	vcvt.f32.s32 v8;
	v5 =	vadd.f32 v5, v5;
	v47 =	vld.idx.msk [tilespmem:v23+s4+$0x0], $0xffff;
	[tilespmem:s2+$0x14160] =	vst v52  }
0x67: {  	v12 =	vcvt.f32.s32 v12;
	v56 =	vld.idx.msk [tilespmem:v19+s4+$0x0], $0xffff;
	[tilespmem:s2+$0x14520] =	vst v54  }
0x68: {  	v13 =	vtrunc.f32 v13;
	v14 =	vtrunc.f32 v14;
	v5 =	vadd.f32 $2.800000000e+01, v5;
	v6 =	vld.idx.msk [tilespmem:v6+s4+$0x0], $0xffff;
	[tilespmem:s2+$0x14510] =	vst v16  }
0x69: {  	v13 =	vcvt.f32.s32 v13;
	v57 =	vcvt.f32.s32 v14;
	v23 =	vadd.s32 $0x1, v23;
	v7 =	vld.idx.msk [tilespmem:v7+s4+$0x0], $0xffff;
	[tilespmem:s2+$0x14500] =	vst v9  }
0x6a: {  	v5 =	vtrunc.f32 v5;
	v24 =	vmul.f32 $8.000000000e+00, v45;
	v61 =	vld.idx.msk [tilespmem:v11+s4+$0x0], $0xffff;
	[tilespmem:s2+$0x14530] =	vst v55  }
0x6b: {  	v5 =	vcvt.f32.s32 v5;
	v60 =	vld.idx.msk [tilespmem:v10+s4+$0x0], $0xffff;
	[tilespmem:s2+$0x14970] =	vst v47  }
0x6c: {  	v24 =	vadd.f32 $3.200000000e+01, v24;
	v58 =	vld.idx.msk [tilespmem:v8+s4+$0x0], $0xffff;
	[tilespmem:s2+$0x14540] =	vst v56  }
0x6d: {  	v11 =	vadd.s32 $0x1, v11;
	v63 =	vld.idx.msk [tilespmem:v12+s4+$0x0], $0xffff;
	[tilespmem:s2+$0x14550] =	vst v6  }
0x6e: {  	v4 =	vmul.f32 $8.000000000e+00, v4;
	v53 =	vtrunc.f32 v24;
	v10 =	vadd.s32 $0x1, v10;
	v23 =	vld.idx.msk [tilespmem:v23+s4+$0x0], $0xffff;
	[tilespmem:s2+$0x14560] =	vst v7  }
0x6f: {  	v2 =	vcvt.f32.s32 v53;
	v8 =	vadd.s32 $0x1, v8;
	v6 =	vld.idx.msk [tilespmem:v13+s4+$0x0], $0xffff;
	[tilespmem:s2+$0x14920] =	vst v61  }
0x70: {  	v0 =	vmul.f32 $8.000000000e+00, v0;
	v4 =	vadd.f32 $3.200000000e+01, v4;
	v7 =	vld.idx.msk [tilespmem:v57+s4+$0x0], $0xffff;
	[tilespmem:s2+$0x14910] =	vst v60  }
0x71: {  	v1 =	vmul.f32 $8.000000000e+00, v1;
	v3 =	vmul.f32 $8.000000000e+00, v3;
	v12 =	vadd.s32 $0x1, v12;
	v24 =	vld.idx.msk [tilespmem:v5+s4+$0x0], $0xffff;
	[tilespmem:s2+$0x14900] =	vst v58  }
0x72: {  	v0 =	vadd.f32 $3.200000000e+01, v0;
	v4 =	vtrunc.f32 v4;
	v13 =	vadd.s32 $0x1, v13;
	v11 =	vld.idx.msk [tilespmem:v11+s4+$0x0], $0xffff;
	[tilespmem:s2+$0x14930] =	vst v63  }
0x73: {  	v1 =	vadd.f32 $3.200000000e+01, v1;
	v4 =	vcvt.f32.s32 v4;
	v9 =	vadd.s32 $0x1, v57;
	v10 =	vld.idx.msk [tilespmem:v10+s4+$0x0], $0xffff;
	[tilespmem:s2+$0x14D70] =	vst v23  }
0x74: {  	v3 =	vadd.f32 $3.200000000e+01, v3;
	v0 =	vtrunc.f32 v0;
	v8 =	vld.idx.msk [tilespmem:v8+s4+$0x0], $0xffff;
	[tilespmem:s2+$0x14940] =	vst v6  }
0x75: {  	v1 =	vtrunc.f32 v1;
	v34 =	vadd.s32 $0x1, v5;
	v5 =	vmul.f32 $8.000000000e+00, v25;
	v59 =	vld.idx.msk [tilespmem:v2+s4+$0x0], $0xffff;
	[tilespmem:s2+$0x14950] =	vst v7  }
0x76: {  	v3 =	vtrunc.f32 v3;
	v1 =	vcvt.f32.s32 v1;
	v62 =	vadd.s32 $0x1, v2;
	v12 =	vld.idx.msk [tilespmem:v12+s4+$0x0], $0xffff;
	[tilespmem:s2+$0x14960] =	vst v24  }
0x77: {  	v0 =	vcvt.f32.s32 v0;
	v6 =	vmul.f32 $8.000000000e+00, v26;
	v7 =	vadd.f32 $3.200000000e+01, v5;
	v13 =	vld.idx.msk [tilespmem:v13+s4+$0x0], $0xffff;
	[tilespmem:s2+$0x14D20] =	vst v11  }
0x78: {  	v5 =	vcvt.f32.s32 v3;
	v39 =	vld.idx.msk [tilespmem:v9+s4+$0x0], $0xffff;
	[tilespmem:s2+$0x14D10] =	vst v10  }
0x79: {  	v37 =	vadd.f32 $3.200000000e+01, v6;
	v3 =	vtrunc.f32 v7;
	v46 =	vld.idx.msk [tilespmem:v4+s4+$0x0], $0xffff;
	[tilespmem:s2+$0x14D00] =	vst v8  }
0x7a: {  	v36 =	vmul.f32 $8.000000000e+00, v33;
	v51 =	vadd.s32 $0x1, v4;
	v41 =	vld.idx.msk [tilespmem:v34+s4+$0x0], $0xffff;
	v6 =	vcvt.f32.s32 v3;
	[tilespmem:s2+$0x15170] =	vst v59  }
0x7b: {  	v3 =	vtrunc.f32 v37;
	[tilespmem:s2+$0x14D30] =	vst v12;
	v16 =	vld.idx.msk [tilespmem:v62+s4+$0x0], $0xffff  }
0x7c: {  	v40 =	vadd.f32 $3.200000000e+01, v36;
	v32 =	vadd.s32 $0x2, v2;
	v43 =	vld.idx.msk [tilespmem:v1+s4+$0x0], $0xffff;
	v7 =	vcvt.f32.s32 v3;
	[tilespmem:s2+$0x14D40] =	vst v13  }
0x7d: {  	v42 =	vld.idx.msk [tilespmem:v0+s4+$0x0], $0xffff;
	[tilespmem:s2+$0x14D50] =	vst v39  }
0x7e: {  	v45 =	vadd.s32 $0x1, v0;
	v3 =	vtrunc.f32 v40;
	v47 =	vld.idx.msk [tilespmem:v5+s4+$0x0], $0xffff;
	[tilespmem:s2+$0x15120] =	vst v46  }
0x7f: {  	v49 =	vadd.s32 $0x1, v1;
	v3 =	vcvt.f32.s32 v3;
	[tilespmem:s2+$0x14D60] =	vst v41;
	v10 =	vld.idx.msk [tilespmem:v51+s4+$0x0], $0xffff  }
0x80: {  	v50 =	vld.idx.msk [tilespmem:v6+s4+$0x0], $0xffff;
	[tilespmem:s2+$0x15570] =	vst v16  }
0x81: {  	v53 =	vadd.s32 $0x1, v5;
	[tilespmem:s2+$0x15110] =	vst v43;
	v35 =	vld.idx.msk [tilespmem:v32+s4+$0x0], $0xffff  }
0x82: {  	v38 =	vadd.s32 $0x3, v2;
	[tilespmem:s2+$0x15100] =	vst v42;
	v52 =	vld.idx.msk [tilespmem:v7+s4+$0x0], $0xffff  }
0x83: {  	v61 =	vadd.s32 $0x2, v4;
	v12 =	vld.idx.msk [tilespmem:v45+s4+$0x0], $0xffff;
	[tilespmem:s2+$0x15130] =	vst v47  }
0x84: {  	v55 =	vadd.s32 $0x1, v6;
	v16 =	vld.idx.msk [tilespmem:v49+s4+$0x0], $0xffff;
	[tilespmem:s2+$0x15520] =	vst v10  }
0x85: {  	v56 =	vadd.s32 $0x1, v7;
	v54 =	vld.idx.msk [tilespmem:v3+s4+$0x0], $0xffff;
	[tilespmem:s2+$0x15140] =	vst v50  }
0x86: {  	v59 =	vadd.s32 $0x2, v0;
	v18 =	vld.idx.msk [tilespmem:v53+s4+$0x0], $0xffff;
	[tilespmem:s2+$0x15970] =	vst v35  }
0x87: {  	v60 =	vadd.s32 $0x2, v1;
	[tilespmem:s2+$0x15150] =	vst v52;
	v44 =	vld.idx.msk [tilespmem:v38+s4+$0x0], $0xffff  }
0x88: {  	v48 =	vadd.s32 $0x4, v2;
	v9 =	vld.idx.msk [tilespmem:v61+s4+$0x0], $0xffff;
	[tilespmem:s2+$0x15500] =	vst v12  }
0x89: {  	v57 =	vadd.s32 $0x1, v3;
	v19 =	vld.idx.msk [tilespmem:v55+s4+$0x0], $0xffff;
	[tilespmem:s2+$0x15510] =	vst v16  }
0x8a: {  	v62 =	vadd.s32 $0x2, v5;
	[tilespmem:s2+$0x15160] =	vst v54;
	v11 =	vld.idx.msk [tilespmem:v56+s4+$0x0], $0xffff  }
0x8b: {  	v21 =	vadd.s32 $0x2, v7;
	v17 =	vld.idx.msk [tilespmem:v59+s4+$0x0], $0xffff;
	[tilespmem:s2+$0x15530] =	vst v18  }
0x8c: {  	v25 =	vadd.s32 $0x3, v0;
	v22 =	vld.idx.msk [tilespmem:v60+s4+$0x0], $0xffff;
	[tilespmem:s2+$0x15D70] =	vst v44  }
0x8d: {  	v26 =	vadd.s32 $0x3, v1;
	[tilespmem:s2+$0x15920] =	vst v9;
	v8 =	vld.idx.msk [tilespmem:v48+s4+$0x0], $0xffff  }
0x8e: {  	v58 =	vadd.s32 $0x5, v2;
	v14 =	vld.idx.msk [tilespmem:v57+s4+$0x0], $0xffff;
	[tilespmem:s2+$0x15540] =	vst v19  }
0x8f: {  	v24 =	vadd.s32 $0x2, v3;
	v12 =	vld.idx.msk [tilespmem:v62+s4+$0x0], $0xffff;
	[tilespmem:s2+$0x15550] =	vst v11  }
0x90: {  	v32 =	vadd.s32 $0x3, v4;
	[tilespmem:s2+$0x15900] =	vst v17;
	v16 =	vld.idx.msk [tilespmem:v21+s4+$0x0], $0xffff  }
0x91: {  	v63 =	vadd.s32 $0x2, v6;
	[tilespmem:s2+$0x15910] =	vst v22;
	v36 =	vld.idx.msk [tilespmem:v25+s4+$0x0], $0xffff  }
0x92: {  	v37 =	vadd.s32 $0x3, v7;
	v11 =	vld.idx.msk [tilespmem:v26+s4+$0x0], $0xffff;
	[tilespmem:s2+$0x16170] =	vst v8  }
0x93: {  	v40 =	vadd.s32 $0x4, v1;
	[tilespmem:s2+$0x15560] =	vst v14;
	v13 =	vld.idx.msk [tilespmem:v58+s4+$0x0], $0xffff  }
0x94: {  	v23 =	vadd.s32 $0x6, v2;
	v35 =	vld.idx.msk [tilespmem:v24+s4+$0x0], $0xffff;
	[tilespmem:s2+$0x15930] =	vst v12  }
0x95: {  	v38 =	vadd.s32 $0x3, v3;
	v14 =	vld.idx.msk [tilespmem:v32+s4+$0x0], $0xffff;
	[tilespmem:s2+$0x15950] =	vst v16  }
0x96: {  	v39 =	vadd.s32 $0x4, v0;
	[tilespmem:s2+$0x15D00] =	vst v36;
	v8 =	vld.idx.msk [tilespmem:v63+s4+$0x0], $0xffff  }
0x97: {  	v33 =	vadd.s32 $0x3, v5;
	[tilespmem:s2+$0x15D10] =	vst v11;
	v9 =	vld.idx.msk [tilespmem:v37+s4+$0x0], $0xffff  }
0x98: {  	v34 =	vadd.s32 $0x3, v6;
	v16 =	vld.idx.msk [tilespmem:v40+s4+$0x0], $0xffff;
	[tilespmem:s2+$0x16570] =	vst v13  }
0x99: {  	v45 =	vadd.s32 $0x4, v7;
	[tilespmem:s2+$0x15960] =	vst v35;
	v15 =	vld.idx.msk [tilespmem:v23+s4+$0x0], $0xffff  }
0x9a: {  	v2 =	vadd.s32 $0x7, v2;
	[tilespmem:s2+$0x15D20] =	vst v14;
	v44 =	vld.idx.msk [tilespmem:v38+s4+$0x0], $0xffff  }
0x9b: {  	v46 =	vadd.s32 $0x4, v3;
	[tilespmem:s2+$0x15940] =	vst v8;
	v8 =	vld.idx.msk [tilespmem:v39+s4+$0x0], $0xffff  }
0x9c: {  	v47 =	vadd.s32 $0x5, v0;
	[tilespmem:s2+$0x15D50] =	vst v9;
	v13 =	vld.idx.msk [tilespmem:v33+s4+$0x0], $0xffff  }
0x9d: {  	v48 =	vadd.s32 $0x5, v1;
	[tilespmem:s2+$0x16110] =	vst v16;
	v17 =	vld.idx.msk [tilespmem:v34+s4+$0x0], $0xffff  }
0x9e: {  	v41 =	vadd.s32 $0x4, v4;
	v12 =	vld.idx.msk [tilespmem:v45+s4+$0x0], $0xffff;
	[tilespmem:s2+$0x16970] =	vst v15  }
0x9f: {  	v42 =	vadd.s32 $0x4, v5;
	[tilespmem:s2+$0x15D60] =	vst v44;
	v2 =	vld.idx.msk [tilespmem:v2+s4+$0x0], $0xffff  }
0xa0: {  	v43 =	vadd.s32 $0x4, v6;
	v51 =	vld.idx.msk [tilespmem:v46+s4+$0x0], $0xffff;
	[tilespmem:s2+$0x16100] =	vst v8  }
0xa1: {  	v52 =	vadd.s32 $0x5, v7;
	[tilespmem:s2+$0x15D30] =	vst v13;
	v13 =	vld.idx.msk [tilespmem:v47+s4+$0x0], $0xffff  }
0xa2: {  	v53 =	vadd.s32 $0x5, v3;
	[tilespmem:s2+$0x15D40] =	vst v17;
	v17 =	vld.idx.msk [tilespmem:v48+s4+$0x0], $0xffff  }
0xa3: {  	v54 =	vadd.s32 $0x6, v0;
	v15 =	vld.idx.msk [tilespmem:v41+s4+$0x0], $0xffff  }
0xa4: {  	v10 =	vld.idx.msk [tilespmem:v42+s4+$0x0], $0xffff;
	[tilespmem:s2+$0x16D70] =	vst v2;
	v2 =	vadd.s32 $0x5, v4  }
0xa5: {  	v49 =	vadd.s32 $0x5, v5;
	[tilespmem:s2+$0x16150] =	vst v12;
	v18 =	vld.idx.msk [tilespmem:v43+s4+$0x0], $0xffff  }
0xa6: {  	v50 =	vadd.s32 $0x5, v6;
	v14 =	vld.idx.msk [tilespmem:v52+s4+$0x0], $0xffff;
	[tilespmem:s2+$0x16160] =	vst v51  }
0xa7: {  	v55 =	vadd.s32 $0x6, v1;
	v59 =	vld.idx.msk [tilespmem:v53+s4+$0x0], $0xffff;
	[tilespmem:s2+$0x16500] =	vst v13  }
0xa8: {  	v60 =	vadd.s32 $0x6, v7;
	[tilespmem:s2+$0x16120] =	vst v15;
	v15 =	vld.idx.msk [tilespmem:v54+s4+$0x0], $0xffff  }
0xa9: {  	v61 =	vadd.s32 $0x6, v3;
	[tilespmem:s2+$0x16130] =	vst v10;
	v2 =	vld.idx.msk [tilespmem:v2+s4+$0x0], $0xffff  }
0xaa: {  	v56 =	vadd.s32 $0x6, v4;
	[tilespmem:s2+$0x16140] =	vst v18;
	v9 =	vld.idx.msk [tilespmem:v49+s4+$0x0], $0xffff  }
0xab: {  	v57 =	vadd.s32 $0x6, v5;
	[tilespmem:s2+$0x16510] =	vst v17;
	v11 =	vld.idx.msk [tilespmem:v50+s4+$0x0], $0xffff  }
0xac: {  	v58 =	vadd.s32 $0x6, v6;
	v10 =	vld.idx.msk [tilespmem:v55+s4+$0x0], $0xffff;
	[tilespmem:s2+$0x16550] =	vst v14  }
0xad: {  	v0 =	vadd.s32 $0x7, v0;
	v14 =	vld.idx.msk [tilespmem:v60+s4+$0x0], $0xffff;
	[tilespmem:s2+$0x16560] =	vst v59  }
0xae: {  	v1 =	vadd.s32 $0x7, v1;
	v13 =	vld.idx.msk [tilespmem:v61+s4+$0x0], $0xffff;
	[tilespmem:s2+$0x16520] =	vst v2  }
0xaf: {  	v7 =	vadd.s32 $0x7, v7;
	[tilespmem:s2+$0x16530] =	vst v9;
	v2 =	vld.idx.msk [tilespmem:v56+s4+$0x0], $0xffff  }
0xb0: {  	v62 =	vadd.s32 $0x7, v4;
	[tilespmem:s2+$0x16540] =	vst v11;
	v9 =	vld.idx.msk [tilespmem:v57+s4+$0x0], $0xffff  }
0xb1: {  	v63 =	vadd.s32 $0x7, v5;
	[tilespmem:s2+$0x16900] =	vst v15;
	v8 =	vld.idx.msk [tilespmem:v58+s4+$0x0], $0xffff  }
0xb2: {  	v6 =	vadd.s32 $0x7, v6;
	[tilespmem:s2+$0x16910] =	vst v10;
	v5 =	vld.idx.msk [tilespmem:v0+s4+$0x0], $0xffff  }
0xb3: {  	v28 =	vadd.s32 $0x7, v3;
	v4 =	vld.idx.msk [tilespmem:v1+s4+$0x0], $0xffff;
	[tilespmem:s2+$0x16950] =	vst v14  }
0xb4: {  	v3 =	vld.idx.msk [tilespmem:v7+s4+$0x0], $0xffff;
	[tilespmem:s2+$0x16920] =	vst v2  }
0xb5: {  	[tilespmem:s2+$0x16930] =	vst v9;
	v2 =	vld.idx.msk [tilespmem:v62+s4+$0x0], $0xffff  }
0xb6: {  	[tilespmem:s2+$0x16940] =	vst v8;
	v0 =	vld.idx.msk [tilespmem:v63+s4+$0x0], $0xffff  }
0xb7: {  	s6 =	simm.s32 $0x0;
	s8 =	simm.s32 $0x200;
	[tilespmem:s2+$0x16960] =	vst v13;
	v1 =	vld.idx.msk [tilespmem:v6+s4+$0x0], $0xffff  }
.LBB2_3:
0xb8: {  	s9 =	sshra.s32 s8, $0x2;
	s6 =	sadd.s32 $0x8, s6;
	[tilespmem:s2+$0x16D00] =	vst v5;
	v5 =	vld.idx.msk [tilespmem:v28+s4+$0x0], $0xffff  }
0xb9: {  	v6 =	vld [tilespmem:s9+$0x5570];
	p0 =	slt.u32 s6, $0x38;
	[tilespmem:s2+$0x16D10] =	vst v4  }
0xba: {  	v4 =	vld [tilespmem:s9+$0x5500];
	[tilespmem:s2+$0x16D20] =	vst v2  }
0xbb: {  	v2 =	vld [tilespmem:s9+$0x5510];
	[tilespmem:s2+$0x16D30] =	vst v0  }
0xbc: {  	v0 =	vld [tilespmem:s9+$0x5520];
	[tilespmem:s2+$0x16D40] =	vst v1  }
0xbd: {  	v1 =	vld [tilespmem:s9+$0x5530];
	[tilespmem:s2+$0x16D50] =	vst v3  }
0xbe: {  	v3 =	vld [tilespmem:s9+$0x5540];
	v6 =	vmul.f32 $4.000000000e+00, v6;
	[tilespmem:s2+$0x16D60] =	vst v5;
	s2 =	smov.u32 s9  }
0xbf: {  	v4 =	vmul.f32 $4.000000000e+00, v4;
	v5 =	vld [tilespmem:s2+$0x5550]  }
0xc0: {  	v2 =	vmul.f32 $4.000000000e+00, v2;
	v7 =	vld [tilespmem:s2+$0x5560];
	v6 =	vtrunc.f32 v6  }
0xc1: {  	v8 =	vld [tilespmem:s2+$0x5900];
	v0 =	vmul.f32 $4.000000000e+00, v0;
	v9 =	vcvt.f32.s32 v6  }
0xc2: {  	v4 =	vtrunc.f32 v4;
	v6 =	vld [tilespmem:s2+$0x5910];
	v1 =	vmul.f32 $4.000000000e+00, v1  }
0xc3: {  	v2 =	vtrunc.f32 v2;
	v10 =	vld [tilespmem:s2+$0x5920];
	v3 =	vmul.f32 $4.000000000e+00, v3  }
0xc4: {  	v0 =	vtrunc.f32 v0;
	v11 =	vld [tilespmem:s2+$0x5930];
	v5 =	vmul.f32 $4.000000000e+00, v5  }
0xc5: {  	v1 =	vtrunc.f32 v1;
	v12 =	vld [tilespmem:s2+$0x5940];
	v7 =	vmul.f32 $4.000000000e+00, v7  }
0xc6: {  	v3 =	vtrunc.f32 v3;
	v13 =	vadd.f32 v8, v8;
	v14 =	vld [tilespmem:s2+$0x5950];
	v5 =	vtrunc.f32 v5  }
0xc7: {  	v4 =	vcvt.f32.s32 v4;
	v15 =	vadd.f32 v6, v6;
	v6 =	vtrunc.f32 v7;
	v7 =	vld.idx.msk [tilespmem:v9+s4+$0x0], $0xffff  }
0xc8: {  	v2 =	vcvt.f32.s32 v2;
	v0 =	vcvt.f32.s32 v0;
	v10 =	vadd.f32 v10, v10;
	v16 =	vld [tilespmem:s2+$0x5960]  }
0xc9: {  	v1 =	vcvt.f32.s32 v1;
	v18 =	vcvt.f32.s32 v3;
	v3 =	vadd.s32 $0x1, v9;
	v17 =	vld [tilespmem:s2+$0x5D00]  }
0xca: {  	v19 =	vadd.s32 $0x1, v4;
	v21 =	vcvt.f32.s32 v5;
	v22 =	vcvt.f32.s32 v6;
	v20 =	vld [tilespmem:s2+$0x5D10]  }
0xcb: {  	v23 =	vadd.s32 $0x1, v2;
	v25 =	vadd.s32 $0x1, v0;
	v26 =	vadd.s32 $0x1, v1;
	v24 =	vld [tilespmem:s2+$0x5D20]  }
0xcc: {  	v28 =	vadd.s32 $0x1, v18;
	v30 =	vadd.s32 $0x1, v21;
	v31 =	vadd.s32 $0x1, v22;
	v27 =	vld [tilespmem:s2+$0x5D30]  }
0xcd: {  	v35 =	vadd.s32 $0x2, v4;
	v36 =	vadd.s32 $0x2, v2;
	v40 =	vadd.s32 $0x2, v0;
	v32 =	vld.idx.msk [tilespmem:v4+s4+$0x0], $0xffff;
	[tilespmem:s2+$0x13970] =	vst v7  }
0xce: {  	v41 =	vadd.s32 $0x2, v1;
	v8 =	vadd.s32 $0x2, v18;
	v6 =	vadd.s32 $0x2, v21;
	v33 =	vld.idx.msk [tilespmem:v3+s4+$0x0], $0xffff  }
0xcf: {  	v5 =	vadd.s32 $0x3, v4;
	v4 =	vadd.s32 $0x3, v2;
	v7 =	vadd.s32 $0x2, v22;
	v34 =	vld.idx.msk [tilespmem:v2+s4+$0x0], $0xffff  }
0xd0: {  	v38 =	vadd.s32 $0x2, v9;
	v3 =	vadd.s32 $0x3, v0;
	v2 =	vadd.s32 $0x3, v1;
	v37 =	vld.idx.msk [tilespmem:v0+s4+$0x0], $0xffff  }
0xd1: {  	v29 =	vadd.s32 $0x3, v22;
	v0 =	vadd.s32 $0x3, v21;
	v39 =	vld.idx.msk [tilespmem:v1+s4+$0x0], $0xffff;
	v1 =	vadd.s32 $0x3, v18  }
0xd2: {  	v11 =	vadd.f32 v11, v11;
	v12 =	vadd.f32 v12, v12;
	v17 =	vmul.f32 $8.000000000e+00, v17;
	v18 =	vld.idx.msk [tilespmem:v18+s4+$0x0], $0xffff  }
0xd3: {  	v14 =	vadd.f32 v14, v14;
	v16 =	vadd.f32 v16, v16;
	v20 =	vmul.f32 $8.000000000e+00, v20;
	[tilespmem:s2+$0x13900] =	vst v32;
	v32 =	vld [tilespmem:s2+$0x5970]  }
0xd4: {  	v13 =	vadd.f32 $2.800000000e+01, v13;
	v15 =	vadd.f32 $2.800000000e+01, v15;
	v24 =	vmul.f32 $8.000000000e+00, v24;
	v21 =	vld.idx.msk [tilespmem:v21+s4+$0x0], $0xffff;
	[tilespmem:s2+$0x13D70] =	vst v33  }
0xd5: {  	v10 =	vadd.f32 $2.800000000e+01, v10;
	v11 =	vadd.f32 $2.800000000e+01, v11;
	v27 =	vmul.f32 $8.000000000e+00, v27;
	[tilespmem:s2+$0x13910] =	vst v34;
	v33 =	vld.idx.msk [tilespmem:v38+s4+$0x0], $0xffff  }
0xd6: {  	v13 =	vtrunc.f32 v13;
	v12 =	vadd.f32 $2.800000000e+01, v12;
	v14 =	vadd.f32 $2.800000000e+01, v14;
	[tilespmem:s2+$0x13920] =	vst v37;
	v22 =	vld.idx.msk [tilespmem:v22+s4+$0x0], $0xffff  }
0xd7: {  	v9 =	vadd.s32 $0x3, v9;
	v15 =	vtrunc.f32 v15;
	v16 =	vadd.f32 $2.800000000e+01, v16;
	v19 =	vld.idx.msk [tilespmem:v19+s4+$0x0], $0xffff;
	[tilespmem:s2+$0x13930] =	vst v39  }
0xd8: {  	v10 =	vtrunc.f32 v10;
	v11 =	vtrunc.f32 v11;
	v23 =	vld.idx.msk [tilespmem:v23+s4+$0x0], $0xffff;
	[tilespmem:s2+$0x13940] =	vst v18;
	v18 =	vadd.f32 v32, v32  }
0xd9: {  	v12 =	vtrunc.f32 v12;
	v14 =	vtrunc.f32 v14;
	v17 =	vadd.f32 $3.200000000e+01, v17;
	v25 =	vld.idx.msk [tilespmem:v25+s4+$0x0], $0xffff  }
0xda: {  	v42 =	vcvt.f32.s32 v13;
	v16 =	vtrunc.f32 v16;
	v13 =	vld.idx.msk [tilespmem:v26+s4+$0x0], $0xffff;
	[tilespmem:s2+$0x13950] =	vst v21;
	v18 =	vadd.f32 $2.800000000e+01, v18  }
0xdb: {  	v43 =	vcvt.f32.s32 v15;
	v44 =	vcvt.f32.s32 v10;
	v15 =	vadd.f32 $3.200000000e+01, v20;
	v10 =	vld.idx.msk [tilespmem:v28+s4+$0x0], $0xffff;
	[tilespmem:s2+$0x14170] =	vst v33  }
0xdc: {  	v45 =	vcvt.f32.s32 v11;
	v33 =	vadd.s32 $0x1, v42;
	[tilespmem:s2+$0x13960] =	vst v22;
	v11 =	vtrunc.f32 v18;
	v9 =	vld.idx.msk [tilespmem:v9+s4+$0x0], $0xffff  }
0xdd: {  	v46 =	vcvt.f32.s32 v12;
	v34 =	vadd.s32 $0x1, v43;
	[tilespmem:s2+$0x13D00] =	vst v19;
	v12 =	vld.idx.msk [tilespmem:v30+s4+$0x0], $0xffff;
	v11 =	vcvt.f32.s32 v11  }
0xde: {  	v47 =	vcvt.f32.s32 v14;
	v48 =	vcvt.f32.s32 v16;
	v38 =	vadd.s32 $0x1, v44;
	[tilespmem:s2+$0x13D10] =	vst v23;
	v14 =	vld.idx.msk [tilespmem:v31+s4+$0x0], $0xffff  }
0xdf: {  	v37 =	vadd.s32 $0x1, v46;
	v39 =	vadd.s32 $0x1, v45;
	v18 =	vadd.f32 $3.200000000e+01, v24;
	v16 =	vld.idx.msk [tilespmem:v35+s4+$0x0], $0xffff;
	[tilespmem:s2+$0x13D20] =	vst v25  }
0xe0: {  	v20 =	vadd.f32 $3.200000000e+01, v27;
	v32 =	vadd.s32 $0x1, v48;
	v35 =	vadd.s32 $0x1, v47;
	v19 =	vld.idx.msk [tilespmem:v36+s4+$0x0], $0xffff;
	[tilespmem:s2+$0x13D30] =	vst v13  }
0xe1: {  	v15 =	vtrunc.f32 v15;
	v13 =	vtrunc.f32 v17;
	[tilespmem:s2+$0x13D40] =	vst v10;
	v10 =	vld [tilespmem:s2+$0x5D70]  }
0xe2: {  	v20 =	vtrunc.f32 v20;
	v17 =	vtrunc.f32 v18;
	v18 =	vld.idx.msk [tilespmem:v40+s4+$0x0], $0xffff;
	[tilespmem:s2+$0x14570] =	vst v9  }
0xe3: {  	v36 =	vcvt.f32.s32 v15;
	v40 =	vcvt.f32.s32 v13;
	[tilespmem:s2+$0x13D50] =	vst v12;
	v9 =	vld.idx.msk [tilespmem:v11+s4+$0x0], $0xffff  }
0xe4: {  	v30 =	vcvt.f32.s32 v20;
	v31 =	vcvt.f32.s32 v17;
	v13 =	vld.idx.msk [tilespmem:v41+s4+$0x0], $0xffff;
	[tilespmem:s2+$0x13D60] =	vst v14  }
0xe5: {  	v26 =	vadd.s32 $0x1, v36;
	v11 =	vadd.s32 $0x1, v11;
	v28 =	vadd.s32 $0x1, v40;
	[tilespmem:s2+$0x14100] =	vst v16;
	v8 =	vld.idx.msk [tilespmem:v8+s4+$0x0], $0xffff  }
0xe6: {  	v25 =	vadd.s32 $0x1, v30;
	v27 =	vadd.s32 $0x1, v31;
	[tilespmem:s2+$0x14110] =	vst v19;
	v6 =	vld.idx.msk [tilespmem:v6+s4+$0x0], $0xffff;
	v10 =	vmul.f32 $8.000000000e+00, v10  }
0xe7: {  	v21 =	vadd.s32 $0x2, v36;
	v20 =	vadd.s32 $0x2, v31;
	v23 =	vadd.s32 $0x2, v40;
	v7 =	vld.idx.msk [tilespmem:v7+s4+$0x0], $0xffff  }
0xe8: {  	v22 =	vadd.s32 $0x2, v30;
	v17 =	vadd.s32 $0x3, v40;
	v41 =	vld.idx.msk [tilespmem:v5+s4+$0x0], $0xffff;
	[tilespmem:s2+$0x14120] =	vst v18;
	v5 =	vadd.f32 $3.200000000e+01, v10  }
0xe9: {  	v16 =	vadd.s32 $0x3, v30;
	v19 =	vadd.s32 $0x3, v36;
	v18 =	vadd.s32 $0x3, v31;
	v49 =	vld.idx.msk [tilespmem:v4+s4+$0x0], $0xffff;
	[tilespmem:s2+$0x14970] =	vst v9  }
0xea: {  	v12 =	vadd.s32 $0x4, v36;
	v14 =	vadd.s32 $0x4, v40;
	[tilespmem:s2+$0x14130] =	vst v13;
	v4 =	vtrunc.f32 v5;
	v50 =	vld.idx.msk [tilespmem:v11+s4+$0x0], $0xffff  }
0xeb: {  	v15 =	vadd.s32 $0x4, v31;
	v13 =	vadd.s32 $0x4, v30;
	v51 =	vld.idx.msk [tilespmem:v3+s4+$0x0], $0xffff;
	[tilespmem:s2+$0x14140] =	vst v8;
	v24 =	vcvt.f32.s32 v4  }
0xec: {  	v9 =	vadd.s32 $0x5, v36;
	v11 =	vadd.s32 $0x5, v40;
	v8 =	vadd.s32 $0x5, v31;
	v52 =	vld.idx.msk [tilespmem:v2+s4+$0x0], $0xffff;
	[tilespmem:s2+$0x14150] =	vst v6  }
0xed: {  	v10 =	vadd.s32 $0x5, v30;
	v5 =	vadd.s32 $0x6, v40;
	v4 =	vadd.s32 $0x6, v36;
	v53 =	vld.idx.msk [tilespmem:v1+s4+$0x0], $0xffff;
	[tilespmem:s2+$0x14160] =	vst v7  }
0xee: {  	v6 =	vadd.s32 $0x6, v30;
	v1 =	vadd.s32 $0x7, v40;
	v7 =	vadd.s32 $0x6, v31;
	[tilespmem:s2+$0x14500] =	vst v41;
	v41 =	vld.idx.msk [tilespmem:v0+s4+$0x0], $0xffff  }
0xef: {  	v3 =	vadd.s32 $0x7, v36;
	v2 =	vadd.s32 $0x7, v31;
	v0 =	vadd.s32 $0x7, v30;
	[tilespmem:s2+$0x14510] =	vst v49;
	v29 =	vld.idx.msk [tilespmem:v29+s4+$0x0], $0xffff  }
0xf0: {  	v42 =	vld.idx.msk [tilespmem:v42+s4+$0x0], $0xffff;
	[tilespmem:s2+$0x14D70] =	vst v50  }
0xf1: {  	[tilespmem:s2+$0x14520] =	vst v51;
	v49 =	vld.idx.msk [tilespmem:v24+s4+$0x0], $0xffff  }
0xf2: {  	v43 =	vld.idx.msk [tilespmem:v43+s4+$0x0], $0xffff;
	[tilespmem:s2+$0x14530] =	vst v52  }
0xf3: {  	v50 =	vadd.s32 $0x1, v24;
	v44 =	vld.idx.msk [tilespmem:v44+s4+$0x0], $0xffff;
	[tilespmem:s2+$0x14540] =	vst v53  }
0xf4: {  	v45 =	vld.idx.msk [tilespmem:v45+s4+$0x0], $0xffff;
	[tilespmem:s2+$0x14550] =	vst v41  }
0xf5: {  	v41 =	vld.idx.msk [tilespmem:v46+s4+$0x0], $0xffff;
	[tilespmem:s2+$0x14560] =	vst v29  }
0xf6: {  	[tilespmem:s2+$0x14900] =	vst v42;
	v29 =	vld.idx.msk [tilespmem:v47+s4+$0x0], $0xffff  }
0xf7: {  	v42 =	vld.idx.msk [tilespmem:v48+s4+$0x0], $0xffff;
	[tilespmem:s2+$0x15170] =	vst v49  }
0xf8: {  	[tilespmem:s2+$0x14910] =	vst v43;
	v43 =	vld.idx.msk [tilespmem:v50+s4+$0x0], $0xffff  }
0xf9: {  	[tilespmem:s2+$0x14920] =	vst v44;
	v44 =	vld [tilespmem:s2+$0x5D40]  }
0xfa: {  	v46 =	vadd.s32 $0x2, v24;
	[tilespmem:s2+$0x14930] =	vst v45;
	v45 =	vld [tilespmem:s2+$0x5D50]  }
0xfb: {  	[tilespmem:s2+$0x14940] =	vst v41;
	v41 =	vld [tilespmem:s2+$0x5D60]  }
0xfc: {  	v33 =	vld.idx.msk [tilespmem:v33+s4+$0x0], $0xffff;
	[tilespmem:s2+$0x14950] =	vst v29  }
0xfd: {  	v29 =	vld.idx.msk [tilespmem:v34+s4+$0x0], $0xffff;
	[tilespmem:s2+$0x14960] =	vst v42  }
0xfe: {  	v34 =	vld.idx.msk [tilespmem:v38+s4+$0x0], $0xffff;
	v38 =	vmul.f32 $8.000000000e+00, v44;
	[tilespmem:s2+$0x15570] =	vst v43  }
0xff: {  	v42 =	vmul.f32 $8.000000000e+00, v45;
	v43 =	vld.idx.msk [tilespmem:v46+s4+$0x0], $0xffff  }
0x100: {  	v39 =	vld.idx.msk [tilespmem:v39+s4+$0x0], $0xffff;
	v38 =	vadd.f32 $3.200000000e+01, v38;
	v41 =	vmul.f32 $8.000000000e+00, v41  }
0x101: {  	v44 =	vadd.s32 $0x3, v24;
	v37 =	vld.idx.msk [tilespmem:v37+s4+$0x0], $0xffff;
	v42 =	vadd.f32 $3.200000000e+01, v42  }
0x102: {  	[tilespmem:s2+$0x14D00] =	vst v33;
	v33 =	vtrunc.f32 v38;
	v35 =	vld.idx.msk [tilespmem:v35+s4+$0x0], $0xffff;
	v38 =	vadd.f32 $3.200000000e+01, v41  }
0x103: {  	[tilespmem:s2+$0x14D10] =	vst v29;
	v29 =	vcvt.f32.s32 v33;
	v33 =	vtrunc.f32 v42;
	v32 =	vld.idx.msk [tilespmem:v32+s4+$0x0], $0xffff  }
0x104: {  	v40 =	vld.idx.msk [tilespmem:v40+s4+$0x0], $0xffff;
	[tilespmem:s2+$0x14D20] =	vst v34;
	v41 =	vcvt.f32.s32 v33;
	v33 =	vtrunc.f32 v38  }
0x105: {  	v36 =	vld.idx.msk [tilespmem:v36+s4+$0x0], $0xffff;
	v38 =	vadd.s32 $0x1, v29;
	v42 =	vadd.s32 $0x2, v29;
	v45 =	vcvt.f32.s32 v33;
	[tilespmem:s2+$0x15970] =	vst v43  }
0x106: {  	[tilespmem:s2+$0x14D30] =	vst v39;
	v39 =	vadd.s32 $0x3, v29;
	v43 =	vadd.s32 $0x1, v41;
	v46 =	vadd.s32 $0x2, v41;
	v44 =	vld.idx.msk [tilespmem:v44+s4+$0x0], $0xffff  }
0x107: {  	v47 =	vld.idx.msk [tilespmem:v31+s4+$0x0], $0xffff;
	[tilespmem:s2+$0x14D40] =	vst v37;
	v37 =	vadd.s32 $0x3, v41;
	v48 =	vadd.s32 $0x1, v45;
	v49 =	vadd.s32 $0x2, v45  }
0x108: {  	v52 =	vadd.s32 $0x4, v24;
	v51 =	vadd.s32 $0x4, v29;
	v50 =	vld.idx.msk [tilespmem:v30+s4+$0x0], $0xffff;
	[tilespmem:s2+$0x14D50] =	vst v35;
	v35 =	vadd.s32 $0x3, v45  }
0x109: {  	v34 =	vadd.s32 $0x5, v29;
	v54 =	vadd.s32 $0x4, v41;
	v55 =	vadd.s32 $0x4, v45;
	v53 =	vld.idx.msk [tilespmem:v29+s4+$0x0], $0xffff;
	[tilespmem:s2+$0x14D60] =	vst v32  }
0x10a: {  	v56 =	vadd.s32 $0x5, v41;
	v31 =	vadd.s32 $0x6, v29;
	v57 =	vadd.s32 $0x5, v45;
	[tilespmem:s2+$0x15100] =	vst v40;
	v40 =	vld.idx.msk [tilespmem:v41+s4+$0x0], $0xffff  }
0x10b: {  	v33 =	vadd.s32 $0x6, v41;
	v29 =	vadd.s32 $0x7, v29;
	v32 =	vadd.s32 $0x6, v45;
	[tilespmem:s2+$0x15110] =	vst v36;
	v36 =	vld.idx.msk [tilespmem:v45+s4+$0x0], $0xffff  }
0x10c: {  	v30 =	vadd.s32 $0x7, v41;
	v58 =	vld.idx.msk [tilespmem:v28+s4+$0x0], $0xffff;
	v28 =	vadd.s32 $0x7, v45;
	[tilespmem:s2+$0x15D70] =	vst v44  }
0x10d: {  	[tilespmem:s2+$0x15120] =	vst v47;
	v41 =	vld.idx.msk [tilespmem:v52+s4+$0x0], $0xffff  }
0x10e: {  	v26 =	vld.idx.msk [tilespmem:v26+s4+$0x0], $0xffff;
	[tilespmem:s2+$0x15130] =	vst v50  }
0x10f: {  	v44 =	vadd.s32 $0x5, v24;
	v27 =	vld.idx.msk [tilespmem:v27+s4+$0x0], $0xffff;
	[tilespmem:s2+$0x15140] =	vst v53  }
0x110: {  	v25 =	vld.idx.msk [tilespmem:v25+s4+$0x0], $0xffff;
	[tilespmem:s2+$0x15150] =	vst v40  }
0x111: {  	v38 =	vld.idx.msk [tilespmem:v38+s4+$0x0], $0xffff;
	[tilespmem:s2+$0x15160] =	vst v36  }
0x112: {  	[tilespmem:s2+$0x15500] =	vst v58;
	v36 =	vld.idx.msk [tilespmem:v43+s4+$0x0], $0xffff  }
0x113: {  	v40 =	vld.idx.msk [tilespmem:v48+s4+$0x0], $0xffff;
	[tilespmem:s2+$0x16170] =	vst v41  }
0x114: {  	[tilespmem:s2+$0x15510] =	vst v26;
	v26 =	vld.idx.msk [tilespmem:v44+s4+$0x0], $0xffff  }
0x115: {  	v23 =	vld.idx.msk [tilespmem:v23+s4+$0x0], $0xffff;
	[tilespmem:s2+$0x15520] =	vst v27  }
0x116: {  	v21 =	vld.idx.msk [tilespmem:v21+s4+$0x0], $0xffff;
	[tilespmem:s2+$0x15530] =	vst v25;
	v25 =	vadd.s32 $0x6, v24  }
0x117: {  	v20 =	vld.idx.msk [tilespmem:v20+s4+$0x0], $0xffff;
	[tilespmem:s2+$0x15540] =	vst v38  }
0x118: {  	v22 =	vld.idx.msk [tilespmem:v22+s4+$0x0], $0xffff;
	[tilespmem:s2+$0x15550] =	vst v36  }
0x119: {  	v27 =	vld.idx.msk [tilespmem:v42+s4+$0x0], $0xffff;
	[tilespmem:s2+$0x15560] =	vst v40  }
0x11a: {  	v36 =	vld.idx.msk [tilespmem:v46+s4+$0x0], $0xffff;
	[tilespmem:s2+$0x16570] =	vst v26  }
0x11b: {  	[tilespmem:s2+$0x15900] =	vst v23;
	v23 =	vld.idx.msk [tilespmem:v25+s4+$0x0], $0xffff  }
0x11c: {  	[tilespmem:s2+$0x15910] =	vst v21;
	v21 =	vld.idx.msk [tilespmem:v49+s4+$0x0], $0xffff  }
0x11d: {  	v17 =	vld.idx.msk [tilespmem:v17+s4+$0x0], $0xffff;
	[tilespmem:s2+$0x15920] =	vst v20;
	v20 =	vadd.s32 $0x7, v24  }
0x11e: {  	v19 =	vld.idx.msk [tilespmem:v19+s4+$0x0], $0xffff;
	[tilespmem:s2+$0x15930] =	vst v22  }
0x11f: {  	v18 =	vld.idx.msk [tilespmem:v18+s4+$0x0], $0xffff;
	[tilespmem:s2+$0x15940] =	vst v27  }
0x120: {  	v16 =	vld.idx.msk [tilespmem:v16+s4+$0x0], $0xffff;
	[tilespmem:s2+$0x15950] =	vst v36  }
0x121: {  	v22 =	vld.idx.msk [tilespmem:v39+s4+$0x0], $0xffff;
	[tilespmem:s2+$0x16970] =	vst v23  }
0x122: {  	[tilespmem:s2+$0x15960] =	vst v21;
	v20 =	vld.idx.msk [tilespmem:v20+s4+$0x0], $0xffff  }
0x123: {  	[tilespmem:s2+$0x15D00] =	vst v17;
	v17 =	vld.idx.msk [tilespmem:v37+s4+$0x0], $0xffff  }
0x124: {  	[tilespmem:s2+$0x15D10] =	vst v19;
	v19 =	vld.idx.msk [tilespmem:v35+s4+$0x0], $0xffff  }
0x125: {  	v14 =	vld.idx.msk [tilespmem:v14+s4+$0x0], $0xffff;
	[tilespmem:s2+$0x15D20] =	vst v18  }
0x126: {  	v12 =	vld.idx.msk [tilespmem:v12+s4+$0x0], $0xffff;
	[tilespmem:s2+$0x15D30] =	vst v16  }
0x127: {  	v15 =	vld.idx.msk [tilespmem:v15+s4+$0x0], $0xffff;
	[tilespmem:s2+$0x15D40] =	vst v22  }
0x128: {  	v13 =	vld.idx.msk [tilespmem:v13+s4+$0x0], $0xffff;
	[tilespmem:s2+$0x16D70] =	vst v20  }
0x129: {  	v16 =	vld.idx.msk [tilespmem:v51+s4+$0x0], $0xffff;
	[tilespmem:s2+$0x15D50] =	vst v17  }
0x12a: {  	v17 =	vld.idx.msk [tilespmem:v54+s4+$0x0], $0xffff;
	[tilespmem:s2+$0x15D60] =	vst v19  }
0x12b: {  	[tilespmem:s2+$0x16100] =	vst v14;
	v14 =	vld.idx.msk [tilespmem:v55+s4+$0x0], $0xffff  }
0x12c: {  	v11 =	vld.idx.msk [tilespmem:v11+s4+$0x0], $0xffff;
	[tilespmem:s2+$0x16110] =	vst v12  }
0x12d: {  	v9 =	vld.idx.msk [tilespmem:v9+s4+$0x0], $0xffff;
	[tilespmem:s2+$0x16120] =	vst v15  }
0x12e: {  	v8 =	vld.idx.msk [tilespmem:v8+s4+$0x0], $0xffff;
	[tilespmem:s2+$0x16130] =	vst v13  }
0x12f: {  	v10 =	vld.idx.msk [tilespmem:v10+s4+$0x0], $0xffff;
	[tilespmem:s2+$0x16140] =	vst v16  }
0x130: {  	v12 =	vld.idx.msk [tilespmem:v34+s4+$0x0], $0xffff;
	[tilespmem:s2+$0x16150] =	vst v17  }
0x131: {  	v13 =	vld.idx.msk [tilespmem:v56+s4+$0x0], $0xffff;
	[tilespmem:s2+$0x16160] =	vst v14  }
0x132: {  	[tilespmem:s2+$0x16500] =	vst v11;
	v11 =	vld.idx.msk [tilespmem:v57+s4+$0x0], $0xffff  }
0x133: {  	v5 =	vld.idx.msk [tilespmem:v5+s4+$0x0], $0xffff;
	[tilespmem:s2+$0x16510] =	vst v9  }
0x134: {  	v4 =	vld.idx.msk [tilespmem:v4+s4+$0x0], $0xffff;
	[tilespmem:s2+$0x16520] =	vst v8  }
0x135: {  	v7 =	vld.idx.msk [tilespmem:v7+s4+$0x0], $0xffff;
	[tilespmem:s2+$0x16530] =	vst v10  }
0x136: {  	v6 =	vld.idx.msk [tilespmem:v6+s4+$0x0], $0xffff;
	[tilespmem:s2+$0x16540] =	vst v12  }
0x137: {  	v8 =	vld.idx.msk [tilespmem:v31+s4+$0x0], $0xffff;
	[tilespmem:s2+$0x16550] =	vst v13  }
0x138: {  	v9 =	vld.idx.msk [tilespmem:v33+s4+$0x0], $0xffff;
	[tilespmem:s2+$0x16560] =	vst v11  }
0x139: {  	[tilespmem:s2+$0x16900] =	vst v5;
	v10 =	vld.idx.msk [tilespmem:v32+s4+$0x0], $0xffff  }
0x13a: {  	v5 =	vld.idx.msk [tilespmem:v1+s4+$0x0], $0xffff;
	[tilespmem:s2+$0x16910] =	vst v4  }
.Ltmp2:
0x13b: {  	v4 =	vld.idx.msk [tilespmem:v3+s4+$0x0], $0xffff;
	[tilespmem:s2+$0x16920] =	vst v7;
	(pc) =	sbr.rel @p0 .LBB2_3-.Ltmp2, $4  }
0x13c: {  	v2 =	vld.idx.msk [tilespmem:v2+s4+$0x0], $0xffff;
	[tilespmem:s2+$0x16930] =	vst v6  }
0x13d: {  	v0 =	vld.idx.msk [tilespmem:v0+s4+$0x0], $0xffff;
	[tilespmem:s2+$0x16940] =	vst v8  }
0x13e: {  	v1 =	vld.idx.msk [tilespmem:v29+s4+$0x0], $0xffff;
	[tilespmem:s2+$0x16950] =	vst v9  }
0x13f: {  	s8 =	sadd.s32 $0x200, s8;
	v3 =	vld.idx.msk [tilespmem:v30+s4+$0x0], $0xffff;
	[tilespmem:s2+$0x16960] =	vst v10  }
0x140: {  	_ =	sdelay $0x2  }
0x141: {  	[tilespmem:s2+$0x16D00] =	vst v5;
	s6 =	sshrl.u32 s31, $0x3;
	s8 =	smul.u32 $0xC00, s30  }
0x142: {  	v5 =	vld.idx.msk [tilespmem:v28+s4+$0x0], $0xffff;
	[tilespmem:s2+$0x16D10] =	vst v4;
	s6 =	sadd.s32 s7, s6  }
0x143: {  	[tilespmem:s2+$0x16D20] =	vst v2;
	s6 =	sshll.u32 s6, $0xD;
	s8 =	sand.u32 $0x1C00, s8  }
0x144: {  	[tilespmem:s2+$0x16D30] =	vst v0;
	s6 =	sor.u32 s8, s6  }
0x145: {  	[tilespmem:s2+$0x16D40] =	vst v1;
	s6 =	sshrl.u32 s6, $0x3  }
0x146: {  	[tilespmem:s2+$0x16D50] =	vst v3;
	s6 =	sadd.s32 s3, s6  }
0x147: {  	[tilespmem:s2+$0x16D60] =	vst v5;
	s29 =	sadd.s32 $0x280000, s6  }
0x148: {  	[hbm4b:s29+s10] =	stream.strided.scatter [tilespmem:s15], [sflag:$0x4], $0x3800, s11, s10, $0x38;
	[tilespmem:$0x1E100] =	vst v63  }
0x149: {  	s29 =	sadd.s32 $0xFFFFFFFF, s31  }
0x14a: {  	[hbm4b:s6+s10] =	stream.strided.scatter [tilespmem:s12], [sflag:$0x4], $0x4800, s11, s10, $0x38;
	[tilespmem:$0x1E100] =	vst v63  }
0x14b: {  	s8 =	sadd.s32 $0x240000, s6;
	p1 =	sgt.u32 s29, $0x1F  }
0x14c: {  	[hbm4b:s8+s10] =	stream.strided.scatter [tilespmem:s16], [sflag:$0x4], $0x800, s11, s10, $0x38;
	[tilespmem:$0x1E100] =	vst v63  }
0x14d: {  	s9 =	sadd.s32 $0x440000, s6;
	s6 =	simm.s32 @!p1 $0x6  }
0x14e: {  	[hbm4b:s9+s10] =	stream.strided.scatter [tilespmem:s17], [sflag:$0x4], $0x800, s11, s10, $0x38;
	[tilespmem:$0x1E100] =	vst v63  }
0x14f: {  	_ =	swait.ge @!p1 [sflag:s6], $0x3800  }
0x150: {  	[sflag:s6] =	ssyncset.done @!p1 $0x0  }
0x151: {  	[sflag:s6] =	ssyncadd.s32 @!p1 $0xFFFFC800  }
0x152: {  	_ =	swait.ge @!p1 [sflag:s6], $0x4800  }
0x153: {  	[sflag:s6] =	ssyncset.done @!p1 $0x0  }
0x154: {  	[sflag:s6] =	ssyncadd.s32 @!p1 $0xFFFFB800  }
0x155: {  	_ =	swait.ge @!p1 [sflag:s6], $0x800  }
0x156: {  	p0 =	seq.s32 s30, $0xA;
	[sflag:s6] =	ssyncset.done @!p1 $0x0  }
0x157: {  	s2 =	sadd.s32 $0x2, s31;
	s29 =	simm.s32 @!p0 $0xD100;
	[sflag:s6] =	ssyncadd.s32 @!p1 $0xFFFFF800  }
0x158: {  	s8 =	sshrl.u32 @!p0 s2, $0x3;
	s9 =	sshll.u32 @!p0 s2, $0x7;
	_ =	swait.ge @!p1 [sflag:s6], $0x800  }
0x159: {  	s8 =	sadd.s32 @!p0 s7, s8;
	s9 =	sand.u32 @!p0 $0x380, s9;
	[sflag:s6] =	ssyncset.done @!p1 $0x0  }
0x15a: {  	s8 =	sshll.u32 @!p0 s8, $0xA;
	s9 =	sadd.s32 @!p0 s1, s9;
	[sflag:s6] =	ssyncadd.s32 @!p1 $0xFFFFF800  }
0x15b: {  	s6 =	sadd.s32 @!p0 s8, s9;
	s8 =	simm.s32 @!p0 $0x400;
	s9 =	simm.s32 @!p0 $0x100000  }
0x15c: {  	[tilespmem:s29], [sflag:$0x3] =	stream.strided.gather @!p0 [hbm4b:s6+s8], $0x6800, s9, s8, $0x38;
	[tilespmem:$0x1E100] =	vst v63  }
0x15d: {  	_ =	swait.ge [sflag:s18], $0x6800  }
0x15e: {  	[sflag:s18] =	ssyncset.done $0x0  }
0x15f: {  	s6 =	simm.s32 $0x0;
	[sflag:s18] =	ssyncadd.s32 $0xFFFF9800  }
0x160: {  	v0 =	vld [tilespmem:s6+$0xBD70]  }
0x161: {  	v1 =	vld [tilespmem:s6+$0xBD00]  }
0x162: {  	v2 =	vld [tilespmem:s6+$0xBD10]  }
0x163: {  	v3 =	vld [tilespmem:s6+$0xBD20]  }
0x164: {  	v6 =	vld [tilespmem:s6+$0xBD50]  }
0x165: {  	v7 =	vld [tilespmem:s6+$0xBD60]  }
0x166: {  	v4 =	vld [tilespmem:s6+$0xBD30]  }
0x167: {  	v5 =	vld [tilespmem:s6+$0xBD40]  }
0x168: {  	v8 =	vld [tilespmem:s6+$0xC100]  }
0x169: {  	v10 =	vld [tilespmem:s6+$0xC110];
	v0 =	vmul.f32 $4.000000000e+00, v0;
	v6 =	vmul.f32 $4.000000000e+00, v6  }
0x16a: {  	v11 =	vld [tilespmem:s6+$0xC120];
	v7 =	vmul.f32 $4.000000000e+00, v7  }
0x16b: {  	v12 =	vld [tilespmem:s6+$0xC130];
	v0 =	vtrunc.f32 v0;
	v6 =	vtrunc.f32 v6  }
0x16c: {  	v13 =	vld [tilespmem:s6+$0xC140];
	v7 =	vtrunc.f32 v7;
	v9 =	vcvt.f32.s32 v0  }
0x16d: {  	v14 =	vld [tilespmem:s6+$0xC150];
	v0 =	vmul.f32 $4.000000000e+00, v1;
	v1 =	vmul.f32 $4.000000000e+00, v2  }
0x16e: {  	v28 =	vld [tilespmem:s6+$0xC170];
	v2 =	vmul.f32 $4.000000000e+00, v3;
	v3 =	vmul.f32 $4.000000000e+00, v4  }
0x16f: {  	v45 =	vld [tilespmem:s6+$0xC570];
	v4 =	vmul.f32 $4.000000000e+00, v5;
	v6 =	vcvt.f32.s32 v6  }
0x170: {  	v5 =	vld [tilespmem:s6+$0xC160];
	v7 =	vcvt.f32.s32 v7;
	v0 =	vtrunc.f32 v0  }
0x171: {  	v1 =	vtrunc.f32 v1;
	v19 =	vtrunc.f32 v4;
	v4 =	vld [tilespmem:s6+$0xC520]  }
0x172: {  	v2 =	vtrunc.f32 v2;
	v15 =	vcvt.f32.s32 v0;
	v0 =	vld [tilespmem:s6+$0xC500]  }
0x173: {  	v3 =	vtrunc.f32 v3;
	v17 =	vcvt.f32.s32 v1;
	v1 =	vld [tilespmem:s6+$0xC510]  }
0x174: {  	v2 =	vcvt.f32.s32 v2;
	v20 =	vcvt.f32.s32 v3;
	v3 =	vld [tilespmem:s6+$0xC530]  }
0x175: {  	v16 =	vld.idx.msk [tilespmem:v9+s4+$0x0], $0xffff  }
0x176: {  	v19 =	vcvt.f32.s32 v19;
	v30 =	vld.idx.msk [tilespmem:v6+s4+$0x0], $0xffff  }
0x177: {  	v33 =	vld.idx.msk [tilespmem:v7+s4+$0x0], $0xffff  }
0x178: {  	v21 =	vld.idx.msk [tilespmem:v15+s4+$0x0], $0xffff  }
0x179: {  	v18 =	vadd.s32 $0x1, v9;
	v62 =	vld.idx.msk [tilespmem:v17+s4+$0x0], $0xffff  }
0x17a: {  	v35 =	vadd.s32 $0x1, v6;
	v22 =	vld.idx.msk [tilespmem:v2+s4+$0x0], $0xffff  }
0x17b: {  	v25 =	vadd.s32 $0x1, v15;
	v24 =	vld.idx.msk [tilespmem:v20+s4+$0x0], $0xffff  }
0x17c: {  	v27 =	vadd.s32 $0x1, v17;
	v26 =	vld.idx.msk [tilespmem:v19+s4+$0x0], $0xffff;
	[tilespmem:s6+$0x17170] =	vst v16  }
0x17d: {  	v29 =	vadd.s32 $0x1, v2;
	[tilespmem:s6+$0x17160] =	vst v33;
	v33 =	vld [tilespmem:s6+$0xC560]  }
0x17e: {  	v31 =	vadd.s32 $0x1, v19;
	[tilespmem:s6+$0x17150] =	vst v30;
	v16 =	vld.idx.msk [tilespmem:v18+s4+$0x0], $0xffff  }
0x17f: {  	v41 =	vld.idx.msk [tilespmem:v35+s4+$0x0], $0xffff;
	[tilespmem:s6+$0x17100] =	vst v21  }
0x180: {  	v63 =	vadd.s32 $0x1, v20;
	[tilespmem:s6+$0x17110] =	vst v62;
	v34 =	vld.idx.msk [tilespmem:v25+s4+$0x0], $0xffff  }
0x181: {  	v23 =	vadd.s32 $0x2, v9;
	[tilespmem:s6+$0x17120] =	vst v22;
	v36 =	vld.idx.msk [tilespmem:v27+s4+$0x0], $0xffff  }
0x182: {  	[tilespmem:s6+$0x17140] =	vst v26;
	v27 =	vadd.f32 v28, v28;
	v28 =	vadd.s32 $0x1, v7;
	v37 =	vld.idx.msk [tilespmem:v29+s4+$0x0], $0xffff  }
0x183: {  	v29 =	vadd.s32 $0x2, v15;
	v31 =	vld.idx.msk [tilespmem:v31+s4+$0x0], $0xffff  }
0x184: {  	v40 =	vadd.s32 $0x2, v2;
	[tilespmem:s6+$0x17130] =	vst v24;
	v25 =	vld [tilespmem:s6+$0xC540]  }
0x185: {  	[tilespmem:s6+$0x17570] =	vst v16;
	v16 =	vld.idx.msk [tilespmem:v63+s4+$0x0], $0xffff;
	v38 =	vadd.f32 $2.800000000e+01, v27;
	v27 =	vadd.s32 $0x2, v17  }
0x186: {  	v43 =	vadd.s32 $0x2, v20;
	[tilespmem:s6+$0x17550] =	vst v41;
	v23 =	vld.idx.msk [tilespmem:v23+s4+$0x0], $0xffff  }
0x187: {  	v9 =	vadd.s32 $0x3, v9;
	[tilespmem:s6+$0x17500] =	vst v34;
	v42 =	vld.idx.msk [tilespmem:v28+s4+$0x0], $0xffff  }
0x188: {  	v28 =	vadd.s32 $0x2, v19;
	[tilespmem:s6+$0x17520] =	vst v37;
	v44 =	vld.idx.msk [tilespmem:v29+s4+$0x0], $0xffff  }
0x189: {  	[tilespmem:s6+$0x17510] =	vst v36;
	v29 =	vadd.s32 $0x2, v6;
	v26 =	vld.idx.msk [tilespmem:v40+s4+$0x0], $0xffff  }
0x18a: {  	v30 =	vadd.s32 $0x2, v7;
	v27 =	vld.idx.msk [tilespmem:v27+s4+$0x0], $0xffff;
	[tilespmem:s6+$0x17530] =	vst v16  }
0x18b: {  	[tilespmem:s6+$0x17970] =	vst v23;
	v49 =	vld.idx.msk [tilespmem:v43+s4+$0x0], $0xffff  }
0x18c: {  	v8 =	vadd.f32 v8, v8;
	v10 =	vadd.f32 v10, v10;
	v2 =	vadd.s32 $0x3, v2;
	[tilespmem:s6+$0x17540] =	vst v31;
	v9 =	vld.idx.msk [tilespmem:v9+s4+$0x0], $0xffff  }
0x18d: {  	v11 =	vadd.f32 v11, v11;
	v12 =	vadd.f32 v12, v12;
	v48 =	vadd.s32 $0x3, v17;
	v50 =	vld.idx.msk [tilespmem:v28+s4+$0x0], $0xffff;
	[tilespmem:s6+$0x17560] =	vst v42  }
0x18e: {  	v13 =	vadd.f32 v13, v13;
	v46 =	vadd.s32 $0x3, v15;
	v39 =	vtrunc.f32 v38;
	v51 =	vld.idx.msk [tilespmem:v29+s4+$0x0], $0xffff;
	[tilespmem:s6+$0x17900] =	vst v44  }
0x18f: {  	v14 =	vadd.f32 v14, v14;
	v20 =	vadd.s32 $0x3, v20;
	v23 =	vcvt.f32.s32 v39;
	v52 =	vld.idx.msk [tilespmem:v30+s4+$0x0], $0xffff;
	[tilespmem:s6+$0x17920] =	vst v26  }
0x190: {  	v8 =	vadd.f32 $2.800000000e+01, v8;
	v11 =	vadd.f32 $2.800000000e+01, v11;
	v26 =	vld [tilespmem:s6+$0xC550];
	[tilespmem:s6+$0x17910] =	vst v27  }
0x191: {  	v10 =	vadd.f32 $2.800000000e+01, v10;
	v12 =	vadd.f32 $2.800000000e+01, v12;
	v19 =	vadd.s32 $0x3, v19;
	v54 =	vld.idx.msk [tilespmem:v2+s4+$0x0], $0xffff;
	[tilespmem:s6+$0x17930] =	vst v49  }
0x192: {  	v13 =	vadd.f32 $2.800000000e+01, v13;
	v11 =	vtrunc.f32 v11;
	v6 =	vadd.s32 $0x3, v6;
	v16 =	vld.idx.msk [tilespmem:v48+s4+$0x0], $0xffff;
	[tilespmem:s6+$0x17D70] =	vst v9  }
0x193: {  	v10 =	vtrunc.f32 v10;
	v11 =	vcvt.f32.s32 v11;
	v7 =	vadd.s32 $0x3, v7;
	v9 =	vld.idx.msk [tilespmem:v46+s4+$0x0], $0xffff;
	[tilespmem:s6+$0x17940] =	vst v50  }
0x194: {  	v14 =	vadd.f32 $2.800000000e+01, v14;
	v8 =	vtrunc.f32 v8;
	v10 =	vcvt.f32.s32 v10;
	v55 =	vld.idx.msk [tilespmem:v20+s4+$0x0], $0xffff;
	[tilespmem:s6+$0x17950] =	vst v51  }
0x195: {  	v12 =	vtrunc.f32 v12;
	v8 =	vcvt.f32.s32 v8;
	v5 =	vadd.f32 v5, v5;
	v47 =	vld.idx.msk [tilespmem:v23+s4+$0x0], $0xffff;
	[tilespmem:s6+$0x17960] =	vst v52  }
0x196: {  	v12 =	vcvt.f32.s32 v12;
	v56 =	vld.idx.msk [tilespmem:v19+s4+$0x0], $0xffff;
	[tilespmem:s6+$0x17D20] =	vst v54  }
0x197: {  	v13 =	vtrunc.f32 v13;
	v14 =	vtrunc.f32 v14;
	v5 =	vadd.f32 $2.800000000e+01, v5;
	v6 =	vld.idx.msk [tilespmem:v6+s4+$0x0], $0xffff;
	[tilespmem:s6+$0x17D10] =	vst v16  }
0x198: {  	v13 =	vcvt.f32.s32 v13;
	v57 =	vcvt.f32.s32 v14;
	v23 =	vadd.s32 $0x1, v23;
	v7 =	vld.idx.msk [tilespmem:v7+s4+$0x0], $0xffff;
	[tilespmem:s6+$0x17D00] =	vst v9  }
0x199: {  	v5 =	vtrunc.f32 v5;
	v24 =	vmul.f32 $8.000000000e+00, v45;
	v61 =	vld.idx.msk [tilespmem:v11+s4+$0x0], $0xffff;
	[tilespmem:s6+$0x17D30] =	vst v55  }
0x19a: {  	v5 =	vcvt.f32.s32 v5;
	v60 =	vld.idx.msk [tilespmem:v10+s4+$0x0], $0xffff;
	[tilespmem:s6+$0x18170] =	vst v47  }
0x19b: {  	v24 =	vadd.f32 $3.200000000e+01, v24;
	v58 =	vld.idx.msk [tilespmem:v8+s4+$0x0], $0xffff;
	[tilespmem:s6+$0x17D40] =	vst v56  }
0x19c: {  	v11 =	vadd.s32 $0x1, v11;
	v63 =	vld.idx.msk [tilespmem:v12+s4+$0x0], $0xffff;
	[tilespmem:s6+$0x17D50] =	vst v6  }
0x19d: {  	v4 =	vmul.f32 $8.000000000e+00, v4;
	v53 =	vtrunc.f32 v24;
	v10 =	vadd.s32 $0x1, v10;
	v23 =	vld.idx.msk [tilespmem:v23+s4+$0x0], $0xffff;
	[tilespmem:s6+$0x17D60] =	vst v7  }
0x19e: {  	v2 =	vcvt.f32.s32 v53;
	v8 =	vadd.s32 $0x1, v8;
	v6 =	vld.idx.msk [tilespmem:v13+s4+$0x0], $0xffff;
	[tilespmem:s6+$0x18120] =	vst v61  }
0x19f: {  	v0 =	vmul.f32 $8.000000000e+00, v0;
	v4 =	vadd.f32 $3.200000000e+01, v4;
	v7 =	vld.idx.msk [tilespmem:v57+s4+$0x0], $0xffff;
	[tilespmem:s6+$0x18110] =	vst v60  }
0x1a0: {  	v1 =	vmul.f32 $8.000000000e+00, v1;
	v3 =	vmul.f32 $8.000000000e+00, v3;
	v12 =	vadd.s32 $0x1, v12;
	v24 =	vld.idx.msk [tilespmem:v5+s4+$0x0], $0xffff;
	[tilespmem:s6+$0x18100] =	vst v58  }
0x1a1: {  	v0 =	vadd.f32 $3.200000000e+01, v0;
	v4 =	vtrunc.f32 v4;
	v13 =	vadd.s32 $0x1, v13;
	v11 =	vld.idx.msk [tilespmem:v11+s4+$0x0], $0xffff;
	[tilespmem:s6+$0x18130] =	vst v63  }
0x1a2: {  	v1 =	vadd.f32 $3.200000000e+01, v1;
	v4 =	vcvt.f32.s32 v4;
	v9 =	vadd.s32 $0x1, v57;
	v10 =	vld.idx.msk [tilespmem:v10+s4+$0x0], $0xffff;
	[tilespmem:s6+$0x18570] =	vst v23  }
0x1a3: {  	v3 =	vadd.f32 $3.200000000e+01, v3;
	v0 =	vtrunc.f32 v0;
	v8 =	vld.idx.msk [tilespmem:v8+s4+$0x0], $0xffff;
	[tilespmem:s6+$0x18140] =	vst v6  }
0x1a4: {  	v1 =	vtrunc.f32 v1;
	v34 =	vadd.s32 $0x1, v5;
	v5 =	vmul.f32 $8.000000000e+00, v25;
	v59 =	vld.idx.msk [tilespmem:v2+s4+$0x0], $0xffff;
	[tilespmem:s6+$0x18150] =	vst v7  }
0x1a5: {  	v3 =	vtrunc.f32 v3;
	v1 =	vcvt.f32.s32 v1;
	v62 =	vadd.s32 $0x1, v2;
	v12 =	vld.idx.msk [tilespmem:v12+s4+$0x0], $0xffff;
	[tilespmem:s6+$0x18160] =	vst v24  }
0x1a6: {  	v0 =	vcvt.f32.s32 v0;
	v6 =	vmul.f32 $8.000000000e+00, v26;
	v7 =	vadd.f32 $3.200000000e+01, v5;
	v13 =	vld.idx.msk [tilespmem:v13+s4+$0x0], $0xffff;
	[tilespmem:s6+$0x18520] =	vst v11  }
0x1a7: {  	v5 =	vcvt.f32.s32 v3;
	v39 =	vld.idx.msk [tilespmem:v9+s4+$0x0], $0xffff;
	[tilespmem:s6+$0x18510] =	vst v10  }
0x1a8: {  	v37 =	vadd.f32 $3.200000000e+01, v6;
	v3 =	vtrunc.f32 v7;
	v46 =	vld.idx.msk [tilespmem:v4+s4+$0x0], $0xffff;
	[tilespmem:s6+$0x18500] =	vst v8  }
0x1a9: {  	v36 =	vmul.f32 $8.000000000e+00, v33;
	v51 =	vadd.s32 $0x1, v4;
	v41 =	vld.idx.msk [tilespmem:v34+s4+$0x0], $0xffff;
	v6 =	vcvt.f32.s32 v3;
	[tilespmem:s6+$0x18970] =	vst v59  }
0x1aa: {  	v3 =	vtrunc.f32 v37;
	[tilespmem:s6+$0x18530] =	vst v12;
	v16 =	vld.idx.msk [tilespmem:v62+s4+$0x0], $0xffff  }
0x1ab: {  	v40 =	vadd.f32 $3.200000000e+01, v36;
	v32 =	vadd.s32 $0x2, v2;
	v43 =	vld.idx.msk [tilespmem:v1+s4+$0x0], $0xffff;
	v7 =	vcvt.f32.s32 v3;
	[tilespmem:s6+$0x18540] =	vst v13  }
0x1ac: {  	v42 =	vld.idx.msk [tilespmem:v0+s4+$0x0], $0xffff;
	[tilespmem:s6+$0x18550] =	vst v39  }
0x1ad: {  	v45 =	vadd.s32 $0x1, v0;
	v3 =	vtrunc.f32 v40;
	v47 =	vld.idx.msk [tilespmem:v5+s4+$0x0], $0xffff;
	[tilespmem:s6+$0x18920] =	vst v46  }
0x1ae: {  	v49 =	vadd.s32 $0x1, v1;
	v3 =	vcvt.f32.s32 v3;
	[tilespmem:s6+$0x18560] =	vst v41;
	v10 =	vld.idx.msk [tilespmem:v51+s4+$0x0], $0xffff  }
0x1af: {  	v50 =	vld.idx.msk [tilespmem:v6+s4+$0x0], $0xffff;
	[tilespmem:s6+$0x18D70] =	vst v16  }
0x1b0: {  	v53 =	vadd.s32 $0x1, v5;
	[tilespmem:s6+$0x18910] =	vst v43;
	v35 =	vld.idx.msk [tilespmem:v32+s4+$0x0], $0xffff  }
0x1b1: {  	v38 =	vadd.s32 $0x3, v2;
	[tilespmem:s6+$0x18900] =	vst v42;
	v52 =	vld.idx.msk [tilespmem:v7+s4+$0x0], $0xffff  }
0x1b2: {  	v61 =	vadd.s32 $0x2, v4;
	v12 =	vld.idx.msk [tilespmem:v45+s4+$0x0], $0xffff;
	[tilespmem:s6+$0x18930] =	vst v47  }
0x1b3: {  	v55 =	vadd.s32 $0x1, v6;
	v16 =	vld.idx.msk [tilespmem:v49+s4+$0x0], $0xffff;
	[tilespmem:s6+$0x18D20] =	vst v10  }
0x1b4: {  	v56 =	vadd.s32 $0x1, v7;
	v54 =	vld.idx.msk [tilespmem:v3+s4+$0x0], $0xffff;
	[tilespmem:s6+$0x18940] =	vst v50  }
0x1b5: {  	v59 =	vadd.s32 $0x2, v0;
	v18 =	vld.idx.msk [tilespmem:v53+s4+$0x0], $0xffff;
	[tilespmem:s6+$0x19170] =	vst v35  }
0x1b6: {  	v60 =	vadd.s32 $0x2, v1;
	[tilespmem:s6+$0x18950] =	vst v52;
	v44 =	vld.idx.msk [tilespmem:v38+s4+$0x0], $0xffff  }
0x1b7: {  	v48 =	vadd.s32 $0x4, v2;
	v9 =	vld.idx.msk [tilespmem:v61+s4+$0x0], $0xffff;
	[tilespmem:s6+$0x18D00] =	vst v12  }
0x1b8: {  	v57 =	vadd.s32 $0x1, v3;
	v19 =	vld.idx.msk [tilespmem:v55+s4+$0x0], $0xffff;
	[tilespmem:s6+$0x18D10] =	vst v16  }
0x1b9: {  	v62 =	vadd.s32 $0x2, v5;
	[tilespmem:s6+$0x18960] =	vst v54;
	v11 =	vld.idx.msk [tilespmem:v56+s4+$0x0], $0xffff  }
0x1ba: {  	v21 =	vadd.s32 $0x2, v7;
	v17 =	vld.idx.msk [tilespmem:v59+s4+$0x0], $0xffff;
	[tilespmem:s6+$0x18D30] =	vst v18  }
0x1bb: {  	v25 =	vadd.s32 $0x3, v0;
	v22 =	vld.idx.msk [tilespmem:v60+s4+$0x0], $0xffff;
	[tilespmem:s6+$0x19570] =	vst v44  }
0x1bc: {  	v26 =	vadd.s32 $0x3, v1;
	[tilespmem:s6+$0x19120] =	vst v9;
	v8 =	vld.idx.msk [tilespmem:v48+s4+$0x0], $0xffff  }
0x1bd: {  	v58 =	vadd.s32 $0x5, v2;
	v14 =	vld.idx.msk [tilespmem:v57+s4+$0x0], $0xffff;
	[tilespmem:s6+$0x18D40] =	vst v19  }
0x1be: {  	v24 =	vadd.s32 $0x2, v3;
	v12 =	vld.idx.msk [tilespmem:v62+s4+$0x0], $0xffff;
	[tilespmem:s6+$0x18D50] =	vst v11  }
0x1bf: {  	v32 =	vadd.s32 $0x3, v4;
	[tilespmem:s6+$0x19100] =	vst v17;
	v16 =	vld.idx.msk [tilespmem:v21+s4+$0x0], $0xffff  }
0x1c0: {  	v63 =	vadd.s32 $0x2, v6;
	[tilespmem:s6+$0x19110] =	vst v22;
	v36 =	vld.idx.msk [tilespmem:v25+s4+$0x0], $0xffff  }
0x1c1: {  	v37 =	vadd.s32 $0x3, v7;
	v11 =	vld.idx.msk [tilespmem:v26+s4+$0x0], $0xffff;
	[tilespmem:s6+$0x19970] =	vst v8  }
0x1c2: {  	v40 =	vadd.s32 $0x4, v1;
	[tilespmem:s6+$0x18D60] =	vst v14;
	v13 =	vld.idx.msk [tilespmem:v58+s4+$0x0], $0xffff  }
0x1c3: {  	v23 =	vadd.s32 $0x6, v2;
	v35 =	vld.idx.msk [tilespmem:v24+s4+$0x0], $0xffff;
	[tilespmem:s6+$0x19130] =	vst v12  }
0x1c4: {  	v38 =	vadd.s32 $0x3, v3;
	v14 =	vld.idx.msk [tilespmem:v32+s4+$0x0], $0xffff;
	[tilespmem:s6+$0x19150] =	vst v16  }
0x1c5: {  	v39 =	vadd.s32 $0x4, v0;
	[tilespmem:s6+$0x19500] =	vst v36;
	v8 =	vld.idx.msk [tilespmem:v63+s4+$0x0], $0xffff  }
0x1c6: {  	v33 =	vadd.s32 $0x3, v5;
	[tilespmem:s6+$0x19510] =	vst v11;
	v9 =	vld.idx.msk [tilespmem:v37+s4+$0x0], $0xffff  }
0x1c7: {  	v34 =	vadd.s32 $0x3, v6;
	v16 =	vld.idx.msk [tilespmem:v40+s4+$0x0], $0xffff;
	[tilespmem:s6+$0x19D70] =	vst v13  }
0x1c8: {  	v45 =	vadd.s32 $0x4, v7;
	[tilespmem:s6+$0x19160] =	vst v35;
	v15 =	vld.idx.msk [tilespmem:v23+s4+$0x0], $0xffff  }
0x1c9: {  	v2 =	vadd.s32 $0x7, v2;
	[tilespmem:s6+$0x19520] =	vst v14;
	v44 =	vld.idx.msk [tilespmem:v38+s4+$0x0], $0xffff  }
0x1ca: {  	v46 =	vadd.s32 $0x4, v3;
	[tilespmem:s6+$0x19140] =	vst v8;
	v8 =	vld.idx.msk [tilespmem:v39+s4+$0x0], $0xffff  }
0x1cb: {  	v47 =	vadd.s32 $0x5, v0;
	[tilespmem:s6+$0x19550] =	vst v9;
	v13 =	vld.idx.msk [tilespmem:v33+s4+$0x0], $0xffff  }
0x1cc: {  	v48 =	vadd.s32 $0x5, v1;
	[tilespmem:s6+$0x19910] =	vst v16;
	v17 =	vld.idx.msk [tilespmem:v34+s4+$0x0], $0xffff  }
0x1cd: {  	v41 =	vadd.s32 $0x4, v4;
	v12 =	vld.idx.msk [tilespmem:v45+s4+$0x0], $0xffff;
	[tilespmem:s6+$0x1A170] =	vst v15  }
0x1ce: {  	v42 =	vadd.s32 $0x4, v5;
	[tilespmem:s6+$0x19560] =	vst v44;
	v2 =	vld.idx.msk [tilespmem:v2+s4+$0x0], $0xffff  }
0x1cf: {  	v43 =	vadd.s32 $0x4, v6;
	v51 =	vld.idx.msk [tilespmem:v46+s4+$0x0], $0xffff;
	[tilespmem:s6+$0x19900] =	vst v8  }
0x1d0: {  	v52 =	vadd.s32 $0x5, v7;
	[tilespmem:s6+$0x19530] =	vst v13;
	v13 =	vld.idx.msk [tilespmem:v47+s4+$0x0], $0xffff  }
0x1d1: {  	v53 =	vadd.s32 $0x5, v3;
	[tilespmem:s6+$0x19540] =	vst v17;
	v17 =	vld.idx.msk [tilespmem:v48+s4+$0x0], $0xffff  }
0x1d2: {  	v54 =	vadd.s32 $0x6, v0;
	v15 =	vld.idx.msk [tilespmem:v41+s4+$0x0], $0xffff  }
0x1d3: {  	v10 =	vld.idx.msk [tilespmem:v42+s4+$0x0], $0xffff;
	[tilespmem:s6+$0x1A570] =	vst v2;
	v2 =	vadd.s32 $0x5, v4  }
0x1d4: {  	v49 =	vadd.s32 $0x5, v5;
	[tilespmem:s6+$0x19950] =	vst v12;
	v18 =	vld.idx.msk [tilespmem:v43+s4+$0x0], $0xffff  }
0x1d5: {  	v50 =	vadd.s32 $0x5, v6;
	v14 =	vld.idx.msk [tilespmem:v52+s4+$0x0], $0xffff;
	[tilespmem:s6+$0x19960] =	vst v51  }
0x1d6: {  	v55 =	vadd.s32 $0x6, v1;
	v59 =	vld.idx.msk [tilespmem:v53+s4+$0x0], $0xffff;
	[tilespmem:s6+$0x19D00] =	vst v13  }
0x1d7: {  	v60 =	vadd.s32 $0x6, v7;
	[tilespmem:s6+$0x19920] =	vst v15;
	v15 =	vld.idx.msk [tilespmem:v54+s4+$0x0], $0xffff  }
0x1d8: {  	v61 =	vadd.s32 $0x6, v3;
	[tilespmem:s6+$0x19930] =	vst v10;
	v2 =	vld.idx.msk [tilespmem:v2+s4+$0x0], $0xffff  }
0x1d9: {  	v56 =	vadd.s32 $0x6, v4;
	[tilespmem:s6+$0x19940] =	vst v18;
	v9 =	vld.idx.msk [tilespmem:v49+s4+$0x0], $0xffff  }
0x1da: {  	v57 =	vadd.s32 $0x6, v5;
	[tilespmem:s6+$0x19D10] =	vst v17;
	v11 =	vld.idx.msk [tilespmem:v50+s4+$0x0], $0xffff  }
0x1db: {  	v58 =	vadd.s32 $0x6, v6;
	v10 =	vld.idx.msk [tilespmem:v55+s4+$0x0], $0xffff;
	[tilespmem:s6+$0x19D50] =	vst v14  }
0x1dc: {  	v0 =	vadd.s32 $0x7, v0;
	v14 =	vld.idx.msk [tilespmem:v60+s4+$0x0], $0xffff;
	[tilespmem:s6+$0x19D60] =	vst v59  }
0x1dd: {  	v1 =	vadd.s32 $0x7, v1;
	v13 =	vld.idx.msk [tilespmem:v61+s4+$0x0], $0xffff;
	[tilespmem:s6+$0x19D20] =	vst v2  }
0x1de: {  	v7 =	vadd.s32 $0x7, v7;
	[tilespmem:s6+$0x19D30] =	vst v9;
	v2 =	vld.idx.msk [tilespmem:v56+s4+$0x0], $0xffff  }
0x1df: {  	v62 =	vadd.s32 $0x7, v4;
	[tilespmem:s6+$0x19D40] =	vst v11;
	v9 =	vld.idx.msk [tilespmem:v57+s4+$0x0], $0xffff  }
0x1e0: {  	v63 =	vadd.s32 $0x7, v5;
	[tilespmem:s6+$0x1A100] =	vst v15;
	v8 =	vld.idx.msk [tilespmem:v58+s4+$0x0], $0xffff  }
0x1e1: {  	v6 =	vadd.s32 $0x7, v6;
	[tilespmem:s6+$0x1A110] =	vst v10;
	v5 =	vld.idx.msk [tilespmem:v0+s4+$0x0], $0xffff  }
0x1e2: {  	v28 =	vadd.s32 $0x7, v3;
	v4 =	vld.idx.msk [tilespmem:v1+s4+$0x0], $0xffff;
	[tilespmem:s6+$0x1A150] =	vst v14  }
0x1e3: {  	v3 =	vld.idx.msk [tilespmem:v7+s4+$0x0], $0xffff;
	[tilespmem:s6+$0x1A120] =	vst v2  }
0x1e4: {  	[tilespmem:s6+$0x1A130] =	vst v9;
	v2 =	vld.idx.msk [tilespmem:v62+s4+$0x0], $0xffff  }
0x1e5: {  	[tilespmem:s6+$0x1A140] =	vst v8;
	v0 =	vld.idx.msk [tilespmem:v63+s4+$0x0], $0xffff  }
0x1e6: {  	s8 =	simm.s32 $0x0;
	s9 =	simm.s32 $0x200;
	[tilespmem:s6+$0x1A160] =	vst v13;
	v1 =	vld.idx.msk [tilespmem:v6+s4+$0x0], $0xffff  }
.LBB2_5:
0x1e7: {  	s29 =	sshra.s32 s9, $0x2;
	s8 =	sadd.s32 $0x8, s8;
	[tilespmem:s6+$0x1A500] =	vst v5;
	v5 =	vld.idx.msk [tilespmem:v28+s4+$0x0], $0xffff  }
0x1e8: {  	v6 =	vld [tilespmem:s29+$0xBD70];
	p1 =	slt.u32 s8, $0x38;
	[tilespmem:s6+$0x1A510] =	vst v4  }
0x1e9: {  	v4 =	vld [tilespmem:s29+$0xBD00];
	[tilespmem:s6+$0x1A520] =	vst v2  }
0x1ea: {  	v2 =	vld [tilespmem:s29+$0xBD10];
	[tilespmem:s6+$0x1A530] =	vst v0  }
0x1eb: {  	v0 =	vld [tilespmem:s29+$0xBD20];
	[tilespmem:s6+$0x1A540] =	vst v1  }
0x1ec: {  	v1 =	vld [tilespmem:s29+$0xBD30];
	[tilespmem:s6+$0x1A550] =	vst v3  }
0x1ed: {  	v3 =	vld [tilespmem:s29+$0xBD40];
	v6 =	vmul.f32 $4.000000000e+00, v6;
	[tilespmem:s6+$0x1A560] =	vst v5;
	s6 =	smov.u32 s29  }
0x1ee: {  	v4 =	vmul.f32 $4.000000000e+00, v4;
	v5 =	vld [tilespmem:s6+$0xBD50]  }
0x1ef: {  	v2 =	vmul.f32 $4.000000000e+00, v2;
	v7 =	vld [tilespmem:s6+$0xBD60];
	v6 =	vtrunc.f32 v6  }
0x1f0: {  	v8 =	vld [tilespmem:s6+$0xC100];
	v0 =	vmul.f32 $4.000000000e+00, v0;
	v9 =	vcvt.f32.s32 v6  }
0x1f1: {  	v4 =	vtrunc.f32 v4;
	v6 =	vld [tilespmem:s6+$0xC110];
	v1 =	vmul.f32 $4.000000000e+00, v1  }
0x1f2: {  	v2 =	vtrunc.f32 v2;
	v10 =	vld [tilespmem:s6+$0xC120];
	v3 =	vmul.f32 $4.000000000e+00, v3  }
0x1f3: {  	v0 =	vtrunc.f32 v0;
	v11 =	vld [tilespmem:s6+$0xC130];
	v5 =	vmul.f32 $4.000000000e+00, v5  }
0x1f4: {  	v1 =	vtrunc.f32 v1;
	v12 =	vld [tilespmem:s6+$0xC140];
	v7 =	vmul.f32 $4.000000000e+00, v7  }
0x1f5: {  	v3 =	vtrunc.f32 v3;
	v13 =	vadd.f32 v8, v8;
	v14 =	vld [tilespmem:s6+$0xC150];
	v5 =	vtrunc.f32 v5  }
0x1f6: {  	v4 =	vcvt.f32.s32 v4;
	v15 =	vadd.f32 v6, v6;
	v6 =	vtrunc.f32 v7;
	v7 =	vld.idx.msk [tilespmem:v9+s4+$0x0], $0xffff  }
0x1f7: {  	v2 =	vcvt.f32.s32 v2;
	v0 =	vcvt.f32.s32 v0;
	v10 =	vadd.f32 v10, v10;
	v16 =	vld [tilespmem:s6+$0xC160]  }
0x1f8: {  	v1 =	vcvt.f32.s32 v1;
	v18 =	vcvt.f32.s32 v3;
	v3 =	vadd.s32 $0x1, v9;
	v17 =	vld [tilespmem:s6+$0xC500]  }
0x1f9: {  	v19 =	vadd.s32 $0x1, v4;
	v21 =	vcvt.f32.s32 v5;
	v22 =	vcvt.f32.s32 v6;
	v20 =	vld [tilespmem:s6+$0xC510]  }
0x1fa: {  	v23 =	vadd.s32 $0x1, v2;
	v25 =	vadd.s32 $0x1, v0;
	v26 =	vadd.s32 $0x1, v1;
	v24 =	vld [tilespmem:s6+$0xC520]  }
0x1fb: {  	v28 =	vadd.s32 $0x1, v18;
	v30 =	vadd.s32 $0x1, v21;
	v31 =	vadd.s32 $0x1, v22;
	v27 =	vld [tilespmem:s6+$0xC530]  }
0x1fc: {  	v35 =	vadd.s32 $0x2, v4;
	v36 =	vadd.s32 $0x2, v2;
	v40 =	vadd.s32 $0x2, v0;
	v32 =	vld.idx.msk [tilespmem:v4+s4+$0x0], $0xffff;
	[tilespmem:s6+$0x17170] =	vst v7  }
0x1fd: {  	v41 =	vadd.s32 $0x2, v1;
	v8 =	vadd.s32 $0x2, v18;
	v6 =	vadd.s32 $0x2, v21;
	v33 =	vld.idx.msk [tilespmem:v3+s4+$0x0], $0xffff  }
0x1fe: {  	v5 =	vadd.s32 $0x3, v4;
	v4 =	vadd.s32 $0x3, v2;
	v7 =	vadd.s32 $0x2, v22;
	v34 =	vld.idx.msk [tilespmem:v2+s4+$0x0], $0xffff  }
0x1ff: {  	v38 =	vadd.s32 $0x2, v9;
	v3 =	vadd.s32 $0x3, v0;
	v2 =	vadd.s32 $0x3, v1;
	v37 =	vld.idx.msk [tilespmem:v0+s4+$0x0], $0xffff  }
0x200: {  	v29 =	vadd.s32 $0x3, v22;
	v0 =	vadd.s32 $0x3, v21;
	v39 =	vld.idx.msk [tilespmem:v1+s4+$0x0], $0xffff;
	v1 =	vadd.s32 $0x3, v18  }
0x201: {  	v11 =	vadd.f32 v11, v11;
	v12 =	vadd.f32 v12, v12;
	v17 =	vmul.f32 $8.000000000e+00, v17;
	v18 =	vld.idx.msk [tilespmem:v18+s4+$0x0], $0xffff  }
0x202: {  	v14 =	vadd.f32 v14, v14;
	v16 =	vadd.f32 v16, v16;
	v20 =	vmul.f32 $8.000000000e+00, v20;
	[tilespmem:s6+$0x17100] =	vst v32;
	v32 =	vld [tilespmem:s6+$0xC170]  }
0x203: {  	v13 =	vadd.f32 $2.800000000e+01, v13;
	v15 =	vadd.f32 $2.800000000e+01, v15;
	v24 =	vmul.f32 $8.000000000e+00, v24;
	v21 =	vld.idx.msk [tilespmem:v21+s4+$0x0], $0xffff;
	[tilespmem:s6+$0x17570] =	vst v33  }
0x204: {  	v10 =	vadd.f32 $2.800000000e+01, v10;
	v11 =	vadd.f32 $2.800000000e+01, v11;
	v27 =	vmul.f32 $8.000000000e+00, v27;
	[tilespmem:s6+$0x17110] =	vst v34;
	v33 =	vld.idx.msk [tilespmem:v38+s4+$0x0], $0xffff  }
0x205: {  	v13 =	vtrunc.f32 v13;
	v12 =	vadd.f32 $2.800000000e+01, v12;
	v14 =	vadd.f32 $2.800000000e+01, v14;
	[tilespmem:s6+$0x17120] =	vst v37;
	v22 =	vld.idx.msk [tilespmem:v22+s4+$0x0], $0xffff  }
0x206: {  	v9 =	vadd.s32 $0x3, v9;
	v15 =	vtrunc.f32 v15;
	v16 =	vadd.f32 $2.800000000e+01, v16;
	v19 =	vld.idx.msk [tilespmem:v19+s4+$0x0], $0xffff;
	[tilespmem:s6+$0x17130] =	vst v39  }
0x207: {  	v10 =	vtrunc.f32 v10;
	v11 =	vtrunc.f32 v11;
	v23 =	vld.idx.msk [tilespmem:v23+s4+$0x0], $0xffff;
	[tilespmem:s6+$0x17140] =	vst v18;
	v18 =	vadd.f32 v32, v32  }
0x208: {  	v12 =	vtrunc.f32 v12;
	v14 =	vtrunc.f32 v14;
	v17 =	vadd.f32 $3.200000000e+01, v17;
	v25 =	vld.idx.msk [tilespmem:v25+s4+$0x0], $0xffff  }
0x209: {  	v42 =	vcvt.f32.s32 v13;
	v16 =	vtrunc.f32 v16;
	v13 =	vld.idx.msk [tilespmem:v26+s4+$0x0], $0xffff;
	[tilespmem:s6+$0x17150] =	vst v21;
	v18 =	vadd.f32 $2.800000000e+01, v18  }
0x20a: {  	v43 =	vcvt.f32.s32 v15;
	v44 =	vcvt.f32.s32 v10;
	v15 =	vadd.f32 $3.200000000e+01, v20;
	v10 =	vld.idx.msk [tilespmem:v28+s4+$0x0], $0xffff;
	[tilespmem:s6+$0x17970] =	vst v33  }
0x20b: {  	v45 =	vcvt.f32.s32 v11;
	v33 =	vadd.s32 $0x1, v42;
	[tilespmem:s6+$0x17160] =	vst v22;
	v11 =	vtrunc.f32 v18;
	v9 =	vld.idx.msk [tilespmem:v9+s4+$0x0], $0xffff  }
0x20c: {  	v46 =	vcvt.f32.s32 v12;
	v34 =	vadd.s32 $0x1, v43;
	[tilespmem:s6+$0x17500] =	vst v19;
	v12 =	vld.idx.msk [tilespmem:v30+s4+$0x0], $0xffff;
	v11 =	vcvt.f32.s32 v11  }
0x20d: {  	v47 =	vcvt.f32.s32 v14;
	v48 =	vcvt.f32.s32 v16;
	v38 =	vadd.s32 $0x1, v44;
	[tilespmem:s6+$0x17510] =	vst v23;
	v14 =	vld.idx.msk [tilespmem:v31+s4+$0x0], $0xffff  }
0x20e: {  	v37 =	vadd.s32 $0x1, v46;
	v39 =	vadd.s32 $0x1, v45;
	v18 =	vadd.f32 $3.200000000e+01, v24;
	v16 =	vld.idx.msk [tilespmem:v35+s4+$0x0], $0xffff;
	[tilespmem:s6+$0x17520] =	vst v25  }
0x20f: {  	v20 =	vadd.f32 $3.200000000e+01, v27;
	v32 =	vadd.s32 $0x1, v48;
	v35 =	vadd.s32 $0x1, v47;
	v19 =	vld.idx.msk [tilespmem:v36+s4+$0x0], $0xffff;
	[tilespmem:s6+$0x17530] =	vst v13  }
0x210: {  	v15 =	vtrunc.f32 v15;
	v13 =	vtrunc.f32 v17;
	[tilespmem:s6+$0x17540] =	vst v10;
	v10 =	vld [tilespmem:s6+$0xC570]  }
0x211: {  	v20 =	vtrunc.f32 v20;
	v17 =	vtrunc.f32 v18;
	v18 =	vld.idx.msk [tilespmem:v40+s4+$0x0], $0xffff;
	[tilespmem:s6+$0x17D70] =	vst v9  }
0x212: {  	v36 =	vcvt.f32.s32 v15;
	v40 =	vcvt.f32.s32 v13;
	[tilespmem:s6+$0x17550] =	vst v12;
	v9 =	vld.idx.msk [tilespmem:v11+s4+$0x0], $0xffff  }
0x213: {  	v30 =	vcvt.f32.s32 v20;
	v31 =	vcvt.f32.s32 v17;
	v13 =	vld.idx.msk [tilespmem:v41+s4+$0x0], $0xffff;
	[tilespmem:s6+$0x17560] =	vst v14  }
0x214: {  	v26 =	vadd.s32 $0x1, v36;
	v11 =	vadd.s32 $0x1, v11;
	v28 =	vadd.s32 $0x1, v40;
	[tilespmem:s6+$0x17900] =	vst v16;
	v8 =	vld.idx.msk [tilespmem:v8+s4+$0x0], $0xffff  }
0x215: {  	v25 =	vadd.s32 $0x1, v30;
	v27 =	vadd.s32 $0x1, v31;
	[tilespmem:s6+$0x17910] =	vst v19;
	v6 =	vld.idx.msk [tilespmem:v6+s4+$0x0], $0xffff;
	v10 =	vmul.f32 $8.000000000e+00, v10  }
0x216: {  	v21 =	vadd.s32 $0x2, v36;
	v20 =	vadd.s32 $0x2, v31;
	v23 =	vadd.s32 $0x2, v40;
	v7 =	vld.idx.msk [tilespmem:v7+s4+$0x0], $0xffff  }
0x217: {  	v22 =	vadd.s32 $0x2, v30;
	v17 =	vadd.s32 $0x3, v40;
	v41 =	vld.idx.msk [tilespmem:v5+s4+$0x0], $0xffff;
	[tilespmem:s6+$0x17920] =	vst v18;
	v5 =	vadd.f32 $3.200000000e+01, v10  }
0x218: {  	v16 =	vadd.s32 $0x3, v30;
	v19 =	vadd.s32 $0x3, v36;
	v18 =	vadd.s32 $0x3, v31;
	v49 =	vld.idx.msk [tilespmem:v4+s4+$0x0], $0xffff;
	[tilespmem:s6+$0x18170] =	vst v9  }
0x219: {  	v12 =	vadd.s32 $0x4, v36;
	v14 =	vadd.s32 $0x4, v40;
	[tilespmem:s6+$0x17930] =	vst v13;
	v4 =	vtrunc.f32 v5;
	v50 =	vld.idx.msk [tilespmem:v11+s4+$0x0], $0xffff  }
0x21a: {  	v15 =	vadd.s32 $0x4, v31;
	v13 =	vadd.s32 $0x4, v30;
	v51 =	vld.idx.msk [tilespmem:v3+s4+$0x0], $0xffff;
	[tilespmem:s6+$0x17940] =	vst v8;
	v24 =	vcvt.f32.s32 v4  }
0x21b: {  	v9 =	vadd.s32 $0x5, v36;
	v11 =	vadd.s32 $0x5, v40;
	v8 =	vadd.s32 $0x5, v31;
	v52 =	vld.idx.msk [tilespmem:v2+s4+$0x0], $0xffff;
	[tilespmem:s6+$0x17950] =	vst v6  }
0x21c: {  	v10 =	vadd.s32 $0x5, v30;
	v5 =	vadd.s32 $0x6, v40;
	v4 =	vadd.s32 $0x6, v36;
	v53 =	vld.idx.msk [tilespmem:v1+s4+$0x0], $0xffff;
	[tilespmem:s6+$0x17960] =	vst v7  }
0x21d: {  	v6 =	vadd.s32 $0x6, v30;
	v1 =	vadd.s32 $0x7, v40;
	v7 =	vadd.s32 $0x6, v31;
	[tilespmem:s6+$0x17D00] =	vst v41;
	v41 =	vld.idx.msk [tilespmem:v0+s4+$0x0], $0xffff  }
0x21e: {  	v3 =	vadd.s32 $0x7, v36;
	v2 =	vadd.s32 $0x7, v31;
	v0 =	vadd.s32 $0x7, v30;
	[tilespmem:s6+$0x17D10] =	vst v49;
	v29 =	vld.idx.msk [tilespmem:v29+s4+$0x0], $0xffff  }
0x21f: {  	v42 =	vld.idx.msk [tilespmem:v42+s4+$0x0], $0xffff;
	[tilespmem:s6+$0x18570] =	vst v50  }
0x220: {  	[tilespmem:s6+$0x17D20] =	vst v51;
	v49 =	vld.idx.msk [tilespmem:v24+s4+$0x0], $0xffff  }
0x221: {  	v43 =	vld.idx.msk [tilespmem:v43+s4+$0x0], $0xffff;
	[tilespmem:s6+$0x17D30] =	vst v52  }
0x222: {  	v50 =	vadd.s32 $0x1, v24;
	v44 =	vld.idx.msk [tilespmem:v44+s4+$0x0], $0xffff;
	[tilespmem:s6+$0x17D40] =	vst v53  }
0x223: {  	v45 =	vld.idx.msk [tilespmem:v45+s4+$0x0], $0xffff;
	[tilespmem:s6+$0x17D50] =	vst v41  }
0x224: {  	v41 =	vld.idx.msk [tilespmem:v46+s4+$0x0], $0xffff;
	[tilespmem:s6+$0x17D60] =	vst v29  }
0x225: {  	[tilespmem:s6+$0x18100] =	vst v42;
	v29 =	vld.idx.msk [tilespmem:v47+s4+$0x0], $0xffff  }
0x226: {  	v42 =	vld.idx.msk [tilespmem:v48+s4+$0x0], $0xffff;
	[tilespmem:s6+$0x18970] =	vst v49  }
0x227: {  	[tilespmem:s6+$0x18110] =	vst v43;
	v43 =	vld.idx.msk [tilespmem:v50+s4+$0x0], $0xffff  }
0x228: {  	[tilespmem:s6+$0x18120] =	vst v44;
	v44 =	vld [tilespmem:s6+$0xC540]  }
0x229: {  	v46 =	vadd.s32 $0x2, v24;
	[tilespmem:s6+$0x18130] =	vst v45;
	v45 =	vld [tilespmem:s6+$0xC550]  }
0x22a: {  	[tilespmem:s6+$0x18140] =	vst v41;
	v41 =	vld [tilespmem:s6+$0xC560]  }
0x22b: {  	v33 =	vld.idx.msk [tilespmem:v33+s4+$0x0], $0xffff;
	[tilespmem:s6+$0x18150] =	vst v29  }
0x22c: {  	v29 =	vld.idx.msk [tilespmem:v34+s4+$0x0], $0xffff;
	[tilespmem:s6+$0x18160] =	vst v42  }
0x22d: {  	v34 =	vld.idx.msk [tilespmem:v38+s4+$0x0], $0xffff;
	v38 =	vmul.f32 $8.000000000e+00, v44;
	[tilespmem:s6+$0x18D70] =	vst v43  }
0x22e: {  	v42 =	vmul.f32 $8.000000000e+00, v45;
	v43 =	vld.idx.msk [tilespmem:v46+s4+$0x0], $0xffff  }
0x22f: {  	v39 =	vld.idx.msk [tilespmem:v39+s4+$0x0], $0xffff;
	v38 =	vadd.f32 $3.200000000e+01, v38;
	v41 =	vmul.f32 $8.000000000e+00, v41  }
0x230: {  	v44 =	vadd.s32 $0x3, v24;
	v37 =	vld.idx.msk [tilespmem:v37+s4+$0x0], $0xffff;
	v42 =	vadd.f32 $3.200000000e+01, v42  }
0x231: {  	[tilespmem:s6+$0x18500] =	vst v33;
	v33 =	vtrunc.f32 v38;
	v35 =	vld.idx.msk [tilespmem:v35+s4+$0x0], $0xffff;
	v38 =	vadd.f32 $3.200000000e+01, v41  }
0x232: {  	[tilespmem:s6+$0x18510] =	vst v29;
	v29 =	vcvt.f32.s32 v33;
	v33 =	vtrunc.f32 v42;
	v32 =	vld.idx.msk [tilespmem:v32+s4+$0x0], $0xffff  }
0x233: {  	v40 =	vld.idx.msk [tilespmem:v40+s4+$0x0], $0xffff;
	[tilespmem:s6+$0x18520] =	vst v34;
	v41 =	vcvt.f32.s32 v33;
	v33 =	vtrunc.f32 v38  }
0x234: {  	v36 =	vld.idx.msk [tilespmem:v36+s4+$0x0], $0xffff;
	v38 =	vadd.s32 $0x1, v29;
	v42 =	vadd.s32 $0x2, v29;
	v45 =	vcvt.f32.s32 v33;
	[tilespmem:s6+$0x19170] =	vst v43  }
0x235: {  	[tilespmem:s6+$0x18530] =	vst v39;
	v39 =	vadd.s32 $0x3, v29;
	v43 =	vadd.s32 $0x1, v41;
	v46 =	vadd.s32 $0x2, v41;
	v44 =	vld.idx.msk [tilespmem:v44+s4+$0x0], $0xffff  }
0x236: {  	v47 =	vld.idx.msk [tilespmem:v31+s4+$0x0], $0xffff;
	[tilespmem:s6+$0x18540] =	vst v37;
	v37 =	vadd.s32 $0x3, v41;
	v48 =	vadd.s32 $0x1, v45;
	v49 =	vadd.s32 $0x2, v45  }
0x237: {  	v52 =	vadd.s32 $0x4, v24;
	v51 =	vadd.s32 $0x4, v29;
	v50 =	vld.idx.msk [tilespmem:v30+s4+$0x0], $0xffff;
	[tilespmem:s6+$0x18550] =	vst v35;
	v35 =	vadd.s32 $0x3, v45  }
0x238: {  	v34 =	vadd.s32 $0x5, v29;
	v54 =	vadd.s32 $0x4, v41;
	v55 =	vadd.s32 $0x4, v45;
	v53 =	vld.idx.msk [tilespmem:v29+s4+$0x0], $0xffff;
	[tilespmem:s6+$0x18560] =	vst v32  }
0x239: {  	v56 =	vadd.s32 $0x5, v41;
	v31 =	vadd.s32 $0x6, v29;
	v57 =	vadd.s32 $0x5, v45;
	[tilespmem:s6+$0x18900] =	vst v40;
	v40 =	vld.idx.msk [tilespmem:v41+s4+$0x0], $0xffff  }
0x23a: {  	v33 =	vadd.s32 $0x6, v41;
	v29 =	vadd.s32 $0x7, v29;
	v32 =	vadd.s32 $0x6, v45;
	[tilespmem:s6+$0x18910] =	vst v36;
	v36 =	vld.idx.msk [tilespmem:v45+s4+$0x0], $0xffff  }
0x23b: {  	v30 =	vadd.s32 $0x7, v41;
	v58 =	vld.idx.msk [tilespmem:v28+s4+$0x0], $0xffff;
	v28 =	vadd.s32 $0x7, v45;
	[tilespmem:s6+$0x19570] =	vst v44  }
0x23c: {  	[tilespmem:s6+$0x18920] =	vst v47;
	v41 =	vld.idx.msk [tilespmem:v52+s4+$0x0], $0xffff  }
0x23d: {  	v26 =	vld.idx.msk [tilespmem:v26+s4+$0x0], $0xffff;
	[tilespmem:s6+$0x18930] =	vst v50  }
0x23e: {  	v44 =	vadd.s32 $0x5, v24;
	v27 =	vld.idx.msk [tilespmem:v27+s4+$0x0], $0xffff;
	[tilespmem:s6+$0x18940] =	vst v53  }
0x23f: {  	v25 =	vld.idx.msk [tilespmem:v25+s4+$0x0], $0xffff;
	[tilespmem:s6+$0x18950] =	vst v40  }
0x240: {  	v38 =	vld.idx.msk [tilespmem:v38+s4+$0x0], $0xffff;
	[tilespmem:s6+$0x18960] =	vst v36  }
0x241: {  	[tilespmem:s6+$0x18D00] =	vst v58;
	v36 =	vld.idx.msk [tilespmem:v43+s4+$0x0], $0xffff  }
0x242: {  	v40 =	vld.idx.msk [tilespmem:v48+s4+$0x0], $0xffff;
	[tilespmem:s6+$0x19970] =	vst v41  }
0x243: {  	[tilespmem:s6+$0x18D10] =	vst v26;
	v26 =	vld.idx.msk [tilespmem:v44+s4+$0x0], $0xffff  }
0x244: {  	v23 =	vld.idx.msk [tilespmem:v23+s4+$0x0], $0xffff;
	[tilespmem:s6+$0x18D20] =	vst v27  }
0x245: {  	v21 =	vld.idx.msk [tilespmem:v21+s4+$0x0], $0xffff;
	[tilespmem:s6+$0x18D30] =	vst v25;
	v25 =	vadd.s32 $0x6, v24  }
0x246: {  	v20 =	vld.idx.msk [tilespmem:v20+s4+$0x0], $0xffff;
	[tilespmem:s6+$0x18D40] =	vst v38  }
0x247: {  	v22 =	vld.idx.msk [tilespmem:v22+s4+$0x0], $0xffff;
	[tilespmem:s6+$0x18D50] =	vst v36  }
0x248: {  	v27 =	vld.idx.msk [tilespmem:v42+s4+$0x0], $0xffff;
	[tilespmem:s6+$0x18D60] =	vst v40  }
0x249: {  	v36 =	vld.idx.msk [tilespmem:v46+s4+$0x0], $0xffff;
	[tilespmem:s6+$0x19D70] =	vst v26  }
0x24a: {  	[tilespmem:s6+$0x19100] =	vst v23;
	v23 =	vld.idx.msk [tilespmem:v25+s4+$0x0], $0xffff  }
0x24b: {  	[tilespmem:s6+$0x19110] =	vst v21;
	v21 =	vld.idx.msk [tilespmem:v49+s4+$0x0], $0xffff  }
0x24c: {  	v17 =	vld.idx.msk [tilespmem:v17+s4+$0x0], $0xffff;
	[tilespmem:s6+$0x19120] =	vst v20;
	v20 =	vadd.s32 $0x7, v24  }
0x24d: {  	v19 =	vld.idx.msk [tilespmem:v19+s4+$0x0], $0xffff;
	[tilespmem:s6+$0x19130] =	vst v22  }
0x24e: {  	v18 =	vld.idx.msk [tilespmem:v18+s4+$0x0], $0xffff;
	[tilespmem:s6+$0x19140] =	vst v27  }
0x24f: {  	v16 =	vld.idx.msk [tilespmem:v16+s4+$0x0], $0xffff;
	[tilespmem:s6+$0x19150] =	vst v36  }
0x250: {  	v22 =	vld.idx.msk [tilespmem:v39+s4+$0x0], $0xffff;
	[tilespmem:s6+$0x1A170] =	vst v23  }
0x251: {  	[tilespmem:s6+$0x19160] =	vst v21;
	v20 =	vld.idx.msk [tilespmem:v20+s4+$0x0], $0xffff  }
0x252: {  	[tilespmem:s6+$0x19500] =	vst v17;
	v17 =	vld.idx.msk [tilespmem:v37+s4+$0x0], $0xffff  }
0x253: {  	[tilespmem:s6+$0x19510] =	vst v19;
	v19 =	vld.idx.msk [tilespmem:v35+s4+$0x0], $0xffff  }
0x254: {  	v14 =	vld.idx.msk [tilespmem:v14+s4+$0x0], $0xffff;
	[tilespmem:s6+$0x19520] =	vst v18  }
0x255: {  	v12 =	vld.idx.msk [tilespmem:v12+s4+$0x0], $0xffff;
	[tilespmem:s6+$0x19530] =	vst v16  }
0x256: {  	v15 =	vld.idx.msk [tilespmem:v15+s4+$0x0], $0xffff;
	[tilespmem:s6+$0x19540] =	vst v22  }
0x257: {  	v13 =	vld.idx.msk [tilespmem:v13+s4+$0x0], $0xffff;
	[tilespmem:s6+$0x1A570] =	vst v20  }
0x258: {  	v16 =	vld.idx.msk [tilespmem:v51+s4+$0x0], $0xffff;
	[tilespmem:s6+$0x19550] =	vst v17  }
0x259: {  	v17 =	vld.idx.msk [tilespmem:v54+s4+$0x0], $0xffff;
	[tilespmem:s6+$0x19560] =	vst v19  }
0x25a: {  	[tilespmem:s6+$0x19900] =	vst v14;
	v14 =	vld.idx.msk [tilespmem:v55+s4+$0x0], $0xffff  }
0x25b: {  	v11 =	vld.idx.msk [tilespmem:v11+s4+$0x0], $0xffff;
	[tilespmem:s6+$0x19910] =	vst v12  }
0x25c: {  	v9 =	vld.idx.msk [tilespmem:v9+s4+$0x0], $0xffff;
	[tilespmem:s6+$0x19920] =	vst v15  }
0x25d: {  	v8 =	vld.idx.msk [tilespmem:v8+s4+$0x0], $0xffff;
	[tilespmem:s6+$0x19930] =	vst v13  }
0x25e: {  	v10 =	vld.idx.msk [tilespmem:v10+s4+$0x0], $0xffff;
	[tilespmem:s6+$0x19940] =	vst v16  }
0x25f: {  	v12 =	vld.idx.msk [tilespmem:v34+s4+$0x0], $0xffff;
	[tilespmem:s6+$0x19950] =	vst v17  }
0x260: {  	v13 =	vld.idx.msk [tilespmem:v56+s4+$0x0], $0xffff;
	[tilespmem:s6+$0x19960] =	vst v14  }
0x261: {  	[tilespmem:s6+$0x19D00] =	vst v11;
	v11 =	vld.idx.msk [tilespmem:v57+s4+$0x0], $0xffff  }
0x262: {  	v5 =	vld.idx.msk [tilespmem:v5+s4+$0x0], $0xffff;
	[tilespmem:s6+$0x19D10] =	vst v9  }
0x263: {  	v4 =	vld.idx.msk [tilespmem:v4+s4+$0x0], $0xffff;
	[tilespmem:s6+$0x19D20] =	vst v8  }
0x264: {  	v7 =	vld.idx.msk [tilespmem:v7+s4+$0x0], $0xffff;
	[tilespmem:s6+$0x19D30] =	vst v10  }
0x265: {  	v6 =	vld.idx.msk [tilespmem:v6+s4+$0x0], $0xffff;
	[tilespmem:s6+$0x19D40] =	vst v12  }
0x266: {  	v8 =	vld.idx.msk [tilespmem:v31+s4+$0x0], $0xffff;
	[tilespmem:s6+$0x19D50] =	vst v13  }
0x267: {  	v9 =	vld.idx.msk [tilespmem:v33+s4+$0x0], $0xffff;
	[tilespmem:s6+$0x19D60] =	vst v11  }
0x268: {  	[tilespmem:s6+$0x1A100] =	vst v5;
	v10 =	vld.idx.msk [tilespmem:v32+s4+$0x0], $0xffff  }
0x269: {  	v5 =	vld.idx.msk [tilespmem:v1+s4+$0x0], $0xffff;
	[tilespmem:s6+$0x1A110] =	vst v4  }
.Ltmp3:
0x26a: {  	v4 =	vld.idx.msk [tilespmem:v3+s4+$0x0], $0xffff;
	[tilespmem:s6+$0x1A120] =	vst v7;
	(pc) =	sbr.rel @p1 .LBB2_5-.Ltmp3, $4  }
0x26b: {  	v2 =	vld.idx.msk [tilespmem:v2+s4+$0x0], $0xffff;
	[tilespmem:s6+$0x1A130] =	vst v6  }
0x26c: {  	v0 =	vld.idx.msk [tilespmem:v0+s4+$0x0], $0xffff;
	[tilespmem:s6+$0x1A140] =	vst v8  }
0x26d: {  	v1 =	vld.idx.msk [tilespmem:v29+s4+$0x0], $0xffff;
	[tilespmem:s6+$0x1A150] =	vst v9  }
0x26e: {  	s9 =	sadd.s32 $0x200, s9;
	v3 =	vld.idx.msk [tilespmem:v30+s4+$0x0], $0xffff;
	[tilespmem:s6+$0x1A160] =	vst v10  }
0x26f: {  	_ =	sdelay $0x2  }
0x270: {  	[tilespmem:s6+$0x1A500] =	vst v5  }
0x271: {  	v63 =	vld.idx.msk [tilespmem:v28+s4+$0x0], $0xffff;
	[tilespmem:s6+$0x1A510] =	vst v4;
	s0 =	sshll.u32 s0, $0xA  }
0x272: {  	s5 =	sshll.u32 s5, $0xD;
	[tilespmem:s6+$0x1A520] =	vst v2;
	s0 =	sand.u32 $0x1C00, s0  }
0x273: {  	[tilespmem:s6+$0x1A530] =	vst v0;
	s0 =	sor.u32 s0, s5  }
0x274: {  	[tilespmem:s6+$0x1A540] =	vst v1;
	s0 =	sshrl.u32 s0, $0x3  }
0x275: {  	[tilespmem:s6+$0x1A550] =	vst v3;
	s0 =	sadd.s32 s3, s0  }
0x276: {  	[tilespmem:s6+$0x1A560] =	vst v63;
	s9 =	sadd.s32 $0x280000, s0  }
0x277: {  	[hbm4b:s9+s10] =	stream.strided.scatter [tilespmem:s19], [sflag:$0x5], $0x3800, s11, s10, $0x38;
	[tilespmem:$0x1E100] =	vst v63  }
0x278: {  	_ = 	snop  }
0x279: {  	[hbm4b:s0+s10] =	stream.strided.scatter [tilespmem:s13], [sflag:$0x5], $0x4800, s11, s10, $0x38;
	[tilespmem:$0x1E100] =	vst v63  }
0x27a: {  	s29 =	sadd.s32 $0x240000, s0  }
0x27b: {  	[hbm4b:s29+s10] =	stream.strided.scatter [tilespmem:s20], [sflag:$0x5], $0x800, s11, s10, $0x38;
	[tilespmem:$0x1E100] =	vst v63  }
0x27c: {  	s0 =	sadd.s32 $0x440000, s0  }
0x27d: {  	[hbm4b:s0+s10] =	stream.strided.scatter [tilespmem:s21], [sflag:$0x5], $0x800, s11, s10, $0x38;
	[tilespmem:$0x1E100] =	vst v63  }
0x27e: {  	_ =	swait.ge [sflag:s22], $0x3800  }
0x27f: {  	[sflag:s22] =	ssyncset.done $0x0  }
0x280: {  	[sflag:s22] =	ssyncadd.s32 $0xFFFFC800  }
0x281: {  	_ =	swait.ge [sflag:s22], $0x4800  }
0x282: {  	[sflag:s22] =	ssyncset.done $0x0  }
0x283: {  	[sflag:s22] =	ssyncadd.s32 $0xFFFFB800  }
0x284: {  	_ =	swait.ge [sflag:s22], $0x800  }
.Ltmp4:
0x285: {  	[sflag:s22] =	ssyncset.done $0x0;
	(pc) =	sbr.rel @p0 .LBB2_10-.Ltmp4, $4  }
0x286: {  	[sflag:s22] =	ssyncadd.s32 $0xFFFFF800  }
0x287: {  	_ =	swait.ge [sflag:s22], $0x800  }
0x288: {  	[sflag:s22] =	ssyncset.done $0x0  }
0x289: {  	[sflag:s22] =	ssyncadd.s32 $0xFFFFF800  }
0x28a: {  	s0 =	sadd.s32 $0x3, s31  }
0x28b: {  	s5 =	sshrl.u32 s0, $0x3;
	s0 =	sshll.u32 s0, $0x7  }
0x28c: {  	s5 =	sadd.s32 s7, s5;
	s0 =	sand.u32 $0x380, s0  }
0x28d: {  	s5 =	sshll.u32 s5, $0xA;
	s0 =	sadd.s32 s1, s0  }
0x28e: {  	s0 =	sadd.s32 s5, s0  }
0x28f: {  	[tilespmem:s12], [sflag:$0x1] =	stream.strided.gather [hbm4b:s0+s10], $0x6800, s11, s10, $0x38;
	[tilespmem:$0x1E100] =	vst v63  }
0x290: {  	_ =	swait.ge [sflag:s23], $0x6800  }
0x291: {  	[sflag:s23] =	ssyncset.done $0x0  }
0x292: {  	s0 =	simm.s32 $0x0;
	[sflag:s23] =	ssyncadd.s32 $0xFFFF9800  }
0x293: {  	v0 =	vld [tilespmem:s0+$0x12570]  }
0x294: {  	v1 =	vld [tilespmem:s0+$0x12500]  }
0x295: {  	v2 =	vld [tilespmem:s0+$0x12510]  }
0x296: {  	v3 =	vld [tilespmem:s0+$0x12520]  }
0x297: {  	v6 =	vld [tilespmem:s0+$0x12550]  }
0x298: {  	v7 =	vld [tilespmem:s0+$0x12560]  }
0x299: {  	v4 =	vld [tilespmem:s0+$0x12530]  }
0x29a: {  	v5 =	vld [tilespmem:s0+$0x12540]  }
0x29b: {  	v8 =	vld [tilespmem:s0+$0x12900]  }
0x29c: {  	v10 =	vld [tilespmem:s0+$0x12910];
	v0 =	vmul.f32 $4.000000000e+00, v0;
	v6 =	vmul.f32 $4.000000000e+00, v6  }
0x29d: {  	v11 =	vld [tilespmem:s0+$0x12920];
	v7 =	vmul.f32 $4.000000000e+00, v7  }
0x29e: {  	v12 =	vld [tilespmem:s0+$0x12930];
	v0 =	vtrunc.f32 v0;
	v6 =	vtrunc.f32 v6  }
0x29f: {  	v13 =	vld [tilespmem:s0+$0x12940];
	v7 =	vtrunc.f32 v7;
	v9 =	vcvt.f32.s32 v0  }
0x2a0: {  	v14 =	vld [tilespmem:s0+$0x12950];
	v0 =	vmul.f32 $4.000000000e+00, v1;
	v1 =	vmul.f32 $4.000000000e+00, v2  }
0x2a1: {  	v28 =	vld [tilespmem:s0+$0x12970];
	v2 =	vmul.f32 $4.000000000e+00, v3;
	v3 =	vmul.f32 $4.000000000e+00, v4  }
0x2a2: {  	v45 =	vld [tilespmem:s0+$0x12D70];
	v4 =	vmul.f32 $4.000000000e+00, v5;
	v6 =	vcvt.f32.s32 v6  }
0x2a3: {  	v5 =	vld [tilespmem:s0+$0x12960];
	v7 =	vcvt.f32.s32 v7;
	v0 =	vtrunc.f32 v0  }
0x2a4: {  	v1 =	vtrunc.f32 v1;
	v19 =	vtrunc.f32 v4;
	v4 =	vld [tilespmem:s0+$0x12D20]  }
0x2a5: {  	v2 =	vtrunc.f32 v2;
	v15 =	vcvt.f32.s32 v0;
	v0 =	vld [tilespmem:s0+$0x12D00]  }
0x2a6: {  	v3 =	vtrunc.f32 v3;
	v17 =	vcvt.f32.s32 v1;
	v1 =	vld [tilespmem:s0+$0x12D10]  }
0x2a7: {  	v2 =	vcvt.f32.s32 v2;
	v20 =	vcvt.f32.s32 v3;
	v3 =	vld [tilespmem:s0+$0x12D30]  }
0x2a8: {  	v16 =	vld.idx.msk [tilespmem:v9+s4+$0x0], $0xffff  }
0x2a9: {  	v19 =	vcvt.f32.s32 v19;
	v30 =	vld.idx.msk [tilespmem:v6+s4+$0x0], $0xffff  }
0x2aa: {  	v33 =	vld.idx.msk [tilespmem:v7+s4+$0x0], $0xffff  }
0x2ab: {  	v21 =	vld.idx.msk [tilespmem:v15+s4+$0x0], $0xffff  }
0x2ac: {  	v18 =	vadd.s32 $0x1, v9;
	v62 =	vld.idx.msk [tilespmem:v17+s4+$0x0], $0xffff  }
0x2ad: {  	v35 =	vadd.s32 $0x1, v6;
	v22 =	vld.idx.msk [tilespmem:v2+s4+$0x0], $0xffff  }
0x2ae: {  	v25 =	vadd.s32 $0x1, v15;
	v24 =	vld.idx.msk [tilespmem:v20+s4+$0x0], $0xffff  }
0x2af: {  	v27 =	vadd.s32 $0x1, v17;
	v26 =	vld.idx.msk [tilespmem:v19+s4+$0x0], $0xffff;
	[tilespmem:s0+$0x1A970] =	vst v16  }
0x2b0: {  	v29 =	vadd.s32 $0x1, v2;
	[tilespmem:s0+$0x1A960] =	vst v33;
	v33 =	vld [tilespmem:s0+$0x12D60]  }
0x2b1: {  	v31 =	vadd.s32 $0x1, v19;
	[tilespmem:s0+$0x1A950] =	vst v30;
	v16 =	vld.idx.msk [tilespmem:v18+s4+$0x0], $0xffff  }
0x2b2: {  	v41 =	vld.idx.msk [tilespmem:v35+s4+$0x0], $0xffff;
	[tilespmem:s0+$0x1A900] =	vst v21  }
0x2b3: {  	v63 =	vadd.s32 $0x1, v20;
	[tilespmem:s0+$0x1A910] =	vst v62;
	v34 =	vld.idx.msk [tilespmem:v25+s4+$0x0], $0xffff  }
0x2b4: {  	v23 =	vadd.s32 $0x2, v9;
	[tilespmem:s0+$0x1A920] =	vst v22;
	v36 =	vld.idx.msk [tilespmem:v27+s4+$0x0], $0xffff  }
0x2b5: {  	[tilespmem:s0+$0x1A940] =	vst v26;
	v27 =	vadd.f32 v28, v28;
	v28 =	vadd.s32 $0x1, v7;
	v37 =	vld.idx.msk [tilespmem:v29+s4+$0x0], $0xffff  }
0x2b6: {  	v29 =	vadd.s32 $0x2, v15;
	v31 =	vld.idx.msk [tilespmem:v31+s4+$0x0], $0xffff  }
0x2b7: {  	v40 =	vadd.s32 $0x2, v2;
	[tilespmem:s0+$0x1A930] =	vst v24;
	v25 =	vld [tilespmem:s0+$0x12D40]  }
0x2b8: {  	[tilespmem:s0+$0x1AD70] =	vst v16;
	v16 =	vld.idx.msk [tilespmem:v63+s4+$0x0], $0xffff;
	v38 =	vadd.f32 $2.800000000e+01, v27;
	v27 =	vadd.s32 $0x2, v17  }
0x2b9: {  	v43 =	vadd.s32 $0x2, v20;
	[tilespmem:s0+$0x1AD50] =	vst v41;
	v23 =	vld.idx.msk [tilespmem:v23+s4+$0x0], $0xffff  }
0x2ba: {  	v9 =	vadd.s32 $0x3, v9;
	[tilespmem:s0+$0x1AD00] =	vst v34;
	v42 =	vld.idx.msk [tilespmem:v28+s4+$0x0], $0xffff  }
0x2bb: {  	v28 =	vadd.s32 $0x2, v19;
	[tilespmem:s0+$0x1AD20] =	vst v37;
	v44 =	vld.idx.msk [tilespmem:v29+s4+$0x0], $0xffff  }
0x2bc: {  	[tilespmem:s0+$0x1AD10] =	vst v36;
	v29 =	vadd.s32 $0x2, v6;
	v26 =	vld.idx.msk [tilespmem:v40+s4+$0x0], $0xffff  }
0x2bd: {  	v30 =	vadd.s32 $0x2, v7;
	v27 =	vld.idx.msk [tilespmem:v27+s4+$0x0], $0xffff;
	[tilespmem:s0+$0x1AD30] =	vst v16  }
0x2be: {  	[tilespmem:s0+$0x1B170] =	vst v23;
	v49 =	vld.idx.msk [tilespmem:v43+s4+$0x0], $0xffff  }
0x2bf: {  	v8 =	vadd.f32 v8, v8;
	v10 =	vadd.f32 v10, v10;
	v2 =	vadd.s32 $0x3, v2;
	[tilespmem:s0+$0x1AD40] =	vst v31;
	v9 =	vld.idx.msk [tilespmem:v9+s4+$0x0], $0xffff  }
0x2c0: {  	v11 =	vadd.f32 v11, v11;
	v12 =	vadd.f32 v12, v12;
	v48 =	vadd.s32 $0x3, v17;
	v50 =	vld.idx.msk [tilespmem:v28+s4+$0x0], $0xffff;
	[tilespmem:s0+$0x1AD60] =	vst v42  }
0x2c1: {  	v13 =	vadd.f32 v13, v13;
	v46 =	vadd.s32 $0x3, v15;
	v39 =	vtrunc.f32 v38;
	v51 =	vld.idx.msk [tilespmem:v29+s4+$0x0], $0xffff;
	[tilespmem:s0+$0x1B100] =	vst v44  }
0x2c2: {  	v14 =	vadd.f32 v14, v14;
	v20 =	vadd.s32 $0x3, v20;
	v23 =	vcvt.f32.s32 v39;
	v52 =	vld.idx.msk [tilespmem:v30+s4+$0x0], $0xffff;
	[tilespmem:s0+$0x1B120] =	vst v26  }
0x2c3: {  	v8 =	vadd.f32 $2.800000000e+01, v8;
	v11 =	vadd.f32 $2.800000000e+01, v11;
	v26 =	vld [tilespmem:s0+$0x12D50];
	[tilespmem:s0+$0x1B110] =	vst v27  }
0x2c4: {  	v10 =	vadd.f32 $2.800000000e+01, v10;
	v12 =	vadd.f32 $2.800000000e+01, v12;
	v19 =	vadd.s32 $0x3, v19;
	v54 =	vld.idx.msk [tilespmem:v2+s4+$0x0], $0xffff;
	[tilespmem:s0+$0x1B130] =	vst v49  }
0x2c5: {  	v13 =	vadd.f32 $2.800000000e+01, v13;
	v11 =	vtrunc.f32 v11;
	v6 =	vadd.s32 $0x3, v6;
	v16 =	vld.idx.msk [tilespmem:v48+s4+$0x0], $0xffff;
	[tilespmem:s0+$0x1B570] =	vst v9  }
0x2c6: {  	v10 =	vtrunc.f32 v10;
	v11 =	vcvt.f32.s32 v11;
	v7 =	vadd.s32 $0x3, v7;
	v9 =	vld.idx.msk [tilespmem:v46+s4+$0x0], $0xffff;
	[tilespmem:s0+$0x1B140] =	vst v50  }
0x2c7: {  	v14 =	vadd.f32 $2.800000000e+01, v14;
	v8 =	vtrunc.f32 v8;
	v10 =	vcvt.f32.s32 v10;
	v55 =	vld.idx.msk [tilespmem:v20+s4+$0x0], $0xffff;
	[tilespmem:s0+$0x1B150] =	vst v51  }
0x2c8: {  	v12 =	vtrunc.f32 v12;
	v8 =	vcvt.f32.s32 v8;
	v5 =	vadd.f32 v5, v5;
	v47 =	vld.idx.msk [tilespmem:v23+s4+$0x0], $0xffff;
	[tilespmem:s0+$0x1B160] =	vst v52  }
0x2c9: {  	v12 =	vcvt.f32.s32 v12;
	v56 =	vld.idx.msk [tilespmem:v19+s4+$0x0], $0xffff;
	[tilespmem:s0+$0x1B520] =	vst v54  }
0x2ca: {  	v13 =	vtrunc.f32 v13;
	v14 =	vtrunc.f32 v14;
	v5 =	vadd.f32 $2.800000000e+01, v5;
	v6 =	vld.idx.msk [tilespmem:v6+s4+$0x0], $0xffff;
	[tilespmem:s0+$0x1B510] =	vst v16  }
0x2cb: {  	v13 =	vcvt.f32.s32 v13;
	v57 =	vcvt.f32.s32 v14;
	v23 =	vadd.s32 $0x1, v23;
	v7 =	vld.idx.msk [tilespmem:v7+s4+$0x0], $0xffff;
	[tilespmem:s0+$0x1B500] =	vst v9  }
0x2cc: {  	v5 =	vtrunc.f32 v5;
	v24 =	vmul.f32 $8.000000000e+00, v45;
	v61 =	vld.idx.msk [tilespmem:v11+s4+$0x0], $0xffff;
	[tilespmem:s0+$0x1B530] =	vst v55  }
0x2cd: {  	v5 =	vcvt.f32.s32 v5;
	v60 =	vld.idx.msk [tilespmem:v10+s4+$0x0], $0xffff;
	[tilespmem:s0+$0x1B970] =	vst v47  }
0x2ce: {  	v24 =	vadd.f32 $3.200000000e+01, v24;
	v58 =	vld.idx.msk [tilespmem:v8+s4+$0x0], $0xffff;
	[tilespmem:s0+$0x1B540] =	vst v56  }
0x2cf: {  	v11 =	vadd.s32 $0x1, v11;
	v63 =	vld.idx.msk [tilespmem:v12+s4+$0x0], $0xffff;
	[tilespmem:s0+$0x1B550] =	vst v6  }
0x2d0: {  	v4 =	vmul.f32 $8.000000000e+00, v4;
	v53 =	vtrunc.f32 v24;
	v10 =	vadd.s32 $0x1, v10;
	v23 =	vld.idx.msk [tilespmem:v23+s4+$0x0], $0xffff;
	[tilespmem:s0+$0x1B560] =	vst v7  }
0x2d1: {  	v2 =	vcvt.f32.s32 v53;
	v8 =	vadd.s32 $0x1, v8;
	v6 =	vld.idx.msk [tilespmem:v13+s4+$0x0], $0xffff;
	[tilespmem:s0+$0x1B920] =	vst v61  }
0x2d2: {  	v0 =	vmul.f32 $8.000000000e+00, v0;
	v4 =	vadd.f32 $3.200000000e+01, v4;
	v7 =	vld.idx.msk [tilespmem:v57+s4+$0x0], $0xffff;
	[tilespmem:s0+$0x1B910] =	vst v60  }
0x2d3: {  	v1 =	vmul.f32 $8.000000000e+00, v1;
	v3 =	vmul.f32 $8.000000000e+00, v3;
	v12 =	vadd.s32 $0x1, v12;
	v24 =	vld.idx.msk [tilespmem:v5+s4+$0x0], $0xffff;
	[tilespmem:s0+$0x1B900] =	vst v58  }
0x2d4: {  	v0 =	vadd.f32 $3.200000000e+01, v0;
	v4 =	vtrunc.f32 v4;
	v13 =	vadd.s32 $0x1, v13;
	v11 =	vld.idx.msk [tilespmem:v11+s4+$0x0], $0xffff;
	[tilespmem:s0+$0x1B930] =	vst v63  }
0x2d5: {  	v1 =	vadd.f32 $3.200000000e+01, v1;
	v4 =	vcvt.f32.s32 v4;
	v9 =	vadd.s32 $0x1, v57;
	v10 =	vld.idx.msk [tilespmem:v10+s4+$0x0], $0xffff;
	[tilespmem:s0+$0x1BD70] =	vst v23  }
0x2d6: {  	v3 =	vadd.f32 $3.200000000e+01, v3;
	v0 =	vtrunc.f32 v0;
	v8 =	vld.idx.msk [tilespmem:v8+s4+$0x0], $0xffff;
	[tilespmem:s0+$0x1B940] =	vst v6  }
0x2d7: {  	v1 =	vtrunc.f32 v1;
	v34 =	vadd.s32 $0x1, v5;
	v5 =	vmul.f32 $8.000000000e+00, v25;
	v59 =	vld.idx.msk [tilespmem:v2+s4+$0x0], $0xffff;
	[tilespmem:s0+$0x1B950] =	vst v7  }
0x2d8: {  	v3 =	vtrunc.f32 v3;
	v1 =	vcvt.f32.s32 v1;
	v62 =	vadd.s32 $0x1, v2;
	v12 =	vld.idx.msk [tilespmem:v12+s4+$0x0], $0xffff;
	[tilespmem:s0+$0x1B960] =	vst v24  }
0x2d9: {  	v0 =	vcvt.f32.s32 v0;
	v6 =	vmul.f32 $8.000000000e+00, v26;
	v7 =	vadd.f32 $3.200000000e+01, v5;
	v13 =	vld.idx.msk [tilespmem:v13+s4+$0x0], $0xffff;
	[tilespmem:s0+$0x1BD20] =	vst v11  }
0x2da: {  	v5 =	vcvt.f32.s32 v3;
	v39 =	vld.idx.msk [tilespmem:v9+s4+$0x0], $0xffff;
	[tilespmem:s0+$0x1BD10] =	vst v10  }
0x2db: {  	v37 =	vadd.f32 $3.200000000e+01, v6;
	v3 =	vtrunc.f32 v7;
	v46 =	vld.idx.msk [tilespmem:v4+s4+$0x0], $0xffff;
	[tilespmem:s0+$0x1BD00] =	vst v8  }
0x2dc: {  	v36 =	vmul.f32 $8.000000000e+00, v33;
	v51 =	vadd.s32 $0x1, v4;
	v41 =	vld.idx.msk [tilespmem:v34+s4+$0x0], $0xffff;
	v6 =	vcvt.f32.s32 v3;
	[tilespmem:s0+$0x1C170] =	vst v59  }
0x2dd: {  	v3 =	vtrunc.f32 v37;
	[tilespmem:s0+$0x1BD30] =	vst v12;
	v16 =	vld.idx.msk [tilespmem:v62+s4+$0x0], $0xffff  }
0x2de: {  	v40 =	vadd.f32 $3.200000000e+01, v36;
	v32 =	vadd.s32 $0x2, v2;
	v43 =	vld.idx.msk [tilespmem:v1+s4+$0x0], $0xffff;
	v7 =	vcvt.f32.s32 v3;
	[tilespmem:s0+$0x1BD40] =	vst v13  }
0x2df: {  	v42 =	vld.idx.msk [tilespmem:v0+s4+$0x0], $0xffff;
	[tilespmem:s0+$0x1BD50] =	vst v39  }
0x2e0: {  	v45 =	vadd.s32 $0x1, v0;
	v3 =	vtrunc.f32 v40;
	v47 =	vld.idx.msk [tilespmem:v5+s4+$0x0], $0xffff;
	[tilespmem:s0+$0x1C120] =	vst v46  }
0x2e1: {  	v49 =	vadd.s32 $0x1, v1;
	v3 =	vcvt.f32.s32 v3;
	[tilespmem:s0+$0x1BD60] =	vst v41;
	v10 =	vld.idx.msk [tilespmem:v51+s4+$0x0], $0xffff  }
0x2e2: {  	v50 =	vld.idx.msk [tilespmem:v6+s4+$0x0], $0xffff;
	[tilespmem:s0+$0x1C570] =	vst v16  }
0x2e3: {  	v53 =	vadd.s32 $0x1, v5;
	[tilespmem:s0+$0x1C110] =	vst v43;
	v35 =	vld.idx.msk [tilespmem:v32+s4+$0x0], $0xffff  }
0x2e4: {  	v38 =	vadd.s32 $0x3, v2;
	[tilespmem:s0+$0x1C100] =	vst v42;
	v52 =	vld.idx.msk [tilespmem:v7+s4+$0x0], $0xffff  }
0x2e5: {  	v61 =	vadd.s32 $0x2, v4;
	v12 =	vld.idx.msk [tilespmem:v45+s4+$0x0], $0xffff;
	[tilespmem:s0+$0x1C130] =	vst v47  }
0x2e6: {  	v55 =	vadd.s32 $0x1, v6;
	v16 =	vld.idx.msk [tilespmem:v49+s4+$0x0], $0xffff;
	[tilespmem:s0+$0x1C520] =	vst v10  }
0x2e7: {  	v56 =	vadd.s32 $0x1, v7;
	v54 =	vld.idx.msk [tilespmem:v3+s4+$0x0], $0xffff;
	[tilespmem:s0+$0x1C140] =	vst v50  }
0x2e8: {  	v59 =	vadd.s32 $0x2, v0;
	v18 =	vld.idx.msk [tilespmem:v53+s4+$0x0], $0xffff;
	[tilespmem:s0+$0x1C970] =	vst v35  }
0x2e9: {  	v60 =	vadd.s32 $0x2, v1;
	[tilespmem:s0+$0x1C150] =	vst v52;
	v44 =	vld.idx.msk [tilespmem:v38+s4+$0x0], $0xffff  }
0x2ea: {  	v48 =	vadd.s32 $0x4, v2;
	v9 =	vld.idx.msk [tilespmem:v61+s4+$0x0], $0xffff;
	[tilespmem:s0+$0x1C500] =	vst v12  }
0x2eb: {  	v57 =	vadd.s32 $0x1, v3;
	v19 =	vld.idx.msk [tilespmem:v55+s4+$0x0], $0xffff;
	[tilespmem:s0+$0x1C510] =	vst v16  }
0x2ec: {  	v62 =	vadd.s32 $0x2, v5;
	[tilespmem:s0+$0x1C160] =	vst v54;
	v11 =	vld.idx.msk [tilespmem:v56+s4+$0x0], $0xffff  }
0x2ed: {  	v21 =	vadd.s32 $0x2, v7;
	v17 =	vld.idx.msk [tilespmem:v59+s4+$0x0], $0xffff;
	[tilespmem:s0+$0x1C530] =	vst v18  }
0x2ee: {  	v25 =	vadd.s32 $0x3, v0;
	v22 =	vld.idx.msk [tilespmem:v60+s4+$0x0], $0xffff;
	[tilespmem:s0+$0x1CD70] =	vst v44  }
0x2ef: {  	v26 =	vadd.s32 $0x3, v1;
	[tilespmem:s0+$0x1C920] =	vst v9;
	v8 =	vld.idx.msk [tilespmem:v48+s4+$0x0], $0xffff  }
0x2f0: {  	v58 =	vadd.s32 $0x5, v2;
	v14 =	vld.idx.msk [tilespmem:v57+s4+$0x0], $0xffff;
	[tilespmem:s0+$0x1C540] =	vst v19  }
0x2f1: {  	v24 =	vadd.s32 $0x2, v3;
	v12 =	vld.idx.msk [tilespmem:v62+s4+$0x0], $0xffff;
	[tilespmem:s0+$0x1C550] =	vst v11  }
0x2f2: {  	v32 =	vadd.s32 $0x3, v4;
	[tilespmem:s0+$0x1C900] =	vst v17;
	v16 =	vld.idx.msk [tilespmem:v21+s4+$0x0], $0xffff  }
0x2f3: {  	v63 =	vadd.s32 $0x2, v6;
	[tilespmem:s0+$0x1C910] =	vst v22;
	v36 =	vld.idx.msk [tilespmem:v25+s4+$0x0], $0xffff  }
0x2f4: {  	v37 =	vadd.s32 $0x3, v7;
	v11 =	vld.idx.msk [tilespmem:v26+s4+$0x0], $0xffff;
	[tilespmem:s0+$0x1D170] =	vst v8  }
0x2f5: {  	v40 =	vadd.s32 $0x4, v1;
	[tilespmem:s0+$0x1C560] =	vst v14;
	v13 =	vld.idx.msk [tilespmem:v58+s4+$0x0], $0xffff  }
0x2f6: {  	v23 =	vadd.s32 $0x6, v2;
	v35 =	vld.idx.msk [tilespmem:v24+s4+$0x0], $0xffff;
	[tilespmem:s0+$0x1C930] =	vst v12  }
0x2f7: {  	v38 =	vadd.s32 $0x3, v3;
	v14 =	vld.idx.msk [tilespmem:v32+s4+$0x0], $0xffff;
	[tilespmem:s0+$0x1C950] =	vst v16  }
0x2f8: {  	v39 =	vadd.s32 $0x4, v0;
	[tilespmem:s0+$0x1CD00] =	vst v36;
	v8 =	vld.idx.msk [tilespmem:v63+s4+$0x0], $0xffff  }
0x2f9: {  	v33 =	vadd.s32 $0x3, v5;
	[tilespmem:s0+$0x1CD10] =	vst v11;
	v9 =	vld.idx.msk [tilespmem:v37+s4+$0x0], $0xffff  }
0x2fa: {  	v34 =	vadd.s32 $0x3, v6;
	v16 =	vld.idx.msk [tilespmem:v40+s4+$0x0], $0xffff;
	[tilespmem:s0+$0x1D570] =	vst v13  }
0x2fb: {  	v45 =	vadd.s32 $0x4, v7;
	[tilespmem:s0+$0x1C960] =	vst v35;
	v15 =	vld.idx.msk [tilespmem:v23+s4+$0x0], $0xffff  }
0x2fc: {  	v2 =	vadd.s32 $0x7, v2;
	[tilespmem:s0+$0x1CD20] =	vst v14;
	v44 =	vld.idx.msk [tilespmem:v38+s4+$0x0], $0xffff  }
0x2fd: {  	v46 =	vadd.s32 $0x4, v3;
	[tilespmem:s0+$0x1C940] =	vst v8;
	v8 =	vld.idx.msk [tilespmem:v39+s4+$0x0], $0xffff  }
0x2fe: {  	v47 =	vadd.s32 $0x5, v0;
	[tilespmem:s0+$0x1CD50] =	vst v9;
	v13 =	vld.idx.msk [tilespmem:v33+s4+$0x0], $0xffff  }
0x2ff: {  	v48 =	vadd.s32 $0x5, v1;
	[tilespmem:s0+$0x1D110] =	vst v16;
	v17 =	vld.idx.msk [tilespmem:v34+s4+$0x0], $0xffff  }
0x300: {  	v41 =	vadd.s32 $0x4, v4;
	v12 =	vld.idx.msk [tilespmem:v45+s4+$0x0], $0xffff;
	[tilespmem:s0+$0x1D970] =	vst v15  }
0x301: {  	v42 =	vadd.s32 $0x4, v5;
	[tilespmem:s0+$0x1CD60] =	vst v44;
	v2 =	vld.idx.msk [tilespmem:v2+s4+$0x0], $0xffff  }
0x302: {  	v43 =	vadd.s32 $0x4, v6;
	v51 =	vld.idx.msk [tilespmem:v46+s4+$0x0], $0xffff;
	[tilespmem:s0+$0x1D100] =	vst v8  }
0x303: {  	v52 =	vadd.s32 $0x5, v7;
	[tilespmem:s0+$0x1CD30] =	vst v13;
	v13 =	vld.idx.msk [tilespmem:v47+s4+$0x0], $0xffff  }
0x304: {  	v53 =	vadd.s32 $0x5, v3;
	[tilespmem:s0+$0x1CD40] =	vst v17;
	v17 =	vld.idx.msk [tilespmem:v48+s4+$0x0], $0xffff  }
0x305: {  	v54 =	vadd.s32 $0x6, v0;
	v15 =	vld.idx.msk [tilespmem:v41+s4+$0x0], $0xffff  }
0x306: {  	v10 =	vld.idx.msk [tilespmem:v42+s4+$0x0], $0xffff;
	[tilespmem:s0+$0x1DD70] =	vst v2;
	v2 =	vadd.s32 $0x5, v4  }
0x307: {  	v49 =	vadd.s32 $0x5, v5;
	[tilespmem:s0+$0x1D150] =	vst v12;
	v18 =	vld.idx.msk [tilespmem:v43+s4+$0x0], $0xffff  }
0x308: {  	v50 =	vadd.s32 $0x5, v6;
	v14 =	vld.idx.msk [tilespmem:v52+s4+$0x0], $0xffff;
	[tilespmem:s0+$0x1D160] =	vst v51  }
0x309: {  	v55 =	vadd.s32 $0x6, v1;
	v59 =	vld.idx.msk [tilespmem:v53+s4+$0x0], $0xffff;
	[tilespmem:s0+$0x1D500] =	vst v13  }
0x30a: {  	v60 =	vadd.s32 $0x6, v7;
	[tilespmem:s0+$0x1D120] =	vst v15;
	v15 =	vld.idx.msk [tilespmem:v54+s4+$0x0], $0xffff  }
0x30b: {  	v61 =	vadd.s32 $0x6, v3;
	[tilespmem:s0+$0x1D130] =	vst v10;
	v2 =	vld.idx.msk [tilespmem:v2+s4+$0x0], $0xffff  }
0x30c: {  	v56 =	vadd.s32 $0x6, v4;
	[tilespmem:s0+$0x1D140] =	vst v18;
	v9 =	vld.idx.msk [tilespmem:v49+s4+$0x0], $0xffff  }
0x30d: {  	v57 =	vadd.s32 $0x6, v5;
	[tilespmem:s0+$0x1D510] =	vst v17;
	v11 =	vld.idx.msk [tilespmem:v50+s4+$0x0], $0xffff  }
0x30e: {  	v58 =	vadd.s32 $0x6, v6;
	v10 =	vld.idx.msk [tilespmem:v55+s4+$0x0], $0xffff;
	[tilespmem:s0+$0x1D550] =	vst v14  }
0x30f: {  	v0 =	vadd.s32 $0x7, v0;
	v14 =	vld.idx.msk [tilespmem:v60+s4+$0x0], $0xffff;
	[tilespmem:s0+$0x1D560] =	vst v59  }
0x310: {  	v1 =	vadd.s32 $0x7, v1;
	v13 =	vld.idx.msk [tilespmem:v61+s4+$0x0], $0xffff;
	[tilespmem:s0+$0x1D520] =	vst v2  }
0x311: {  	v7 =	vadd.s32 $0x7, v7;
	[tilespmem:s0+$0x1D530] =	vst v9;
	v2 =	vld.idx.msk [tilespmem:v56+s4+$0x0], $0xffff  }
0x312: {  	v62 =	vadd.s32 $0x7, v4;
	[tilespmem:s0+$0x1D540] =	vst v11;
	v9 =	vld.idx.msk [tilespmem:v57+s4+$0x0], $0xffff  }
0x313: {  	v63 =	vadd.s32 $0x7, v5;
	[tilespmem:s0+$0x1D900] =	vst v15;
	v8 =	vld.idx.msk [tilespmem:v58+s4+$0x0], $0xffff  }
0x314: {  	v6 =	vadd.s32 $0x7, v6;
	[tilespmem:s0+$0x1D910] =	vst v10;
	v5 =	vld.idx.msk [tilespmem:v0+s4+$0x0], $0xffff  }
0x315: {  	v28 =	vadd.s32 $0x7, v3;
	v4 =	vld.idx.msk [tilespmem:v1+s4+$0x0], $0xffff;
	[tilespmem:s0+$0x1D950] =	vst v14  }
0x316: {  	v3 =	vld.idx.msk [tilespmem:v7+s4+$0x0], $0xffff;
	[tilespmem:s0+$0x1D920] =	vst v2  }
0x317: {  	[tilespmem:s0+$0x1D930] =	vst v9;
	v2 =	vld.idx.msk [tilespmem:v62+s4+$0x0], $0xffff  }
0x318: {  	[tilespmem:s0+$0x1D940] =	vst v8;
	v0 =	vld.idx.msk [tilespmem:v63+s4+$0x0], $0xffff  }
0x319: {  	s6 =	simm.s32 $0x200;
	s5 =	simm.s32 $0x0;
	[tilespmem:s0+$0x1D960] =	vst v13;
	v1 =	vld.idx.msk [tilespmem:v6+s4+$0x0], $0xffff  }
.LBB2_8:
0x31a: {  	s8 =	sshra.s32 s6, $0x2;
	s5 =	sadd.s32 $0x8, s5;
	[tilespmem:s0+$0x1DD00] =	vst v5;
	v5 =	vld.idx.msk [tilespmem:v28+s4+$0x0], $0xffff  }
0x31b: {  	v6 =	vld [tilespmem:s8+$0x12570];
	p0 =	slt.u32 s5, $0x38;
	[tilespmem:s0+$0x1DD10] =	vst v4  }
0x31c: {  	v4 =	vld [tilespmem:s8+$0x12500];
	[tilespmem:s0+$0x1DD20] =	vst v2  }
0x31d: {  	v2 =	vld [tilespmem:s8+$0x12510];
	[tilespmem:s0+$0x1DD30] =	vst v0  }
0x31e: {  	v0 =	vld [tilespmem:s8+$0x12520];
	[tilespmem:s0+$0x1DD40] =	vst v1  }
0x31f: {  	v1 =	vld [tilespmem:s8+$0x12530];
	[tilespmem:s0+$0x1DD50] =	vst v3  }
0x320: {  	v3 =	vld [tilespmem:s8+$0x12540];
	v6 =	vmul.f32 $4.000000000e+00, v6;
	[tilespmem:s0+$0x1DD60] =	vst v5;
	s0 =	smov.u32 s8  }
0x321: {  	v4 =	vmul.f32 $4.000000000e+00, v4;
	v5 =	vld [tilespmem:s0+$0x12550]  }
0x322: {  	v2 =	vmul.f32 $4.000000000e+00, v2;
	v7 =	vld [tilespmem:s0+$0x12560];
	v6 =	vtrunc.f32 v6  }
0x323: {  	v8 =	vld [tilespmem:s0+$0x12900];
	v0 =	vmul.f32 $4.000000000e+00, v0;
	v9 =	vcvt.f32.s32 v6  }
0x324: {  	v4 =	vtrunc.f32 v4;
	v6 =	vld [tilespmem:s0+$0x12910];
	v1 =	vmul.f32 $4.000000000e+00, v1  }
0x325: {  	v2 =	vtrunc.f32 v2;
	v10 =	vld [tilespmem:s0+$0x12920];
	v3 =	vmul.f32 $4.000000000e+00, v3  }
0x326: {  	v0 =	vtrunc.f32 v0;
	v11 =	vld [tilespmem:s0+$0x12930];
	v5 =	vmul.f32 $4.000000000e+00, v5  }
0x327: {  	v1 =	vtrunc.f32 v1;
	v12 =	vld [tilespmem:s0+$0x12940];
	v7 =	vmul.f32 $4.000000000e+00, v7  }
0x328: {  	v3 =	vtrunc.f32 v3;
	v13 =	vadd.f32 v8, v8;
	v14 =	vld [tilespmem:s0+$0x12950];
	v5 =	vtrunc.f32 v5  }
0x329: {  	v4 =	vcvt.f32.s32 v4;
	v15 =	vadd.f32 v6, v6;
	v6 =	vtrunc.f32 v7;
	v7 =	vld.idx.msk [tilespmem:v9+s4+$0x0], $0xffff  }
0x32a: {  	v2 =	vcvt.f32.s32 v2;
	v0 =	vcvt.f32.s32 v0;
	v10 =	vadd.f32 v10, v10;
	v16 =	vld [tilespmem:s0+$0x12960]  }
0x32b: {  	v1 =	vcvt.f32.s32 v1;
	v18 =	vcvt.f32.s32 v3;
	v3 =	vadd.s32 $0x1, v9;
	v17 =	vld [tilespmem:s0+$0x12D00]  }
0x32c: {  	v19 =	vadd.s32 $0x1, v4;
	v21 =	vcvt.f32.s32 v5;
	v22 =	vcvt.f32.s32 v6;
	v20 =	vld [tilespmem:s0+$0x12D10]  }
0x32d: {  	v23 =	vadd.s32 $0x1, v2;
	v25 =	vadd.s32 $0x1, v0;
	v26 =	vadd.s32 $0x1, v1;
	v24 =	vld [tilespmem:s0+$0x12D20]  }
0x32e: {  	v28 =	vadd.s32 $0x1, v18;
	v30 =	vadd.s32 $0x1, v21;
	v31 =	vadd.s32 $0x1, v22;
	v27 =	vld [tilespmem:s0+$0x12D30]  }
0x32f: {  	v35 =	vadd.s32 $0x2, v4;
	v36 =	vadd.s32 $0x2, v2;
	v40 =	vadd.s32 $0x2, v0;
	v32 =	vld.idx.msk [tilespmem:v4+s4+$0x0], $0xffff;
	[tilespmem:s0+$0x1A970] =	vst v7  }
0x330: {  	v41 =	vadd.s32 $0x2, v1;
	v8 =	vadd.s32 $0x2, v18;
	v6 =	vadd.s32 $0x2, v21;
	v33 =	vld.idx.msk [tilespmem:v3+s4+$0x0], $0xffff  }
0x331: {  	v5 =	vadd.s32 $0x3, v4;
	v4 =	vadd.s32 $0x3, v2;
	v7 =	vadd.s32 $0x2, v22;
	v34 =	vld.idx.msk [tilespmem:v2+s4+$0x0], $0xffff  }
0x332: {  	v38 =	vadd.s32 $0x2, v9;
	v3 =	vadd.s32 $0x3, v0;
	v2 =	vadd.s32 $0x3, v1;
	v37 =	vld.idx.msk [tilespmem:v0+s4+$0x0], $0xffff  }
0x333: {  	v29 =	vadd.s32 $0x3, v22;
	v0 =	vadd.s32 $0x3, v21;
	v39 =	vld.idx.msk [tilespmem:v1+s4+$0x0], $0xffff;
	v1 =	vadd.s32 $0x3, v18  }
0x334: {  	v11 =	vadd.f32 v11, v11;
	v12 =	vadd.f32 v12, v12;
	v17 =	vmul.f32 $8.000000000e+00, v17;
	v18 =	vld.idx.msk [tilespmem:v18+s4+$0x0], $0xffff  }
0x335: {  	v14 =	vadd.f32 v14, v14;
	v16 =	vadd.f32 v16, v16;
	v20 =	vmul.f32 $8.000000000e+00, v20;
	[tilespmem:s0+$0x1A900] =	vst v32;
	v32 =	vld [tilespmem:s0+$0x12970]  }
0x336: {  	v13 =	vadd.f32 $2.800000000e+01, v13;
	v15 =	vadd.f32 $2.800000000e+01, v15;
	v24 =	vmul.f32 $8.000000000e+00, v24;
	v21 =	vld.idx.msk [tilespmem:v21+s4+$0x0], $0xffff;
	[tilespmem:s0+$0x1AD70] =	vst v33  }
0x337: {  	v10 =	vadd.f32 $2.800000000e+01, v10;
	v11 =	vadd.f32 $2.800000000e+01, v11;
	v27 =	vmul.f32 $8.000000000e+00, v27;
	[tilespmem:s0+$0x1A910] =	vst v34;
	v33 =	vld.idx.msk [tilespmem:v38+s4+$0x0], $0xffff  }
0x338: {  	v13 =	vtrunc.f32 v13;
	v12 =	vadd.f32 $2.800000000e+01, v12;
	v14 =	vadd.f32 $2.800000000e+01, v14;
	[tilespmem:s0+$0x1A920] =	vst v37;
	v22 =	vld.idx.msk [tilespmem:v22+s4+$0x0], $0xffff  }
0x339: {  	v9 =	vadd.s32 $0x3, v9;
	v15 =	vtrunc.f32 v15;
	v16 =	vadd.f32 $2.800000000e+01, v16;
	v19 =	vld.idx.msk [tilespmem:v19+s4+$0x0], $0xffff;
	[tilespmem:s0+$0x1A930] =	vst v39  }
0x33a: {  	v10 =	vtrunc.f32 v10;
	v11 =	vtrunc.f32 v11;
	v23 =	vld.idx.msk [tilespmem:v23+s4+$0x0], $0xffff;
	[tilespmem:s0+$0x1A940] =	vst v18;
	v18 =	vadd.f32 v32, v32  }
0x33b: {  	v12 =	vtrunc.f32 v12;
	v14 =	vtrunc.f32 v14;
	v17 =	vadd.f32 $3.200000000e+01, v17;
	v25 =	vld.idx.msk [tilespmem:v25+s4+$0x0], $0xffff  }
0x33c: {  	v42 =	vcvt.f32.s32 v13;
	v16 =	vtrunc.f32 v16;
	v13 =	vld.idx.msk [tilespmem:v26+s4+$0x0], $0xffff;
	[tilespmem:s0+$0x1A950] =	vst v21;
	v18 =	vadd.f32 $2.800000000e+01, v18  }
0x33d: {  	v43 =	vcvt.f32.s32 v15;
	v44 =	vcvt.f32.s32 v10;
	v15 =	vadd.f32 $3.200000000e+01, v20;
	v10 =	vld.idx.msk [tilespmem:v28+s4+$0x0], $0xffff;
	[tilespmem:s0+$0x1B170] =	vst v33  }
0x33e: {  	v45 =	vcvt.f32.s32 v11;
	v33 =	vadd.s32 $0x1, v42;
	[tilespmem:s0+$0x1A960] =	vst v22;
	v11 =	vtrunc.f32 v18;
	v9 =	vld.idx.msk [tilespmem:v9+s4+$0x0], $0xffff  }
0x33f: {  	v46 =	vcvt.f32.s32 v12;
	v34 =	vadd.s32 $0x1, v43;
	[tilespmem:s0+$0x1AD00] =	vst v19;
	v12 =	vld.idx.msk [tilespmem:v30+s4+$0x0], $0xffff;
	v11 =	vcvt.f32.s32 v11  }
0x340: {  	v47 =	vcvt.f32.s32 v14;
	v48 =	vcvt.f32.s32 v16;
	v38 =	vadd.s32 $0x1, v44;
	[tilespmem:s0+$0x1AD10] =	vst v23;
	v14 =	vld.idx.msk [tilespmem:v31+s4+$0x0], $0xffff  }
0x341: {  	v37 =	vadd.s32 $0x1, v46;
	v39 =	vadd.s32 $0x1, v45;
	v18 =	vadd.f32 $3.200000000e+01, v24;
	v16 =	vld.idx.msk [tilespmem:v35+s4+$0x0], $0xffff;
	[tilespmem:s0+$0x1AD20] =	vst v25  }
0x342: {  	v20 =	vadd.f32 $3.200000000e+01, v27;
	v32 =	vadd.s32 $0x1, v48;
	v35 =	vadd.s32 $0x1, v47;
	v19 =	vld.idx.msk [tilespmem:v36+s4+$0x0], $0xffff;
	[tilespmem:s0+$0x1AD30] =	vst v13  }
0x343: {  	v15 =	vtrunc.f32 v15;
	v13 =	vtrunc.f32 v17;
	[tilespmem:s0+$0x1AD40] =	vst v10;
	v10 =	vld [tilespmem:s0+$0x12D70]  }
0x344: {  	v20 =	vtrunc.f32 v20;
	v17 =	vtrunc.f32 v18;
	v18 =	vld.idx.msk [tilespmem:v40+s4+$0x0], $0xffff;
	[tilespmem:s0+$0x1B570] =	vst v9  }
0x345: {  	v36 =	vcvt.f32.s32 v15;
	v40 =	vcvt.f32.s32 v13;
	[tilespmem:s0+$0x1AD50] =	vst v12;
	v9 =	vld.idx.msk [tilespmem:v11+s4+$0x0], $0xffff  }
0x346: {  	v30 =	vcvt.f32.s32 v20;
	v31 =	vcvt.f32.s32 v17;
	v13 =	vld.idx.msk [tilespmem:v41+s4+$0x0], $0xffff;
	[tilespmem:s0+$0x1AD60] =	vst v14  }
0x347: {  	v26 =	vadd.s32 $0x1, v36;
	v11 =	vadd.s32 $0x1, v11;
	v28 =	vadd.s32 $0x1, v40;
	[tilespmem:s0+$0x1B100] =	vst v16;
	v8 =	vld.idx.msk [tilespmem:v8+s4+$0x0], $0xffff  }
0x348: {  	v25 =	vadd.s32 $0x1, v30;
	v27 =	vadd.s32 $0x1, v31;
	[tilespmem:s0+$0x1B110] =	vst v19;
	v6 =	vld.idx.msk [tilespmem:v6+s4+$0x0], $0xffff;
	v10 =	vmul.f32 $8.000000000e+00, v10  }
0x349: {  	v21 =	vadd.s32 $0x2, v36;
	v20 =	vadd.s32 $0x2, v31;
	v23 =	vadd.s32 $0x2, v40;
	v7 =	vld.idx.msk [tilespmem:v7+s4+$0x0], $0xffff  }
0x34a: {  	v22 =	vadd.s32 $0x2, v30;
	v17 =	vadd.s32 $0x3, v40;
	v41 =	vld.idx.msk [tilespmem:v5+s4+$0x0], $0xffff;
	[tilespmem:s0+$0x1B120] =	vst v18;
	v5 =	vadd.f32 $3.200000000e+01, v10  }
0x34b: {  	v16 =	vadd.s32 $0x3, v30;
	v19 =	vadd.s32 $0x3, v36;
	v18 =	vadd.s32 $0x3, v31;
	v49 =	vld.idx.msk [tilespmem:v4+s4+$0x0], $0xffff;
	[tilespmem:s0+$0x1B970] =	vst v9  }
0x34c: {  	v12 =	vadd.s32 $0x4, v36;
	v14 =	vadd.s32 $0x4, v40;
	[tilespmem:s0+$0x1B130] =	vst v13;
	v4 =	vtrunc.f32 v5;
	v50 =	vld.idx.msk [tilespmem:v11+s4+$0x0], $0xffff  }
0x34d: {  	v15 =	vadd.s32 $0x4, v31;
	v13 =	vadd.s32 $0x4, v30;
	v51 =	vld.idx.msk [tilespmem:v3+s4+$0x0], $0xffff;
	[tilespmem:s0+$0x1B140] =	vst v8;
	v24 =	vcvt.f32.s32 v4  }
0x34e: {  	v9 =	vadd.s32 $0x5, v36;
	v11 =	vadd.s32 $0x5, v40;
	v8 =	vadd.s32 $0x5, v31;
	v52 =	vld.idx.msk [tilespmem:v2+s4+$0x0], $0xffff;
	[tilespmem:s0+$0x1B150] =	vst v6  }
0x34f: {  	v10 =	vadd.s32 $0x5, v30;
	v5 =	vadd.s32 $0x6, v40;
	v4 =	vadd.s32 $0x6, v36;
	v53 =	vld.idx.msk [tilespmem:v1+s4+$0x0], $0xffff;
	[tilespmem:s0+$0x1B160] =	vst v7  }
0x350: {  	v6 =	vadd.s32 $0x6, v30;
	v1 =	vadd.s32 $0x7, v40;
	v7 =	vadd.s32 $0x6, v31;
	[tilespmem:s0+$0x1B500] =	vst v41;
	v41 =	vld.idx.msk [tilespmem:v0+s4+$0x0], $0xffff  }
0x351: {  	v3 =	vadd.s32 $0x7, v36;
	v2 =	vadd.s32 $0x7, v31;
	v0 =	vadd.s32 $0x7, v30;
	[tilespmem:s0+$0x1B510] =	vst v49;
	v29 =	vld.idx.msk [tilespmem:v29+s4+$0x0], $0xffff  }
0x352: {  	v42 =	vld.idx.msk [tilespmem:v42+s4+$0x0], $0xffff;
	[tilespmem:s0+$0x1BD70] =	vst v50  }
0x353: {  	[tilespmem:s0+$0x1B520] =	vst v51;
	v49 =	vld.idx.msk [tilespmem:v24+s4+$0x0], $0xffff  }
0x354: {  	v43 =	vld.idx.msk [tilespmem:v43+s4+$0x0], $0xffff;
	[tilespmem:s0+$0x1B530] =	vst v52  }
0x355: {  	v50 =	vadd.s32 $0x1, v24;
	v44 =	vld.idx.msk [tilespmem:v44+s4+$0x0], $0xffff;
	[tilespmem:s0+$0x1B540] =	vst v53  }
0x356: {  	v45 =	vld.idx.msk [tilespmem:v45+s4+$0x0], $0xffff;
	[tilespmem:s0+$0x1B550] =	vst v41  }
0x357: {  	v41 =	vld.idx.msk [tilespmem:v46+s4+$0x0], $0xffff;
	[tilespmem:s0+$0x1B560] =	vst v29  }
0x358: {  	[tilespmem:s0+$0x1B900] =	vst v42;
	v29 =	vld.idx.msk [tilespmem:v47+s4+$0x0], $0xffff  }
0x359: {  	v42 =	vld.idx.msk [tilespmem:v48+s4+$0x0], $0xffff;
	[tilespmem:s0+$0x1C170] =	vst v49  }
0x35a: {  	[tilespmem:s0+$0x1B910] =	vst v43;
	v43 =	vld.idx.msk [tilespmem:v50+s4+$0x0], $0xffff  }
0x35b: {  	[tilespmem:s0+$0x1B920] =	vst v44;
	v44 =	vld [tilespmem:s0+$0x12D40]  }
0x35c: {  	v46 =	vadd.s32 $0x2, v24;
	[tilespmem:s0+$0x1B930] =	vst v45;
	v45 =	vld [tilespmem:s0+$0x12D50]  }
0x35d: {  	[tilespmem:s0+$0x1B940] =	vst v41;
	v41 =	vld [tilespmem:s0+$0x12D60]  }
0x35e: {  	v33 =	vld.idx.msk [tilespmem:v33+s4+$0x0], $0xffff;
	[tilespmem:s0+$0x1B950] =	vst v29  }
0x35f: {  	v29 =	vld.idx.msk [tilespmem:v34+s4+$0x0], $0xffff;
	[tilespmem:s0+$0x1B960] =	vst v42  }
0x360: {  	v34 =	vld.idx.msk [tilespmem:v38+s4+$0x0], $0xffff;
	v38 =	vmul.f32 $8.000000000e+00, v44;
	[tilespmem:s0+$0x1C570] =	vst v43  }
0x361: {  	v42 =	vmul.f32 $8.000000000e+00, v45;
	v43 =	vld.idx.msk [tilespmem:v46+s4+$0x0], $0xffff  }
0x362: {  	v39 =	vld.idx.msk [tilespmem:v39+s4+$0x0], $0xffff;
	v38 =	vadd.f32 $3.200000000e+01, v38;
	v41 =	vmul.f32 $8.000000000e+00, v41  }
0x363: {  	v44 =	vadd.s32 $0x3, v24;
	v37 =	vld.idx.msk [tilespmem:v37+s4+$0x0], $0xffff;
	v42 =	vadd.f32 $3.200000000e+01, v42  }
0x364: {  	[tilespmem:s0+$0x1BD00] =	vst v33;
	v33 =	vtrunc.f32 v38;
	v35 =	vld.idx.msk [tilespmem:v35+s4+$0x0], $0xffff;
	v38 =	vadd.f32 $3.200000000e+01, v41  }
0x365: {  	[tilespmem:s0+$0x1BD10] =	vst v29;
	v29 =	vcvt.f32.s32 v33;
	v33 =	vtrunc.f32 v42;
	v32 =	vld.idx.msk [tilespmem:v32+s4+$0x0], $0xffff  }
0x366: {  	v40 =	vld.idx.msk [tilespmem:v40+s4+$0x0], $0xffff;
	[tilespmem:s0+$0x1BD20] =	vst v34;
	v41 =	vcvt.f32.s32 v33;
	v33 =	vtrunc.f32 v38  }
0x367: {  	v36 =	vld.idx.msk [tilespmem:v36+s4+$0x0], $0xffff;
	v38 =	vadd.s32 $0x1, v29;
	v42 =	vadd.s32 $0x2, v29;
	v45 =	vcvt.f32.s32 v33;
	[tilespmem:s0+$0x1C970] =	vst v43  }
0x368: {  	[tilespmem:s0+$0x1BD30] =	vst v39;
	v39 =	vadd.s32 $0x3, v29;
	v43 =	vadd.s32 $0x1, v41;
	v46 =	vadd.s32 $0x2, v41;
	v44 =	vld.idx.msk [tilespmem:v44+s4+$0x0], $0xffff  }
0x369: {  	v47 =	vld.idx.msk [tilespmem:v31+s4+$0x0], $0xffff;
	[tilespmem:s0+$0x1BD40] =	vst v37;
	v37 =	vadd.s32 $0x3, v41;
	v48 =	vadd.s32 $0x1, v45;
	v49 =	vadd.s32 $0x2, v45  }
0x36a: {  	v52 =	vadd.s32 $0x4, v24;
	v51 =	vadd.s32 $0x4, v29;
	v50 =	vld.idx.msk [tilespmem:v30+s4+$0x0], $0xffff;
	[tilespmem:s0+$0x1BD50] =	vst v35;
	v35 =	vadd.s32 $0x3, v45  }
0x36b: {  	v34 =	vadd.s32 $0x5, v29;
	v54 =	vadd.s32 $0x4, v41;
	v55 =	vadd.s32 $0x4, v45;
	v53 =	vld.idx.msk [tilespmem:v29+s4+$0x0], $0xffff;
	[tilespmem:s0+$0x1BD60] =	vst v32  }
0x36c: {  	v56 =	vadd.s32 $0x5, v41;
	v31 =	vadd.s32 $0x6, v29;
	v57 =	vadd.s32 $0x5, v45;
	[tilespmem:s0+$0x1C100] =	vst v40;
	v40 =	vld.idx.msk [tilespmem:v41+s4+$0x0], $0xffff  }
0x36d: {  	v33 =	vadd.s32 $0x6, v41;
	v29 =	vadd.s32 $0x7, v29;
	v32 =	vadd.s32 $0x6, v45;
	[tilespmem:s0+$0x1C110] =	vst v36;
	v36 =	vld.idx.msk [tilespmem:v45+s4+$0x0], $0xffff  }
0x36e: {  	v30 =	vadd.s32 $0x7, v41;
	v58 =	vld.idx.msk [tilespmem:v28+s4+$0x0], $0xffff;
	v28 =	vadd.s32 $0x7, v45;
	[tilespmem:s0+$0x1CD70] =	vst v44  }
0x36f: {  	[tilespmem:s0+$0x1C120] =	vst v47;
	v41 =	vld.idx.msk [tilespmem:v52+s4+$0x0], $0xffff  }
0x370: {  	v26 =	vld.idx.msk [tilespmem:v26+s4+$0x0], $0xffff;
	[tilespmem:s0+$0x1C130] =	vst v50  }
0x371: {  	v44 =	vadd.s32 $0x5, v24;
	v27 =	vld.idx.msk [tilespmem:v27+s4+$0x0], $0xffff;
	[tilespmem:s0+$0x1C140] =	vst v53  }
0x372: {  	v25 =	vld.idx.msk [tilespmem:v25+s4+$0x0], $0xffff;
	[tilespmem:s0+$0x1C150] =	vst v40  }
0x373: {  	v38 =	vld.idx.msk [tilespmem:v38+s4+$0x0], $0xffff;
	[tilespmem:s0+$0x1C160] =	vst v36  }
0x374: {  	[tilespmem:s0+$0x1C500] =	vst v58;
	v36 =	vld.idx.msk [tilespmem:v43+s4+$0x0], $0xffff  }
0x375: {  	v40 =	vld.idx.msk [tilespmem:v48+s4+$0x0], $0xffff;
	[tilespmem:s0+$0x1D170] =	vst v41  }
0x376: {  	[tilespmem:s0+$0x1C510] =	vst v26;
	v26 =	vld.idx.msk [tilespmem:v44+s4+$0x0], $0xffff  }
0x377: {  	v23 =	vld.idx.msk [tilespmem:v23+s4+$0x0], $0xffff;
	[tilespmem:s0+$0x1C520] =	vst v27  }
0x378: {  	v21 =	vld.idx.msk [tilespmem:v21+s4+$0x0], $0xffff;
	[tilespmem:s0+$0x1C530] =	vst v25;
	v25 =	vadd.s32 $0x6, v24  }
0x379: {  	v20 =	vld.idx.msk [tilespmem:v20+s4+$0x0], $0xffff;
	[tilespmem:s0+$0x1C540] =	vst v38  }
0x37a: {  	v22 =	vld.idx.msk [tilespmem:v22+s4+$0x0], $0xffff;
	[tilespmem:s0+$0x1C550] =	vst v36  }
0x37b: {  	v27 =	vld.idx.msk [tilespmem:v42+s4+$0x0], $0xffff;
	[tilespmem:s0+$0x1C560] =	vst v40  }
0x37c: {  	v36 =	vld.idx.msk [tilespmem:v46+s4+$0x0], $0xffff;
	[tilespmem:s0+$0x1D570] =	vst v26  }
0x37d: {  	[tilespmem:s0+$0x1C900] =	vst v23;
	v23 =	vld.idx.msk [tilespmem:v25+s4+$0x0], $0xffff  }
0x37e: {  	[tilespmem:s0+$0x1C910] =	vst v21;
	v21 =	vld.idx.msk [tilespmem:v49+s4+$0x0], $0xffff  }
0x37f: {  	v17 =	vld.idx.msk [tilespmem:v17+s4+$0x0], $0xffff;
	[tilespmem:s0+$0x1C920] =	vst v20;
	v20 =	vadd.s32 $0x7, v24  }
0x380: {  	v19 =	vld.idx.msk [tilespmem:v19+s4+$0x0], $0xffff;
	[tilespmem:s0+$0x1C930] =	vst v22  }
0x381: {  	v18 =	vld.idx.msk [tilespmem:v18+s4+$0x0], $0xffff;
	[tilespmem:s0+$0x1C940] =	vst v27  }
0x382: {  	v16 =	vld.idx.msk [tilespmem:v16+s4+$0x0], $0xffff;
	[tilespmem:s0+$0x1C950] =	vst v36  }
0x383: {  	v22 =	vld.idx.msk [tilespmem:v39+s4+$0x0], $0xffff;
	[tilespmem:s0+$0x1D970] =	vst v23  }
0x384: {  	[tilespmem:s0+$0x1C960] =	vst v21;
	v20 =	vld.idx.msk [tilespmem:v20+s4+$0x0], $0xffff  }
0x385: {  	[tilespmem:s0+$0x1CD00] =	vst v17;
	v17 =	vld.idx.msk [tilespmem:v37+s4+$0x0], $0xffff  }
0x386: {  	[tilespmem:s0+$0x1CD10] =	vst v19;
	v19 =	vld.idx.msk [tilespmem:v35+s4+$0x0], $0xffff  }
0x387: {  	v14 =	vld.idx.msk [tilespmem:v14+s4+$0x0], $0xffff;
	[tilespmem:s0+$0x1CD20] =	vst v18  }
0x388: {  	v12 =	vld.idx.msk [tilespmem:v12+s4+$0x0], $0xffff;
	[tilespmem:s0+$0x1CD30] =	vst v16  }
0x389: {  	v15 =	vld.idx.msk [tilespmem:v15+s4+$0x0], $0xffff;
	[tilespmem:s0+$0x1CD40] =	vst v22  }
0x38a: {  	v13 =	vld.idx.msk [tilespmem:v13+s4+$0x0], $0xffff;
	[tilespmem:s0+$0x1DD70] =	vst v20  }
0x38b: {  	v16 =	vld.idx.msk [tilespmem:v51+s4+$0x0], $0xffff;
	[tilespmem:s0+$0x1CD50] =	vst v17  }
0x38c: {  	v17 =	vld.idx.msk [tilespmem:v54+s4+$0x0], $0xffff;
	[tilespmem:s0+$0x1CD60] =	vst v19  }
0x38d: {  	[tilespmem:s0+$0x1D100] =	vst v14;
	v14 =	vld.idx.msk [tilespmem:v55+s4+$0x0], $0xffff  }
0x38e: {  	v11 =	vld.idx.msk [tilespmem:v11+s4+$0x0], $0xffff;
	[tilespmem:s0+$0x1D110] =	vst v12  }
0x38f: {  	v9 =	vld.idx.msk [tilespmem:v9+s4+$0x0], $0xffff;
	[tilespmem:s0+$0x1D120] =	vst v15  }
0x390: {  	v8 =	vld.idx.msk [tilespmem:v8+s4+$0x0], $0xffff;
	[tilespmem:s0+$0x1D130] =	vst v13  }
0x391: {  	v10 =	vld.idx.msk [tilespmem:v10+s4+$0x0], $0xffff;
	[tilespmem:s0+$0x1D140] =	vst v16  }
0x392: {  	v12 =	vld.idx.msk [tilespmem:v34+s4+$0x0], $0xffff;
	[tilespmem:s0+$0x1D150] =	vst v17  }
0x393: {  	v13 =	vld.idx.msk [tilespmem:v56+s4+$0x0], $0xffff;
	[tilespmem:s0+$0x1D160] =	vst v14  }
0x394: {  	[tilespmem:s0+$0x1D500] =	vst v11;
	v11 =	vld.idx.msk [tilespmem:v57+s4+$0x0], $0xffff  }
0x395: {  	v5 =	vld.idx.msk [tilespmem:v5+s4+$0x0], $0xffff;
	[tilespmem:s0+$0x1D510] =	vst v9  }
0x396: {  	v4 =	vld.idx.msk [tilespmem:v4+s4+$0x0], $0xffff;
	[tilespmem:s0+$0x1D520] =	vst v8  }
0x397: {  	v7 =	vld.idx.msk [tilespmem:v7+s4+$0x0], $0xffff;
	[tilespmem:s0+$0x1D530] =	vst v10  }
0x398: {  	v6 =	vld.idx.msk [tilespmem:v6+s4+$0x0], $0xffff;
	[tilespmem:s0+$0x1D540] =	vst v12  }
0x399: {  	v8 =	vld.idx.msk [tilespmem:v31+s4+$0x0], $0xffff;
	[tilespmem:s0+$0x1D550] =	vst v13  }
0x39a: {  	v9 =	vld.idx.msk [tilespmem:v33+s4+$0x0], $0xffff;
	[tilespmem:s0+$0x1D560] =	vst v11  }
0x39b: {  	[tilespmem:s0+$0x1D900] =	vst v5;
	v10 =	vld.idx.msk [tilespmem:v32+s4+$0x0], $0xffff  }
0x39c: {  	v5 =	vld.idx.msk [tilespmem:v1+s4+$0x0], $0xffff;
	[tilespmem:s0+$0x1D910] =	vst v4  }
.Ltmp5:
0x39d: {  	v4 =	vld.idx.msk [tilespmem:v3+s4+$0x0], $0xffff;
	[tilespmem:s0+$0x1D920] =	vst v7;
	(pc) =	sbr.rel @p0 .LBB2_8-.Ltmp5, $4  }
0x39e: {  	v2 =	vld.idx.msk [tilespmem:v2+s4+$0x0], $0xffff;
	[tilespmem:s0+$0x1D930] =	vst v6  }
0x39f: {  	v0 =	vld.idx.msk [tilespmem:v0+s4+$0x0], $0xffff;
	[tilespmem:s0+$0x1D940] =	vst v8  }
0x3a0: {  	v1 =	vld.idx.msk [tilespmem:v29+s4+$0x0], $0xffff;
	[tilespmem:s0+$0x1D950] =	vst v9  }
0x3a1: {  	s6 =	sadd.s32 $0x200, s6;
	v3 =	vld.idx.msk [tilespmem:v30+s4+$0x0], $0xffff;
	[tilespmem:s0+$0x1D960] =	vst v10  }
0x3a2: {  	_ =	sdelay $0x2  }
0x3a3: {  	[tilespmem:s0+$0x1DD00] =	vst v5;
	s5 =	sshrl.u32 s2, $0x3  }
0x3a4: {  	v63 =	vld.idx.msk [tilespmem:v28+s4+$0x0], $0xffff;
	[tilespmem:s0+$0x1DD10] =	vst v4;
	s8 =	sshll.u32 s2, $0xA;
	s5 =	sadd.s32 s7, s5  }
0x3a5: {  	[tilespmem:s0+$0x1DD20] =	vst v2;
	s2 =	sand.u32 $0x1C00, s8;
	s5 =	sshll.u32 s5, $0xD  }
0x3a6: {  	[tilespmem:s0+$0x1DD30] =	vst v0;
	s2 =	sor.u32 s2, s5  }
0x3a7: {  	[tilespmem:s0+$0x1DD40] =	vst v1;
	s2 =	sshrl.u32 s2, $0x3  }
0x3a8: {  	[tilespmem:s0+$0x1DD50] =	vst v3;
	s2 =	sadd.s32 s3, s2  }
0x3a9: {  	[tilespmem:s0+$0x1DD60] =	vst v63;
	s9 =	sadd.s32 $0x280000, s2  }
0x3aa: {  	[hbm4b:s9+s10] =	stream.strided.scatter [tilespmem:s24], [sflag:$0x6], $0x3800, s11, s10, $0x38;
	[tilespmem:$0x1E100] =	vst v63  }
0x3ab: {  	_ = 	snop  }
0x3ac: {  	[hbm4b:s2+s10] =	stream.strided.scatter [tilespmem:s25], [sflag:$0x6], $0x4800, s11, s10, $0x38;
	[tilespmem:$0x1E100] =	vst v63  }
.Ltmp6:
0x3ad: {  	_ = 	snop;
	(pc) =	sbr.rel .LBB2_2-.Ltmp6, $4  }
0x3ae: {  	s29 =	sadd.s32 $0x240000, s2  }
0x3af: {  	[hbm4b:s29+s10] =	stream.strided.scatter [tilespmem:s26], [sflag:$0x6], $0x800, s11, s10, $0x38;
	[tilespmem:$0x1E100] =	vst v63  }
0x3b0: {  	s30 =	sadd.s32 $0x1, s30;
	s31 =	sadd.s32 $0x440000, s2  }
0x3b1: {  	[hbm4b:s31+s10] =	stream.strided.scatter [tilespmem:s28], [sflag:$0x6], $0x800, s11, s10, $0x38;
	[tilespmem:$0x1E100] =	vst v63  }
.LBB2_11:
0x3b2: {  	_ =	sfence.sel $0x180000  }
0x3b3: {  	[bflag:$0x0] =	sbarrier.arrive $0xFFFF  }
0x3b4: {  	_ =	strace $0x90000047  }
0x3b5: {  	s0 =	stileid.u32;
	[bflag:$0x2] =	sbarrier.arrive $0xFFFF  }
0x3b6: {  	p0 =	sne.s32 s0, $0x0;
	s0 =	rddreg [dreg:$0x3]  }
0x3b7: {  	s0 =	sadd.s32 @!p0 $0x100000, s0  }
0x3b8: {  	[sflag:s0] =	ssyncadd.tile.s32 @!p0 $0x1;
	_ =	shalt  }
.Lfunc_end2:
_tile_overlayer_lowered:
.L_overlay_start_2:
0x3b9: {  	(tag) =	ssettag $0x2  }
0x3ba: {  	s0 =	rddreg [dreg:$0x0];
	s2 =	stileid.u32  }
0x3bb: {  	s1 =	rddreg [dreg:$0x1];
	p0 =	sne.s32 s2, $0x0  }
0x3bc: {  	s3 =	rddreg [dreg:$0x2];
	[bflag:$0x3] =	sbarrier.arrive $0xFFFF;
	s2 =	simm.s32 @!p0 $0x1C07  }
0x3bd: {  	[timem:s3], [sflag:s2] =	dma.local @!p0 [hbm:s0], s1  }
0x3be: {  	s0 =	simm.s32 @!p0 $0x7  }
0x3bf: {  	_ =	swait.ge @!p0 [sflag:s0], s1  }
0x3c0: {  	s1 =	ssub.s32 @!p0 $0x0, s1;
	[sflag:s0] =	ssyncset.done @!p0 $0x0  }
0x3c1: {  	[sflag:s0] =	ssyncadd.s32 @!p0 s1  }
0x3c2: {  	[bflag:$0x3] =	sbarrier.arrive $0xFFFF  }
0x3c3: {  	_ =	shalt  }

</sc_bundles>
